<compile_context>
chip_gen: v7x
topology: tpu7x:2x2x1
jax: 0.10.2.dev20260603
libtpu: 0.0.44.dev20260713+nightly
codegen_flags: <defaults>
</compile_context>

<pallas_src>
import functools

import jax
import jax.numpy as jnp
import numpy as np
from jax import lax
from jax.experimental import pallas as pl
from jax.experimental.pallas import tpu as pltpu
from jax.experimental.pallas import tpu_sc as plsc

N_ALPHA = 16
N_DEPTH = 12
ALPHA_MIN = -1.5707963267948966
ALPHA_RANGE = 3.141592653589793 + 1e-8
LD_MIN = -3.0
LD_RANGE = 8.0 + 1e-8
MAX_DELTA = 0.5

NUM_WORKERS = 32
LANES = 16

_ASIN_C = (
    1.570787800976358,
    -0.2141239403279347,
    0.08466461022358122,
    -0.035754589337180405,
    0.008648205906633571,
)


def _vsqrt(u):
    i = plsc.bitcast(u, jnp.int32)
    i = jnp.int32(0x5F3759DF) - lax.shift_right_logical(i, 1)
    r = plsc.bitcast(i, jnp.float32)
    half_u = 0.5 * u
    for _ in range(2):
        r = r * (1.5 - half_u * r * r)
    return u * r


def _alpha_grid_coord(y):
    k = (N_ALPHA - 1) / ALPHA_RANGE
    t = jnp.abs(y)
    u = jnp.maximum(1.0 - t, 1e-14)
    sq = _vsqrt(u)
    p = jnp.full_like(t, _ASIN_C[4])
    for c in (_ASIN_C[3], _ASIN_C[2], _ASIN_C[1], _ASIN_C[0]):
        p = p * t + c
    q = (sq * p) * k
    q = jnp.where(t >= 1.0, 0.0, q)
    return jnp.where(y < 0.0, q, float(N_ALPHA - 1) - q)


_BSPLINE_M = np.array(
    [[1 / 6, 4 / 6, 1 / 6, 0.0],
     [-1 / 2, 0.0, 1 / 2, 0.0],
     [1 / 2, -1.0, 1 / 2, 0.0],
     [-1 / 6, 1 / 2, -1 / 2, 1 / 6]], dtype=np.float64)

_W_FLAT = np.einsum(
    "pi,qj->ijpq", _BSPLINE_M, _BSPLINE_M).reshape(-1).astype(np.float32)

N_WIN = (N_ALPHA - 3) * (N_DEPTH - 3)
TROW = 17
TLEN_C = ((N_WIN * TROW + 15) // 16) * 16
T2ROW = TLEN_C + 8
T2LEN = 7 * T2ROW + TLEN_C


def _make_sc_call(n, chunk):
    rays_per_tile = n // NUM_WORKERS
    chunks_per_tile = rays_per_tile // chunk
    assert chunks_per_tile % 2 == 0
    n_pairs = chunks_per_tile // 2
    groups_per_chunk = chunk // LANES
    mesh = plsc.VectorSubcoreMesh(core_axis_name="c", subcore_axis_name="s")

    @functools.partial(
        pl.kernel,
        mesh=mesh,
        compiler_params=pltpu.CompilerParams(needs_layout_passes=False),
        out_type=jax.ShapeDtypeStruct((n,), jnp.float32),
        scratch_types=[
            pltpu.VMEM((N_ALPHA * N_DEPTH,), jnp.float32),
            pltpu.VMEM((256,), jnp.float32),
            pltpu.VMEM((TLEN_C,), jnp.float32),
            pltpu.VMEM((T2LEN,), jnp.float32),
            pltpu.VMEM((2 * chunk,), jnp.float32),
            pltpu.VMEM((2 * chunk,), jnp.float32),
            pltpu.VMEM((2 * chunk,), jnp.float32),
            pltpu.SemaphoreType.DMA,
            pltpu.SemaphoreType.DMA,
            pltpu.SemaphoreType.DMA,
            pltpu.SemaphoreType.DMA,
        ],
    )
    def sc_call(y_hbm, ld_hbm, cp_hbm, w_hbm, out_hbm, table_v, w_v, t_v,
                t2_v, y_v, ld_v, out_v, sem_in0, sem_in1, sem_out0, sem_out1):
        wid = lax.axis_index("s") * 2 + lax.axis_index("c")
        base = wid * rays_per_tile
        sem_in = (sem_in0, sem_in1)
        sem_out = (sem_out0, sem_out1)
        pltpu.sync_copy(cp_hbm, table_v)
        pltpu.sync_copy(w_hbm, w_v)
        lane = lax.iota(jnp.int32, LANES)

        def build_win(k, carry):
            a0 = k // (N_DEPTH - 3)
            d0 = k - a0 * (N_DEPTH - 3)
            cb = a0 * N_DEPTH + d0
            coef = jnp.zeros((LANES,), jnp.float32)
            for i in range(4):
                for j in range(4):
                    idx = jnp.broadcast_to(cb + i * N_DEPTH + j, (LANES,))
                    c_b = plsc.load_gather(table_v, [idx])
                    wv = w_v[pl.ds(LANES * (4 * i + j), LANES)]
                    coef = coef + wv * c_b
            plsc.store_scatter(t_v, [lane + k * TROW], coef)
            return carry

        lax.fori_loop(0, N_WIN, build_win, 0)

        def build_rep(g, carry):
            for r in range(8):
                srcr = jnp.minimum(lane + (g * LANES + r), TLEN_C - 1)
                valsr = plsc.load_gather(t_v, [srcr])
                plsc.store_scatter(t2_v, [lane + (g * LANES + r * T2ROW)],
                                   valsr)
            return carry

        lax.fori_loop(0, TLEN_C // LANES, build_rep, 0)

        def in_copies(c, b):
            row0 = base + c * chunk
            return (
                pltpu.make_async_copy(
                    y_hbm.at[pl.ds(row0, chunk)],
                    y_v.at[pl.ds(b * chunk, chunk)], sem_in[b]),
                pltpu.make_async_copy(
                    ld_hbm.at[pl.ds(row0, chunk)],
                    ld_v.at[pl.ds(b * chunk, chunk)], sem_in[b]),
            )

        def out_copy(c, b):
            row0 = base + c * chunk
            return pltpu.make_async_copy(
                out_v.at[pl.ds(b * chunk, chunk)],
                out_hbm.at[pl.ds(row0, chunk)], sem_out[b])

        for b in range(2):
            for cp in in_copies(b, b):
                cp.start()

        def do_pair(i, carry):
            for b in range(2):
                c = 2 * i + b
                for cp in in_copies(c, b):
                    cp.wait()

                @pl.when(i > 0)
                def _wait_prev_scatter():
                    out_copy(c - 2, b).wait()

                boff = b * chunk

                @plsc.parallel_loop(0, groups_per_chunk, unroll=16)
                def do_group(g):
                    off = boff + g * LANES
                    y = y_v[pl.ds(off, LANES)]
                    ld = ld_v[pl.ds(off, LANES)]

                    a_idx = _alpha_grid_coord(y)
                    d_idx = jnp.clip(
                        (ld - LD_MIN) * ((N_DEPTH - 1) / LD_RANGE),
                        0.0, float(N_DEPTH - 1))
                    fa = a_idx.astype(jnp.int32)
                    fd = d_idx.astype(jnp.int32)
                    a_loc = a_idx - fa.astype(jnp.float32)
                    d_loc = d_idx - fd.astype(jnp.float32)
                    a_start = jnp.clip(fa - 1, 0, N_ALPHA - 4)
                    d_start = jnp.clip(fd - 1, 0, N_DEPTH - 4)

                    flat0 = (a_start * (N_DEPTH - 3) + d_start) * TROW
                    cvs = []
                    for p in range(16):
                        sofs = T2ROW * (p & 7) + (p & ~7)
                        cvs.append(plsc.load_gather(
                            t2_v.at[pl.ds(sofs, T2LEN - sofs)], [flat0]))
                    rows = []
                    for pa in range(4):
                        c0, c1, c2, c3 = cvs[4 * pa:4 * pa + 4]
                        rows.append(
                            ((c3 * d_loc + c2) * d_loc + c1) * d_loc + c0)
                    acc = (((rows[3] * a_loc + rows[2]) * a_loc + rows[1])
                           * a_loc + rows[0])

                    res = jnp.clip(acc, -MAX_DELTA, MAX_DELTA)
                    out_v[pl.ds(off, LANES)] = res

                @pl.when(i < n_pairs - 1)
                def _prefetch_next():
                    for cp in in_copies(c + 2, b):
                        cp.start()

                out_copy(c, b).start()
            return carry

        lax.fori_loop(0, n_pairs, do_pair, 0)
        for b in range(2):
            out_copy(chunks_per_tile - 2 + b, b).wait()

    return sc_call


def kernel(ray_dirs, log_depth, control_points):
    n = ray_dirs.shape[0]
    ray_y = lax.squeeze(lax.slice(ray_dirs, (0, 1), (n, 2)), (1,))
    cp_flat = control_points.reshape(-1)
    w_flat = jnp.asarray(_W_FLAT)
    sc_call = _make_sc_call(n, 8192)
    return sc_call(ray_y, log_depth, cp_flat, w_flat)

# --- scband reference (transcript-rebuilt; emitter-appended) ---
"""Pipeline reference for scband-directional-bspline-grid-46505905881446 (READ-ONLY COPY).

The authoritative reference and input builder live on the scoring server;
editing this copy changes nothing except your own understanding.
"""

import jax, jax.numpy as jnp
import numpy as np

N_ALPHA = 16
N_DEPTH = 12
ALPHA_MIN = -np.pi / 2.0
ALPHA_MAX = np.pi / 2.0
LD_MIN = -3.0
LD_MAX = 5.0
MAX_DELTA = 0.5


def _bspline_basis_1d(u):
    # cubic (order=3) uniform B-spline basis, returns (N, 4)
    u2 = u * u
    u3 = u2 * u
    omu = 1.0 - u
    omu3 = omu * omu * omu
    b0 = omu3 / 6.0
    b1 = (3.0 * u3 - 6.0 * u2 + 4.0) / 6.0
    b2 = (-3.0 * u3 + 3.0 * u2 + 3.0 * u + 1.0) / 6.0
    b3 = u3 / 6.0
    return jnp.stack([b0, b1, b2, b3], axis=-1)


def setup_inputs(seed: int = 0) -> dict:
    key = jax.random.key(seed)
    k1, k2, k3 = jax.random.split(key, 3)
    N = 4194304
    ray_dirs = jax.random.normal(k1, (N, 3), dtype=jnp.float32)
    ray_dirs = ray_dirs / (jnp.linalg.norm(ray_dirs, axis=-1, keepdims=True) + 1e-8)
    log_depth = jax.random.normal(k2, (N,), dtype=jnp.float32) * 2.0
    # learned parameter: control point grid (torch inits to zeros; use small random
    # values so the interpolation path is exercised nontrivially)
    control_points = jax.random.normal(k3, (N_ALPHA, N_DEPTH), dtype=jnp.float32) * 0.05
    return {"ray_dirs": ray_dirs, "log_depth": log_depth, "control_points": control_points}


def reference(ray_dirs, log_depth, control_points):
    # direction_to_alpha (method='asin')
    alpha = jnp.arcsin(jnp.clip(ray_dirs[..., 1], -1.0, 1.0))

    a_norm = jnp.clip((alpha - ALPHA_MIN) / ((ALPHA_MAX - ALPHA_MIN) + 1e-8), 0.0, 1.0)
    d_norm = jnp.clip((log_depth - LD_MIN) / ((LD_MAX - LD_MIN) + 1e-8), 0.0, 1.0)

    orig_shape = alpha.shape
    a_flat = a_norm.reshape(-1)
    d_flat = d_norm.reshape(-1)

    a_idx = a_flat * (N_ALPHA - 1)
    d_idx = d_flat * (N_DEPTH - 1)
    a_loc = a_idx - jnp.floor(a_idx)
    d_loc = d_idx - jnp.floor(d_idx)
    a_start = jnp.clip(jnp.floor(a_idx).astype(jnp.int32) - 1, 0, N_ALPHA - 4)
    d_start = jnp.clip(jnp.floor(d_idx).astype(jnp.int32) - 1, 0, N_DEPTH - 4)

    a_basis = _bspline_basis_1d(a_loc)
    d_basis = _bspline_basis_1d(d_loc)

    result = jnp.zeros(a_flat.shape[0], dtype=ray_dirs.dtype)
    for i in range(4):
        for j in range(4):
            ai = jnp.clip(a_start + i, 0, N_ALPHA - 1)
            dj = jnp.clip(d_start + j, 0, N_DEPTH - 1)
            cv = control_points[ai, dj]  # gather
            w = a_basis[:, i] * d_basis[:, j]
            result = result + cv * w

    delta = result.reshape(orig_shape)
    return jnp.clip(delta, -MAX_DELTA, MAX_DELTA)

if __name__ == "__main__":
    import jax
    _d = setup_inputs()
    print(jax.jit(kernel)(*tuple(_d.values())))

</pallas_src>

<mosaic_0001>
#map = affine_map<(d0, d1) -> (0)>
module attributes {stable_mosaic.version = 14 : i64} {
  func.func @sc_call(%arg0: i32, %arg1: i32, %arg2: memref<4194304xf32, #tpu.memory_space<hbm>>, %arg3: memref<4194304xf32, #tpu.memory_space<hbm>>, %arg4: memref<192xf32, #tpu.memory_space<hbm>>, %arg5: memref<256xf32, #tpu.memory_space<hbm>>, %arg6: memref<4194304xf32, #tpu.memory_space<hbm>>, %arg7: memref<192xf32, #tpu.memory_space<vmem>>, %arg8: memref<256xf32, #tpu.memory_space<vmem>>, %arg9: memref<2000xf32, #tpu.memory_space<vmem>>, %arg10: memref<16056xf32, #tpu.memory_space<vmem>>, %arg11: memref<16384xf32, #tpu.memory_space<vmem>>, %arg12: memref<16384xf32, #tpu.memory_space<vmem>>, %arg13: memref<16384xf32, #tpu.memory_space<vmem>>, %arg14: memref<!tpu.dma_semaphore, #tpu.memory_space<semaphore_mem>>, %arg15: memref<!tpu.dma_semaphore, #tpu.memory_space<semaphore_mem>>, %arg16: memref<!tpu.dma_semaphore, #tpu.memory_space<semaphore_mem>>, %arg17: memref<!tpu.dma_semaphore, #tpu.memory_space<semaphore_mem>>) attributes {dimension_semantics = [#tpu.dimension_semantics<core_parallel>, #tpu.dimension_semantics<subcore_parallel>], iteration_bounds = array<i64: 2, 16>, scalar_prefetch = 0 : i64, scratch_operands = 11 : i64, tpu.core_type = #tpu.core_type<sc_vector_subcore>, window_params = [{transform_indices = #map}, {transform_indices = #map}, {transform_indices = #map}, {transform_indices = #map}, {transform_indices = #map}]} {
    %mul3A = arith.constant 2 : i32
    %mul3A_0 = arith.muli %arg1, %mul3A : i32
    %add3A = arith.addi %mul3A_0, %arg0 : i32
    %mul3A_1 = arith.constant 131072 : i32
    %mul3A_2 = arith.muli %add3A, %mul3A_1 : i32
    "tpu.region"() ({
      %run_scoped3A = tpu.sem_alloc : memref<!tpu.dma_semaphore, #tpu.memory_space<semaphore_mem>>
      tpu.enqueue_dma source(%arg4 : memref<192xf32, #tpu.memory_space<hbm>>) target(%arg7 : memref<192xf32, #tpu.memory_space<vmem>>) target_semaphore(%run_scoped3A : memref<!tpu.dma_semaphore, #tpu.memory_space<semaphore_mem>>)
      tpu.wait_dma2 semaphore(%run_scoped3A : memref<!tpu.dma_semaphore, #tpu.memory_space<semaphore_mem>>) src(%arg4 : memref<192xf32, #tpu.memory_space<hbm>>) dst(%arg7 : memref<192xf32, #tpu.memory_space<vmem>>)
      tpu.yield
    }) : () -> ()
    "tpu.region"() ({
      %run_scoped3A = tpu.sem_alloc : memref<!tpu.dma_semaphore, #tpu.memory_space<semaphore_mem>>
      tpu.enqueue_dma source(%arg5 : memref<256xf32, #tpu.memory_space<hbm>>) target(%arg8 : memref<256xf32, #tpu.memory_space<vmem>>) target_semaphore(%run_scoped3A : memref<!tpu.dma_semaphore, #tpu.memory_space<semaphore_mem>>)
      tpu.wait_dma2 semaphore(%run_scoped3A : memref<!tpu.dma_semaphore, #tpu.memory_space<semaphore_mem>>) src(%arg5 : memref<256xf32, #tpu.memory_space<hbm>>) dst(%arg8 : memref<256xf32, #tpu.memory_space<vmem>>)
      tpu.yield
    }) : () -> ()
    %iota3A = tpu.iota {dimensions = array<i32: 0>} : vector<16xi32>
    %scan3A = arith.constant 0 : i32
    %scan3A_3 = arith.constant 0 : i32
    %scan3A_4 = arith.constant 117 : i32
    %scan3A_5 = arith.addi %scan3A_3, %scan3A_4 : i32
    %scan3A_6 = arith.constant 1 : i32
    scf.for %scan3A_62 = %scan3A_3 to %scan3A_5 step %scan3A_6  : i32 {
      %jit3A = arith.constant 9 : i32
      %div3A = arith.divsi %scan3A_62, %jit3A : i32
      %sign3A = arith.constant 0 : i32
      %sign3A_63 = arith.cmpi sgt, %scan3A_62, %sign3A : i32
      %sign3A_64 = arith.extui %sign3A_63 : i1 to i32
      %sign3A_65 = arith.constant 0 : i32
      %sign3A_66 = arith.cmpi slt, %scan3A_62, %sign3A_65 : i32
      %sign3A_67 = arith.extui %sign3A_66 : i1 to i32
      %sign3A_68 = arith.subi %sign3A_64, %sign3A_67 : i32
      %sign3A_69 = arith.constant 0 : i32
      %sign3A_70 = arith.cmpi sgt, %jit3A, %sign3A_69 : i32
      %sign3A_71 = arith.extui %sign3A_70 : i1 to i32
      %sign3A_72 = arith.constant 0 : i32
      %sign3A_73 = arith.cmpi slt, %jit3A, %sign3A_72 : i32
      %sign3A_74 = arith.extui %sign3A_73 : i1 to i32
      %sign3A_75 = arith.subi %sign3A_71, %sign3A_74 : i32
      %ne3A = arith.cmpi ne, %sign3A_68, %sign3A_75 : i32
      %rem3A = arith.remsi %scan3A_62, %jit3A : i32
      %ne3A_76 = arith.constant 0 : i32
      %ne3A_77 = arith.cmpi ne, %rem3A, %ne3A_76 : i32
      %and3A = arith.andi %ne3A, %ne3A_77 : i1
      %sub3A = arith.constant 1 : i32
      %sub3A_78 = arith.subi %div3A, %sub3A : i32
      %select_n3A = arith.select %and3A, %sub3A_78, %div3A : i32
      %mul3A_79 = arith.constant 9 : i32
      %mul3A_80 = arith.muli %select_n3A, %mul3A_79 : i32
      %sub3A_81 = arith.subi %scan3A_62, %mul3A_80 : i32
      %mul3A_82 = arith.constant 12 : i32
      %mul3A_83 = arith.muli %select_n3A, %mul3A_82 : i32
      %add3A_84 = arith.addi %mul3A_83, %sub3A_81 : i32
      %broadcast_in_dim3A = arith.constant 0.000000e+00 : f32
      %broadcast_in_dim3A_85 = vector.broadcast %broadcast_in_dim3A : f32 to vector<16xf32>
      %add3A_86 = arith.constant 0 : i32
      %add3A_87 = arith.addi %add3A_84, %add3A_86 : i32
      %add3A_88 = arith.constant 0 : i32
      %add3A_89 = arith.addi %add3A_87, %add3A_88 : i32
      %broadcast_in_dim3A_90 = vector.broadcast %add3A_89 : i32 to vector<16xi32>
      %gather3A = tpu.vector_load_idx %arg7[%broadcast_in_dim3A_90] : memref<192xf32, #tpu.memory_space<vmem>>[vector<16xi32>], vector<16xf32>,
      %get3A = arith.constant 0 : index
      %get3A_91 = tpu.vector_load %arg8[%get3A] {strides = array<i32>} : memref<256xf32, #tpu.memory_space<vmem>>, vector<16xf32>,
      %mul3A_92 = arith.mulf %get3A_91, %gather3A : vector<16xf32>
      %add3A_93 = arith.addf %broadcast_in_dim3A_85, %mul3A_92 : vector<16xf32>
      %add3A_94 = arith.constant 0 : i32
      %add3A_95 = arith.addi %add3A_84, %add3A_94 : i32
      %add3A_96 = arith.constant 1 : i32
      %add3A_97 = arith.addi %add3A_95, %add3A_96 : i32
      %broadcast_in_dim3A_98 = vector.broadcast %add3A_97 : i32 to vector<16xi32>
      %gather3A_99 = tpu.vector_load_idx %arg7[%broadcast_in_dim3A_98] : memref<192xf32, #tpu.memory_space<vmem>>[vector<16xi32>], vector<16xf32>,
      %get3A_100 = arith.constant 16 : index
      %get3A_101 = tpu.vector_load %arg8[%get3A_100] {strides = array<i32>} : memref<256xf32, #tpu.memory_space<vmem>>, vector<16xf32>,
      %mul3A_102 = arith.mulf %get3A_101, %gather3A_99 : vector<16xf32>
      %add3A_103 = arith.addf %add3A_93, %mul3A_102 : vector<16xf32>
      %add3A_104 = arith.constant 0 : i32
      %add3A_105 = arith.addi %add3A_84, %add3A_104 : i32
      %add3A_106 = arith.constant 2 : i32
      %add3A_107 = arith.addi %add3A_105, %add3A_106 : i32
      %broadcast_in_dim3A_108 = vector.broadcast %add3A_107 : i32 to vector<16xi32>
      %gather3A_109 = tpu.vector_load_idx %arg7[%broadcast_in_dim3A_108] : memref<192xf32, #tpu.memory_space<vmem>>[vector<16xi32>], vector<16xf32>,
      %get3A_110 = arith.constant 32 : index
      %get3A_111 = tpu.vector_load %arg8[%get3A_110] {strides = array<i32>} : memref<256xf32, #tpu.memory_space<vmem>>, vector<16xf32>,
      %mul3A_112 = arith.mulf %get3A_111, %gather3A_109 : vector<16xf32>
      %add3A_113 = arith.addf %add3A_103, %mul3A_112 : vector<16xf32>
      %add3A_114 = arith.constant 0 : i32
      %add3A_115 = arith.addi %add3A_84, %add3A_114 : i32
      %add3A_116 = arith.constant 3 : i32
      %add3A_117 = arith.addi %add3A_115, %add3A_116 : i32
      %broadcast_in_dim3A_118 = vector.broadcast %add3A_117 : i32 to vector<16xi32>
      %gather3A_119 = tpu.vector_load_idx %arg7[%broadcast_in_dim3A_118] : memref<192xf32, #tpu.memory_space<vmem>>[vector<16xi32>], vector<16xf32>,
      %get3A_120 = arith.constant 48 : index
      %get3A_121 = tpu.vector_load %arg8[%get3A_120] {strides = array<i32>} : memref<256xf32, #tpu.memory_space<vmem>>, vector<16xf32>,
      %mul3A_122 = arith.mulf %get3A_121, %gather3A_119 : vector<16xf32>
      %add3A_123 = arith.addf %add3A_113, %mul3A_122 : vector<16xf32>
      %add3A_124 = arith.constant 12 : i32
      %add3A_125 = arith.addi %add3A_84, %add3A_124 : i32
      %add3A_126 = arith.constant 0 : i32
      %add3A_127 = arith.addi %add3A_125, %add3A_126 : i32
      %broadcast_in_dim3A_128 = vector.broadcast %add3A_127 : i32 to vector<16xi32>
      %gather3A_129 = tpu.vector_load_idx %arg7[%broadcast_in_dim3A_128] : memref<192xf32, #tpu.memory_space<vmem>>[vector<16xi32>], vector<16xf32>,
      %get3A_130 = arith.constant 64 : index
      %get3A_131 = tpu.vector_load %arg8[%get3A_130] {strides = array<i32>} : memref<256xf32, #tpu.memory_space<vmem>>, vector<16xf32>,
      %mul3A_132 = arith.mulf %get3A_131, %gather3A_129 : vector<16xf32>
      %add3A_133 = arith.addf %add3A_123, %mul3A_132 : vector<16xf32>
      %add3A_134 = arith.constant 12 : i32
      %add3A_135 = arith.addi %add3A_84, %add3A_134 : i32
      %add3A_136 = arith.constant 1 : i32
      %add3A_137 = arith.addi %add3A_135, %add3A_136 : i32
      %broadcast_in_dim3A_138 = vector.broadcast %add3A_137 : i32 to vector<16xi32>
      %gather3A_139 = tpu.vector_load_idx %arg7[%broadcast_in_dim3A_138] : memref<192xf32, #tpu.memory_space<vmem>>[vector<16xi32>], vector<16xf32>,
      %get3A_140 = arith.constant 80 : index
      %get3A_141 = tpu.vector_load %arg8[%get3A_140] {strides = array<i32>} : memref<256xf32, #tpu.memory_space<vmem>>, vector<16xf32>,
      %mul3A_142 = arith.mulf %get3A_141, %gather3A_139 : vector<16xf32>
      %add3A_143 = arith.addf %add3A_133, %mul3A_142 : vector<16xf32>
      %add3A_144 = arith.constant 12 : i32
      %add3A_145 = arith.addi %add3A_84, %add3A_144 : i32
      %add3A_146 = arith.constant 2 : i32
      %add3A_147 = arith.addi %add3A_145, %add3A_146 : i32
      %broadcast_in_dim3A_148 = vector.broadcast %add3A_147 : i32 to vector<16xi32>
      %gather3A_149 = tpu.vector_load_idx %arg7[%broadcast_in_dim3A_148] : memref<192xf32, #tpu.memory_space<vmem>>[vector<16xi32>], vector<16xf32>,
      %get3A_150 = arith.constant 96 : index
      %get3A_151 = tpu.vector_load %arg8[%get3A_150] {strides = array<i32>} : memref<256xf32, #tpu.memory_space<vmem>>, vector<16xf32>,
      %mul3A_152 = arith.mulf %get3A_151, %gather3A_149 : vector<16xf32>
      %add3A_153 = arith.addf %add3A_143, %mul3A_152 : vector<16xf32>
      %add3A_154 = arith.constant 12 : i32
      %add3A_155 = arith.addi %add3A_84, %add3A_154 : i32
      %add3A_156 = arith.constant 3 : i32
      %add3A_157 = arith.addi %add3A_155, %add3A_156 : i32
      %broadcast_in_dim3A_158 = vector.broadcast %add3A_157 : i32 to vector<16xi32>
      %gather3A_159 = tpu.vector_load_idx %arg7[%broadcast_in_dim3A_158] : memref<192xf32, #tpu.memory_space<vmem>>[vector<16xi32>], vector<16xf32>,
      %get3A_160 = arith.constant 112 : index
      %get3A_161 = tpu.vector_load %arg8[%get3A_160] {strides = array<i32>} : memref<256xf32, #tpu.memory_space<vmem>>, vector<16xf32>,
      %mul3A_162 = arith.mulf %get3A_161, %gather3A_159 : vector<16xf32>
      %add3A_163 = arith.addf %add3A_153, %mul3A_162 : vector<16xf32>
      %add3A_164 = arith.constant 24 : i32
      %add3A_165 = arith.addi %add3A_84, %add3A_164 : i32
      %add3A_166 = arith.constant 0 : i32
      %add3A_167 = arith.addi %add3A_165, %add3A_166 : i32
      %broadcast_in_dim3A_168 = vector.broadcast %add3A_167 : i32 to vector<16xi32>
      %gather3A_169 = tpu.vector_load_idx %arg7[%broadcast_in_dim3A_168] : memref<192xf32, #tpu.memory_space<vmem>>[vector<16xi32>], vector<16xf32>,
      %get3A_170 = arith.constant 128 : index
      %get3A_171 = tpu.vector_load %arg8[%get3A_170] {strides = array<i32>} : memref<256xf32, #tpu.memory_space<vmem>>, vector<16xf32>,
      %mul3A_172 = arith.mulf %get3A_171, %gather3A_169 : vector<16xf32>
      %add3A_173 = arith.addf %add3A_163, %mul3A_172 : vector<16xf32>
      %add3A_174 = arith.constant 24 : i32
      %add3A_175 = arith.addi %add3A_84, %add3A_174 : i32
      %add3A_176 = arith.constant 1 : i32
      %add3A_177 = arith.addi %add3A_175, %add3A_176 : i32
      %broadcast_in_dim3A_178 = vector.broadcast %add3A_177 : i32 to vector<16xi32>
      %gather3A_179 = tpu.vector_load_idx %arg7[%broadcast_in_dim3A_178] : memref<192xf32, #tpu.memory_space<vmem>>[vector<16xi32>], vector<16xf32>,
      %get3A_180 = arith.constant 144 : index
      %get3A_181 = tpu.vector_load %arg8[%get3A_180] {strides = array<i32>} : memref<256xf32, #tpu.memory_space<vmem>>, vector<16xf32>,
      %mul3A_182 = arith.mulf %get3A_181, %gather3A_179 : vector<16xf32>
      %add3A_183 = arith.addf %add3A_173, %mul3A_182 : vector<16xf32>
      %add3A_184 = arith.constant 24 : i32
      %add3A_185 = arith.addi %add3A_84, %add3A_184 : i32
      %add3A_186 = arith.constant 2 : i32
      %add3A_187 = arith.addi %add3A_185, %add3A_186 : i32
      %broadcast_in_dim3A_188 = vector.broadcast %add3A_187 : i32 to vector<16xi32>
      %gather3A_189 = tpu.vector_load_idx %arg7[%broadcast_in_dim3A_188] : memref<192xf32, #tpu.memory_space<vmem>>[vector<16xi32>], vector<16xf32>,
      %get3A_190 = arith.constant 160 : index
      %get3A_191 = tpu.vector_load %arg8[%get3A_190] {strides = array<i32>} : memref<256xf32, #tpu.memory_space<vmem>>, vector<16xf32>,
      %mul3A_192 = arith.mulf %get3A_191, %gather3A_189 : vector<16xf32>
      %add3A_193 = arith.addf %add3A_183, %mul3A_192 : vector<16xf32>
      %add3A_194 = arith.constant 24 : i32
      %add3A_195 = arith.addi %add3A_84, %add3A_194 : i32
      %add3A_196 = arith.constant 3 : i32
      %add3A_197 = arith.addi %add3A_195, %add3A_196 : i32
      %broadcast_in_dim3A_198 = vector.broadcast %add3A_197 : i32 to vector<16xi32>
      %gather3A_199 = tpu.vector_load_idx %arg7[%broadcast_in_dim3A_198] : memref<192xf32, #tpu.memory_space<vmem>>[vector<16xi32>], vector<16xf32>,
      %get3A_200 = arith.constant 176 : index
      %get3A_201 = tpu.vector_load %arg8[%get3A_200] {strides = array<i32>} : memref<256xf32, #tpu.memory_space<vmem>>, vector<16xf32>,
      %mul3A_202 = arith.mulf %get3A_201, %gather3A_199 : vector<16xf32>
      %add3A_203 = arith.addf %add3A_193, %mul3A_202 : vector<16xf32>
      %add3A_204 = arith.constant 36 : i32
      %add3A_205 = arith.addi %add3A_84, %add3A_204 : i32
      %add3A_206 = arith.constant 0 : i32
      %add3A_207 = arith.addi %add3A_205, %add3A_206 : i32
      %broadcast_in_dim3A_208 = vector.broadcast %add3A_207 : i32 to vector<16xi32>
      %gather3A_209 = tpu.vector_load_idx %arg7[%broadcast_in_dim3A_208] : memref<192xf32, #tpu.memory_space<vmem>>[vector<16xi32>], vector<16xf32>,
      %get3A_210 = arith.constant 192 : index
      %get3A_211 = tpu.vector_load %arg8[%get3A_210] {strides = array<i32>} : memref<256xf32, #tpu.memory_space<vmem>>, vector<16xf32>,
      %mul3A_212 = arith.mulf %get3A_211, %gather3A_209 : vector<16xf32>
      %add3A_213 = arith.addf %add3A_203, %mul3A_212 : vector<16xf32>
      %add3A_214 = arith.constant 36 : i32
      %add3A_215 = arith.addi %add3A_84, %add3A_214 : i32
      %add3A_216 = arith.constant 1 : i32
      %add3A_217 = arith.addi %add3A_215, %add3A_216 : i32
      %broadcast_in_dim3A_218 = vector.broadcast %add3A_217 : i32 to vector<16xi32>
      %gather3A_219 = tpu.vector_load_idx %arg7[%broadcast_in_dim3A_218] : memref<192xf32, #tpu.memory_space<vmem>>[vector<16xi32>], vector<16xf32>,
      %get3A_220 = arith.constant 208 : index
      %get3A_221 = tpu.vector_load %arg8[%get3A_220] {strides = array<i32>} : memref<256xf32, #tpu.memory_space<vmem>>, vector<16xf32>,
      %mul3A_222 = arith.mulf %get3A_221, %gather3A_219 : vector<16xf32>
      %add3A_223 = arith.addf %add3A_213, %mul3A_222 : vector<16xf32>
      %add3A_224 = arith.constant 36 : i32
      %add3A_225 = arith.addi %add3A_84, %add3A_224 : i32
      %add3A_226 = arith.constant 2 : i32
      %add3A_227 = arith.addi %add3A_225, %add3A_226 : i32
      %broadcast_in_dim3A_228 = vector.broadcast %add3A_227 : i32 to vector<16xi32>
      %gather3A_229 = tpu.vector_load_idx %arg7[%broadcast_in_dim3A_228] : memref<192xf32, #tpu.memory_space<vmem>>[vector<16xi32>], vector<16xf32>,
      %get3A_230 = arith.constant 224 : index
      %get3A_231 = tpu.vector_load %arg8[%get3A_230] {strides = array<i32>} : memref<256xf32, #tpu.memory_space<vmem>>, vector<16xf32>,
      %mul3A_232 = arith.mulf %get3A_231, %gather3A_229 : vector<16xf32>
      %add3A_233 = arith.addf %add3A_223, %mul3A_232 : vector<16xf32>
      %add3A_234 = arith.constant 36 : i32
      %add3A_235 = arith.addi %add3A_84, %add3A_234 : i32
      %add3A_236 = arith.constant 3 : i32
      %add3A_237 = arith.addi %add3A_235, %add3A_236 : i32
      %broadcast_in_dim3A_238 = vector.broadcast %add3A_237 : i32 to vector<16xi32>
      %gather3A_239 = tpu.vector_load_idx %arg7[%broadcast_in_dim3A_238] : memref<192xf32, #tpu.memory_space<vmem>>[vector<16xi32>], vector<16xf32>,
      %get3A_240 = arith.constant 240 : index
      %get3A_241 = tpu.vector_load %arg8[%get3A_240] {strides = array<i32>} : memref<256xf32, #tpu.memory_space<vmem>>, vector<16xf32>,
      %mul3A_242 = arith.mulf %get3A_241, %gather3A_239 : vector<16xf32>
      %add3A_243 = arith.addf %add3A_233, %mul3A_242 : vector<16xf32>
      %mul3A_244 = arith.constant 17 : i32
      %mul3A_245 = arith.muli %scan3A_62, %mul3A_244 : i32
      %add3A_246 = vector.broadcast %mul3A_245 : i32 to vector<16xi32>
      %add3A_247 = arith.addi %iota3A, %add3A_246 : vector<16xi32>
      tpu.vector_store_idx %arg9[%add3A_247], %add3A_243 : memref<2000xf32, #tpu.memory_space<vmem>>[vector<16xi32>], vector<16xf32>,
    }
    %scan3A_7 = arith.constant 117 : i32
    %scan3A_8 = arith.constant 0 : i32
    %scan3A_9 = arith.constant 0 : i32
    %scan3A_10 = arith.constant 125 : i32
    %scan3A_11 = arith.addi %scan3A_9, %scan3A_10 : i32
    %scan3A_12 = arith.constant 1 : i32
    scf.for %scan3A_62 = %scan3A_9 to %scan3A_11 step %scan3A_12  : i32 {
      %mul3A_63 = arith.constant 16 : i32
      %mul3A_64 = arith.muli %scan3A_62, %mul3A_63 : i32
      %add3A_65 = arith.constant 0 : i32
      %add3A_66 = arith.addi %mul3A_64, %add3A_65 : i32
      %add3A_67 = vector.broadcast %add3A_66 : i32 to vector<16xi32>
      %add3A_68 = arith.addi %iota3A, %add3A_67 : vector<16xi32>
      %min3A = arith.constant 1999 : i32
      %min3A_69 = vector.broadcast %min3A : i32 to vector<16xi32>
      %min3A_70 = arith.minsi %add3A_68, %min3A_69 : vector<16xi32>
      %gather3A = tpu.vector_load_idx %arg9[%min3A_70] : memref<2000xf32, #tpu.memory_space<vmem>>[vector<16xi32>], vector<16xf32>,
      %mul3A_71 = arith.constant 16 : i32
      %mul3A_72 = arith.muli %scan3A_62, %mul3A_71 : i32
      %add3A_73 = arith.constant 0 : i32
      %add3A_74 = arith.addi %mul3A_72, %add3A_73 : i32
      %add3A_75 = vector.broadcast %add3A_74 : i32 to vector<16xi32>
      %add3A_76 = arith.addi %iota3A, %add3A_75 : vector<16xi32>
      tpu.vector_store_idx %arg10[%add3A_76], %gather3A : memref<16056xf32, #tpu.memory_space<vmem>>[vector<16xi32>], vector<16xf32>,
      %mul3A_77 = arith.constant 16 : i32
      %mul3A_78 = arith.muli %scan3A_62, %mul3A_77 : i32
      %add3A_79 = arith.constant 1 : i32
      %add3A_80 = arith.addi %mul3A_78, %add3A_79 : i32
      %add3A_81 = vector.broadcast %add3A_80 : i32 to vector<16xi32>
      %add3A_82 = arith.addi %iota3A, %add3A_81 : vector<16xi32>
      %min3A_83 = arith.constant 1999 : i32
      %min3A_84 = vector.broadcast %min3A_83 : i32 to vector<16xi32>
      %min3A_85 = arith.minsi %add3A_82, %min3A_84 : vector<16xi32>
      %gather3A_86 = tpu.vector_load_idx %arg9[%min3A_85] : memref<2000xf32, #tpu.memory_space<vmem>>[vector<16xi32>], vector<16xf32>,
      %mul3A_87 = arith.constant 16 : i32
      %mul3A_88 = arith.muli %scan3A_62, %mul3A_87 : i32
      %add3A_89 = arith.constant 2008 : i32
      %add3A_90 = arith.addi %mul3A_88, %add3A_89 : i32
      %add3A_91 = vector.broadcast %add3A_90 : i32 to vector<16xi32>
      %add3A_92 = arith.addi %iota3A, %add3A_91 : vector<16xi32>
      tpu.vector_store_idx %arg10[%add3A_92], %gather3A_86 : memref<16056xf32, #tpu.memory_space<vmem>>[vector<16xi32>], vector<16xf32>,
      %mul3A_93 = arith.constant 16 : i32
      %mul3A_94 = arith.muli %scan3A_62, %mul3A_93 : i32
      %add3A_95 = arith.constant 2 : i32
      %add3A_96 = arith.addi %mul3A_94, %add3A_95 : i32
      %add3A_97 = vector.broadcast %add3A_96 : i32 to vector<16xi32>
      %add3A_98 = arith.addi %iota3A, %add3A_97 : vector<16xi32>
      %min3A_99 = arith.constant 1999 : i32
      %min3A_100 = vector.broadcast %min3A_99 : i32 to vector<16xi32>
      %min3A_101 = arith.minsi %add3A_98, %min3A_100 : vector<16xi32>
      %gather3A_102 = tpu.vector_load_idx %arg9[%min3A_101] : memref<2000xf32, #tpu.memory_space<vmem>>[vector<16xi32>], vector<16xf32>,
      %mul3A_103 = arith.constant 16 : i32
      %mul3A_104 = arith.muli %scan3A_62, %mul3A_103 : i32
      %add3A_105 = arith.constant 4016 : i32
      %add3A_106 = arith.addi %mul3A_104, %add3A_105 : i32
      %add3A_107 = vector.broadcast %add3A_106 : i32 to vector<16xi32>
      %add3A_108 = arith.addi %iota3A, %add3A_107 : vector<16xi32>
      tpu.vector_store_idx %arg10[%add3A_108], %gather3A_102 : memref<16056xf32, #tpu.memory_space<vmem>>[vector<16xi32>], vector<16xf32>,
      %mul3A_109 = arith.constant 16 : i32
      %mul3A_110 = arith.muli %scan3A_62, %mul3A_109 : i32
      %add3A_111 = arith.constant 3 : i32
      %add3A_112 = arith.addi %mul3A_110, %add3A_111 : i32
      %add3A_113 = vector.broadcast %add3A_112 : i32 to vector<16xi32>
      %add3A_114 = arith.addi %iota3A, %add3A_113 : vector<16xi32>
      %min3A_115 = arith.constant 1999 : i32
      %min3A_116 = vector.broadcast %min3A_115 : i32 to vector<16xi32>
      %min3A_117 = arith.minsi %add3A_114, %min3A_116 : vector<16xi32>
      %gather3A_118 = tpu.vector_load_idx %arg9[%min3A_117] : memref<2000xf32, #tpu.memory_space<vmem>>[vector<16xi32>], vector<16xf32>,
      %mul3A_119 = arith.constant 16 : i32
      %mul3A_120 = arith.muli %scan3A_62, %mul3A_119 : i32
      %add3A_121 = arith.constant 6024 : i32
      %add3A_122 = arith.addi %mul3A_120, %add3A_121 : i32
      %add3A_123 = vector.broadcast %add3A_122 : i32 to vector<16xi32>
      %add3A_124 = arith.addi %iota3A, %add3A_123 : vector<16xi32>
      tpu.vector_store_idx %arg10[%add3A_124], %gather3A_118 : memref<16056xf32, #tpu.memory_space<vmem>>[vector<16xi32>], vector<16xf32>,
      %mul3A_125 = arith.constant 16 : i32
      %mul3A_126 = arith.muli %scan3A_62, %mul3A_125 : i32
      %add3A_127 = arith.constant 4 : i32
      %add3A_128 = arith.addi %mul3A_126, %add3A_127 : i32
      %add3A_129 = vector.broadcast %add3A_128 : i32 to vector<16xi32>
      %add3A_130 = arith.addi %iota3A, %add3A_129 : vector<16xi32>
      %min3A_131 = arith.constant 1999 : i32
      %min3A_132 = vector.broadcast %min3A_131 : i32 to vector<16xi32>
      %min3A_133 = arith.minsi %add3A_130, %min3A_132 : vector<16xi32>
      %gather3A_134 = tpu.vector_load_idx %arg9[%min3A_133] : memref<2000xf32, #tpu.memory_space<vmem>>[vector<16xi32>], vector<16xf32>,
      %mul3A_135 = arith.constant 16 : i32
      %mul3A_136 = arith.muli %scan3A_62, %mul3A_135 : i32
      %add3A_137 = arith.constant 8032 : i32
      %add3A_138 = arith.addi %mul3A_136, %add3A_137 : i32
      %add3A_139 = vector.broadcast %add3A_138 : i32 to vector<16xi32>
      %add3A_140 = arith.addi %iota3A, %add3A_139 : vector<16xi32>
      tpu.vector_store_idx %arg10[%add3A_140], %gather3A_134 : memref<16056xf32, #tpu.memory_space<vmem>>[vector<16xi32>], vector<16xf32>,
      %mul3A_141 = arith.constant 16 : i32
      %mul3A_142 = arith.muli %scan3A_62, %mul3A_141 : i32
      %add3A_143 = arith.constant 5 : i32
      %add3A_144 = arith.addi %mul3A_142, %add3A_143 : i32
      %add3A_145 = vector.broadcast %add3A_144 : i32 to vector<16xi32>
      %add3A_146 = arith.addi %iota3A, %add3A_145 : vector<16xi32>
      %min3A_147 = arith.constant 1999 : i32
      %min3A_148 = vector.broadcast %min3A_147 : i32 to vector<16xi32>
      %min3A_149 = arith.minsi %add3A_146, %min3A_148 : vector<16xi32>
      %gather3A_150 = tpu.vector_load_idx %arg9[%min3A_149] : memref<2000xf32, #tpu.memory_space<vmem>>[vector<16xi32>], vector<16xf32>,
      %mul3A_151 = arith.constant 16 : i32
      %mul3A_152 = arith.muli %scan3A_62, %mul3A_151 : i32
      %add3A_153 = arith.constant 10040 : i32
      %add3A_154 = arith.addi %mul3A_152, %add3A_153 : i32
      %add3A_155 = vector.broadcast %add3A_154 : i32 to vector<16xi32>
      %add3A_156 = arith.addi %iota3A, %add3A_155 : vector<16xi32>
      tpu.vector_store_idx %arg10[%add3A_156], %gather3A_150 : memref<16056xf32, #tpu.memory_space<vmem>>[vector<16xi32>], vector<16xf32>,
      %mul3A_157 = arith.constant 16 : i32
      %mul3A_158 = arith.muli %scan3A_62, %mul3A_157 : i32
      %add3A_159 = arith.constant 6 : i32
      %add3A_160 = arith.addi %mul3A_158, %add3A_159 : i32
      %add3A_161 = vector.broadcast %add3A_160 : i32 to vector<16xi32>
      %add3A_162 = arith.addi %iota3A, %add3A_161 : vector<16xi32>
      %min3A_163 = arith.constant 1999 : i32
      %min3A_164 = vector.broadcast %min3A_163 : i32 to vector<16xi32>
      %min3A_165 = arith.minsi %add3A_162, %min3A_164 : vector<16xi32>
      %gather3A_166 = tpu.vector_load_idx %arg9[%min3A_165] : memref<2000xf32, #tpu.memory_space<vmem>>[vector<16xi32>], vector<16xf32>,
      %mul3A_167 = arith.constant 16 : i32
      %mul3A_168 = arith.muli %scan3A_62, %mul3A_167 : i32
      %add3A_169 = arith.constant 12048 : i32
      %add3A_170 = arith.addi %mul3A_168, %add3A_169 : i32
      %add3A_171 = vector.broadcast %add3A_170 : i32 to vector<16xi32>
      %add3A_172 = arith.addi %iota3A, %add3A_171 : vector<16xi32>
      tpu.vector_store_idx %arg10[%add3A_172], %gather3A_166 : memref<16056xf32, #tpu.memory_space<vmem>>[vector<16xi32>], vector<16xf32>,
      %mul3A_173 = arith.constant 16 : i32
      %mul3A_174 = arith.muli %scan3A_62, %mul3A_173 : i32
      %add3A_175 = arith.constant 7 : i32
      %add3A_176 = arith.addi %mul3A_174, %add3A_175 : i32
      %add3A_177 = vector.broadcast %add3A_176 : i32 to vector<16xi32>
      %add3A_178 = arith.addi %iota3A, %add3A_177 : vector<16xi32>
      %min3A_179 = arith.constant 1999 : i32
      %min3A_180 = vector.broadcast %min3A_179 : i32 to vector<16xi32>
      %min3A_181 = arith.minsi %add3A_178, %min3A_180 : vector<16xi32>
      %gather3A_182 = tpu.vector_load_idx %arg9[%min3A_181] : memref<2000xf32, #tpu.memory_space<vmem>>[vector<16xi32>], vector<16xf32>,
      %mul3A_183 = arith.constant 16 : i32
      %mul3A_184 = arith.muli %scan3A_62, %mul3A_183 : i32
      %add3A_185 = arith.constant 14056 : i32
      %add3A_186 = arith.addi %mul3A_184, %add3A_185 : i32
      %add3A_187 = vector.broadcast %add3A_186 : i32 to vector<16xi32>
      %add3A_188 = arith.addi %iota3A, %add3A_187 : vector<16xi32>
      tpu.vector_store_idx %arg10[%add3A_188], %gather3A_182 : memref<16056xf32, #tpu.memory_space<vmem>>[vector<16xi32>], vector<16xf32>,
    }
    %scan3A_13 = arith.constant 125 : i32
    %add3A_14 = arith.constant 0 : i32
    %add3A_15 = arith.addi %mul3A_2, %add3A_14 : i32
    %dma_start3A = arith.constant 0 : i32
    %dma_start3A_16 = tpu.memref_slice %arg11[%dma_start3A] : memref<16384xf32, #tpu.memory_space<vmem>> -> memref<8192xf32, #tpu.memory_space<vmem>>
    %dma_start3A_17 = tpu.memref_slice %arg2[%add3A_15] : memref<4194304xf32, #tpu.memory_space<hbm>> -> memref<8192xf32, #tpu.memory_space<hbm>>
    %dma_start3A_18 = arith.constant 0 : i32
    %dma_start3A_19 = tpu.memref_slice %arg11[%dma_start3A_18] : memref<16384xf32, #tpu.memory_space<vmem>> -> memref<8192xf32, #tpu.memory_space<vmem>>
    %dma_start3A_20 = tpu.memref_slice %arg2[%add3A_15] : memref<4194304xf32, #tpu.memory_space<hbm>> -> memref<8192xf32, #tpu.memory_space<hbm>>
    tpu.enqueue_dma source(%dma_start3A_20 : memref<8192xf32, #tpu.memory_space<hbm>>) target(%dma_start3A_19 : memref<8192xf32, #tpu.memory_space<vmem>>) target_semaphore(%arg14 : memref<!tpu.dma_semaphore, #tpu.memory_space<semaphore_mem>>)
    %dma_start3A_21 = arith.constant 0 : i32
    %dma_start3A_22 = tpu.memref_slice %arg12[%dma_start3A_21] : memref<16384xf32, #tpu.memory_space<vmem>> -> memref<8192xf32, #tpu.memory_space<vmem>>
    %dma_start3A_23 = tpu.memref_slice %arg3[%add3A_15] : memref<4194304xf32, #tpu.memory_space<hbm>> -> memref<8192xf32, #tpu.memory_space<hbm>>
    %dma_start3A_24 = arith.constant 0 : i32
    %dma_start3A_25 = tpu.memref_slice %arg12[%dma_start3A_24] : memref<16384xf32, #tpu.memory_space<vmem>> -> memref<8192xf32, #tpu.memory_space<vmem>>
    %dma_start3A_26 = tpu.memref_slice %arg3[%add3A_15] : memref<4194304xf32, #tpu.memory_space<hbm>> -> memref<8192xf32, #tpu.memory_space<hbm>>
    tpu.enqueue_dma source(%dma_start3A_26 : memref<8192xf32, #tpu.memory_space<hbm>>) target(%dma_start3A_25 : memref<8192xf32, #tpu.memory_space<vmem>>) target_semaphore(%arg14 : memref<!tpu.dma_semaphore, #tpu.memory_space<semaphore_mem>>)
    %add3A_27 = arith.constant 8192 : i32
    %add3A_28 = arith.addi %mul3A_2, %add3A_27 : i32
    %dma_start3A_29 = arith.constant 8192 : i32
    %dma_start3A_30 = tpu.memref_slice %arg11[%dma_start3A_29] : memref<16384xf32, #tpu.memory_space<vmem>> -> memref<8192xf32, #tpu.memory_space<vmem>>
    %dma_start3A_31 = tpu.memref_slice %arg2[%add3A_28] : memref<4194304xf32, #tpu.memory_space<hbm>> -> memref<8192xf32, #tpu.memory_space<hbm>>
    %dma_start3A_32 = arith.constant 8192 : i32
    %dma_start3A_33 = tpu.memref_slice %arg11[%dma_start3A_32] : memref<16384xf32, #tpu.memory_space<vmem>> -> memref<8192xf32, #tpu.memory_space<vmem>>
    %dma_start3A_34 = tpu.memref_slice %arg2[%add3A_28] : memref<4194304xf32, #tpu.memory_space<hbm>> -> memref<8192xf32, #tpu.memory_space<hbm>>
    tpu.enqueue_dma source(%dma_start3A_34 : memref<8192xf32, #tpu.memory_space<hbm>>) target(%dma_start3A_33 : memref<8192xf32, #tpu.memory_space<vmem>>) target_semaphore(%arg15 : memref<!tpu.dma_semaphore, #tpu.memory_space<semaphore_mem>>)
    %dma_start3A_35 = arith.constant 8192 : i32
    %dma_start3A_36 = tpu.memref_slice %arg12[%dma_start3A_35] : memref<16384xf32, #tpu.memory_space<vmem>> -> memref<8192xf32, #tpu.memory_space<vmem>>
    %dma_start3A_37 = tpu.memref_slice %arg3[%add3A_28] : memref<4194304xf32, #tpu.memory_space<hbm>> -> memref<8192xf32, #tpu.memory_space<hbm>>
    %dma_start3A_38 = arith.constant 8192 : i32
    %dma_start3A_39 = tpu.memref_slice %arg12[%dma_start3A_38] : memref<16384xf32, #tpu.memory_space<vmem>> -> memref<8192xf32, #tpu.memory_space<vmem>>
    %dma_start3A_40 = tpu.memref_slice %arg3[%add3A_28] : memref<4194304xf32, #tpu.memory_space<hbm>> -> memref<8192xf32, #tpu.memory_space<hbm>>
    tpu.enqueue_dma source(%dma_start3A_40 : memref<8192xf32, #tpu.memory_space<hbm>>) target(%dma_start3A_39 : memref<8192xf32, #tpu.memory_space<vmem>>) target_semaphore(%arg15 : memref<!tpu.dma_semaphore, #tpu.memory_space<semaphore_mem>>)
    %scan3A_41 = arith.constant 0 : i32
    %scan3A_42 = arith.constant 0 : i32
    %scan3A_43 = arith.constant 8 : i32
    %scan3A_44 = arith.addi %scan3A_42, %scan3A_43 : i32
    %scan3A_45 = arith.constant 1 : i32
    scf.for %scan3A_62 = %scan3A_42 to %scan3A_44 step %scan3A_45  : i32 {
      %mul3A_63 = arith.constant 2 : i32
      %mul3A_64 = arith.muli %mul3A_63, %scan3A_62 : i32
      %add3A_65 = arith.constant 0 : i32
      %add3A_66 = arith.addi %mul3A_64, %add3A_65 : i32
      %mul3A_67 = arith.constant 8192 : i32
      %mul3A_68 = arith.muli %add3A_66, %mul3A_67 : i32
      %add3A_69 = arith.addi %mul3A_2, %mul3A_68 : i32
      %dma_wait3A_70 = arith.constant 0 : i32
      %dma_wait3A_71 = tpu.memref_slice %arg11[%dma_wait3A_70] : memref<16384xf32, #tpu.memory_space<vmem>> -> memref<8192xf32, #tpu.memory_space<vmem>>
      %dma_wait3A_72 = tpu.memref_slice %arg2[%add3A_69] : memref<4194304xf32, #tpu.memory_space<hbm>> -> memref<8192xf32, #tpu.memory_space<hbm>>
      %dma_wait3A_73 = arith.constant 0 : i32
      %dma_wait3A_74 = tpu.memref_slice %arg11[%dma_wait3A_73] : memref<16384xf32, #tpu.memory_space<vmem>> -> memref<8192xf32, #tpu.memory_space<vmem>>
      %dma_wait3A_75 = tpu.memref_slice %arg2[%add3A_69] : memref<4194304xf32, #tpu.memory_space<hbm>> -> memref<8192xf32, #tpu.memory_space<hbm>>
      tpu.wait_dma2 semaphore(%arg14 : memref<!tpu.dma_semaphore, #tpu.memory_space<semaphore_mem>>) src(%dma_wait3A_75 : memref<8192xf32, #tpu.memory_space<hbm>>) dst(%dma_wait3A_74 : memref<8192xf32, #tpu.memory_space<vmem>>)
      %dma_wait3A_76 = arith.constant 0 : i32
      %dma_wait3A_77 = tpu.memref_slice %arg12[%dma_wait3A_76] : memref<16384xf32, #tpu.memory_space<vmem>> -> memref<8192xf32, #tpu.memory_space<vmem>>
      %dma_wait3A_78 = tpu.memref_slice %arg3[%add3A_69] : memref<4194304xf32, #tpu.memory_space<hbm>> -> memref<8192xf32, #tpu.memory_space<hbm>>
      %dma_wait3A_79 = arith.constant 0 : i32
      %dma_wait3A_80 = tpu.memref_slice %arg12[%dma_wait3A_79] : memref<16384xf32, #tpu.memory_space<vmem>> -> memref<8192xf32, #tpu.memory_space<vmem>>
      %dma_wait3A_81 = tpu.memref_slice %arg3[%add3A_69] : memref<4194304xf32, #tpu.memory_space<hbm>> -> memref<8192xf32, #tpu.memory_space<hbm>>
      tpu.wait_dma2 semaphore(%arg14 : memref<!tpu.dma_semaphore, #tpu.memory_space<semaphore_mem>>) src(%dma_wait3A_81 : memref<8192xf32, #tpu.memory_space<hbm>>) dst(%dma_wait3A_80 : memref<8192xf32, #tpu.memory_space<vmem>>)
      %gt3A = arith.constant 0 : i32
      %gt3A_82 = arith.cmpi sgt, %scan3A_62, %gt3A : i32
      %convert_element_type3A = arith.extui %gt3A_82 : i1 to i32
      %cond3A = arith.constant 0 : i32
      %cond3A_83 = arith.cmpi ne, %convert_element_type3A, %cond3A : i32
      scf.if %cond3A_83 {
        %sub3A = arith.constant 2 : i32
        %sub3A_140 = arith.subi %add3A_66, %sub3A : i32
        %mul3A_141 = arith.constant 8192 : i32
        %mul3A_142 = arith.muli %sub3A_140, %mul3A_141 : i32
        %add3A_143 = arith.addi %mul3A_2, %mul3A_142 : i32
        %dma_wait3A_144 = arith.constant 0 : i32
        %dma_wait3A_145 = tpu.memref_slice %arg13[%dma_wait3A_144] : memref<16384xf32, #tpu.memory_space<vmem>> -> memref<8192xf32, #tpu.memory_space<vmem>>
        %dma_wait3A_146 = tpu.memref_slice %arg6[%add3A_143] : memref<4194304xf32, #tpu.memory_space<hbm>> -> memref<8192xf32, #tpu.memory_space<hbm>>
        %dma_wait3A_147 = tpu.memref_slice %arg6[%add3A_143] : memref<4194304xf32, #tpu.memory_space<hbm>> -> memref<8192xf32, #tpu.memory_space<hbm>>
        %dma_wait3A_148 = arith.constant 0 : i32
        %dma_wait3A_149 = tpu.memref_slice %arg13[%dma_wait3A_148] : memref<16384xf32, #tpu.memory_space<vmem>> -> memref<8192xf32, #tpu.memory_space<vmem>>
        tpu.wait_dma2 semaphore(%arg16 : memref<!tpu.dma_semaphore, #tpu.memory_space<semaphore_mem>>) src(%dma_wait3A_149 : memref<8192xf32, #tpu.memory_space<vmem>>) dst(%dma_wait3A_147 : memref<8192xf32, #tpu.memory_space<hbm>>)
      } else {
      }
      %parallel_loop3A = arith.constant 0 : i32
      %parallel_loop3A_84 = arith.constant 512 : i32
      %parallel_loop3A_85 = arith.constant 1 : i32
      scf.for %parallel_loop3A_140 = %parallel_loop3A to %parallel_loop3A_84 step %parallel_loop3A_85  : i32 {
        %parallel_loop3A_141 = arith.constant 16 : i32
        %parallel_loop3A_142 = arith.muli %parallel_loop3A_140, %parallel_loop3A_141 : i32
        %parallel_loop3A_143 = arith.constant 0 : i32
        %parallel_loop3A_144 = arith.addi %parallel_loop3A_143, %parallel_loop3A_142 : i32
        %parallel_loop3A_145 = arith.index_cast %parallel_loop3A_144 : i32 to index
        %parallel_loop3A_146 = tpu.vector_load %arg11[%parallel_loop3A_145] {strides = array<i32>} : memref<16384xf32, #tpu.memory_space<vmem>>, vector<16xf32>,
        %parallel_loop3A_147 = arith.index_cast %parallel_loop3A_144 : i32 to index
        %parallel_loop3A_148 = tpu.vector_load %arg12[%parallel_loop3A_147] {strides = array<i32>} : memref<16384xf32, #tpu.memory_space<vmem>>, vector<16xf32>,
        %parallel_loop3A_149 = math.absf %parallel_loop3A_146 : vector<16xf32>
        %parallel_loop3A_150 = arith.constant 1.000000e+00 : f32
        %parallel_loop3A_151 = vector.broadcast %parallel_loop3A_150 : f32 to vector<16xf32>
        %parallel_loop3A_152 = arith.subf %parallel_loop3A_151, %parallel_loop3A_149 : vector<16xf32>
        %parallel_loop3A_153 = arith.constant 9.99999982E-15 : f32
        %parallel_loop3A_154 = vector.broadcast %parallel_loop3A_153 : f32 to vector<16xf32>
        %parallel_loop3A_155 = arith.maximumf %parallel_loop3A_152, %parallel_loop3A_154 : vector<16xf32>
        %parallel_loop3A_156 = vector.bitcast %parallel_loop3A_155 : vector<16xf32> to vector<16xi32>
        %parallel_loop3A_157 = arith.constant 1 : i32
        %parallel_loop3A_158 = vector.broadcast %parallel_loop3A_157 : i32 to vector<16xi32>
        %parallel_loop3A_159 = arith.shrui %parallel_loop3A_156, %parallel_loop3A_158 : vector<16xi32>
        %parallel_loop3A_160 = arith.constant 1597463007 : i32
        %parallel_loop3A_161 = vector.broadcast %parallel_loop3A_160 : i32 to vector<16xi32>
        %parallel_loop3A_162 = arith.subi %parallel_loop3A_161, %parallel_loop3A_159 : vector<16xi32>
        %parallel_loop3A_163 = vector.bitcast %parallel_loop3A_162 : vector<16xi32> to vector<16xf32>
        %parallel_loop3A_164 = arith.constant 5.000000e-01 : f32
        %parallel_loop3A_165 = vector.broadcast %parallel_loop3A_164 : f32 to vector<16xf32>
        %parallel_loop3A_166 = arith.mulf %parallel_loop3A_165, %parallel_loop3A_155 : vector<16xf32>
        %parallel_loop3A_167 = arith.mulf %parallel_loop3A_166, %parallel_loop3A_163 : vector<16xf32>
        %parallel_loop3A_168 = arith.mulf %parallel_loop3A_167, %parallel_loop3A_163 : vector<16xf32>
        %parallel_loop3A_169 = arith.constant 1.500000e+00 : f32
        %parallel_loop3A_170 = vector.broadcast %parallel_loop3A_169 : f32 to vector<16xf32>
        %parallel_loop3A_171 = arith.subf %parallel_loop3A_170, %parallel_loop3A_168 : vector<16xf32>
        %parallel_loop3A_172 = arith.mulf %parallel_loop3A_163, %parallel_loop3A_171 : vector<16xf32>
        %parallel_loop3A_173 = arith.mulf %parallel_loop3A_166, %parallel_loop3A_172 : vector<16xf32>
        %parallel_loop3A_174 = arith.mulf %parallel_loop3A_173, %parallel_loop3A_172 : vector<16xf32>
        %parallel_loop3A_175 = arith.constant 1.500000e+00 : f32
        %parallel_loop3A_176 = vector.broadcast %parallel_loop3A_175 : f32 to vector<16xf32>
        %parallel_loop3A_177 = arith.subf %parallel_loop3A_176, %parallel_loop3A_174 : vector<16xf32>
        %parallel_loop3A_178 = arith.mulf %parallel_loop3A_172, %parallel_loop3A_177 : vector<16xf32>
        %parallel_loop3A_179 = arith.mulf %parallel_loop3A_155, %parallel_loop3A_178 : vector<16xf32>
        %parallel_loop3A_180 = arith.constant 0.00864820554 : f32
        %parallel_loop3A_181 = vector.broadcast %parallel_loop3A_180 : f32 to vector<16xf32>
        %parallel_loop3A_182 = arith.mulf %parallel_loop3A_181, %parallel_loop3A_149 : vector<16xf32>
        %parallel_loop3A_183 = arith.constant -0.0357545875 : f32
        %parallel_loop3A_184 = vector.broadcast %parallel_loop3A_183 : f32 to vector<16xf32>
        %parallel_loop3A_185 = arith.addf %parallel_loop3A_182, %parallel_loop3A_184 : vector<16xf32>
        %parallel_loop3A_186 = arith.mulf %parallel_loop3A_185, %parallel_loop3A_149 : vector<16xf32>
        %parallel_loop3A_187 = arith.constant 0.084664613 : f32
        %parallel_loop3A_188 = vector.broadcast %parallel_loop3A_187 : f32 to vector<16xf32>
        %parallel_loop3A_189 = arith.addf %parallel_loop3A_186, %parallel_loop3A_188 : vector<16xf32>
        %parallel_loop3A_190 = arith.mulf %parallel_loop3A_189, %parallel_loop3A_149 : vector<16xf32>
        %parallel_loop3A_191 = arith.constant -0.214123935 : f32
        %parallel_loop3A_192 = vector.broadcast %parallel_loop3A_191 : f32 to vector<16xf32>
        %parallel_loop3A_193 = arith.addf %parallel_loop3A_190, %parallel_loop3A_192 : vector<16xf32>
        %parallel_loop3A_194 = arith.mulf %parallel_loop3A_193, %parallel_loop3A_149 : vector<16xf32>
        %parallel_loop3A_195 = arith.constant 1.57078779 : f32
        %parallel_loop3A_196 = vector.broadcast %parallel_loop3A_195 : f32 to vector<16xf32>
        %parallel_loop3A_197 = arith.addf %parallel_loop3A_194, %parallel_loop3A_196 : vector<16xf32>
        %parallel_loop3A_198 = arith.mulf %parallel_loop3A_179, %parallel_loop3A_197 : vector<16xf32>
        %parallel_loop3A_199 = arith.constant 4.77464819 : f32
        %parallel_loop3A_200 = vector.broadcast %parallel_loop3A_199 : f32 to vector<16xf32>
        %parallel_loop3A_201 = arith.mulf %parallel_loop3A_198, %parallel_loop3A_200 : vector<16xf32>
        %parallel_loop3A_202 = arith.constant 1.000000e+00 : f32
        %parallel_loop3A_203 = vector.broadcast %parallel_loop3A_202 : f32 to vector<16xf32>
        %parallel_loop3A_204 = arith.cmpf oge, %parallel_loop3A_149, %parallel_loop3A_203 : vector<16xf32>
        %parallel_loop3A_205 = arith.constant 0.000000e+00 : f32
        %parallel_loop3A_206 = vector.broadcast %parallel_loop3A_205 : f32 to vector<16xf32>
        %parallel_loop3A_207 = arith.select %parallel_loop3A_204, %parallel_loop3A_206, %parallel_loop3A_201 : vector<16xi1>, vector<16xf32>
        %parallel_loop3A_208 = arith.constant 0.000000e+00 : f32
        %parallel_loop3A_209 = vector.broadcast %parallel_loop3A_208 : f32 to vector<16xf32>
        %parallel_loop3A_210 = arith.cmpf olt, %parallel_loop3A_146, %parallel_loop3A_209 : vector<16xf32>
        %parallel_loop3A_211 = arith.constant 1.500000e+01 : f32
        %parallel_loop3A_212 = vector.broadcast %parallel_loop3A_211 : f32 to vector<16xf32>
        %parallel_loop3A_213 = arith.subf %parallel_loop3A_212, %parallel_loop3A_207 : vector<16xf32>
        %parallel_loop3A_214 = arith.select %parallel_loop3A_210, %parallel_loop3A_207, %parallel_loop3A_213 : vector<16xi1>, vector<16xf32>
        %parallel_loop3A_215 = arith.constant -3.000000e+00 : f32
        %parallel_loop3A_216 = vector.broadcast %parallel_loop3A_215 : f32 to vector<16xf32>
        %parallel_loop3A_217 = arith.subf %parallel_loop3A_148, %parallel_loop3A_216 : vector<16xf32>
        %parallel_loop3A_218 = arith.constant 1.375000e+00 : f32
        %parallel_loop3A_219 = vector.broadcast %parallel_loop3A_218 : f32 to vector<16xf32>
        %parallel_loop3A_220 = arith.mulf %parallel_loop3A_217, %parallel_loop3A_219 : vector<16xf32>
        %parallel_loop3A_221 = arith.constant 0.000000e+00 : f32
        %parallel_loop3A_222 = arith.constant 1.100000e+01 : f32
        %parallel_loop3A_223 = vector.broadcast %parallel_loop3A_221 : f32 to vector<16xf32>
        %parallel_loop3A_224 = arith.maximumf %parallel_loop3A_223, %parallel_loop3A_220 : vector<16xf32>
        %parallel_loop3A_225 = vector.broadcast %parallel_loop3A_222 : f32 to vector<16xf32>
        %parallel_loop3A_226 = arith.minimumf %parallel_loop3A_225, %parallel_loop3A_224 : vector<16xf32>
        %parallel_loop3A_227 = arith.fptosi %parallel_loop3A_214 : vector<16xf32> to vector<16xi32>
        %parallel_loop3A_228 = arith.fptosi %parallel_loop3A_226 : vector<16xf32> to vector<16xi32>
        %parallel_loop3A_229 = arith.sitofp %parallel_loop3A_227 : vector<16xi32> to vector<16xf32>
        %parallel_loop3A_230 = arith.subf %parallel_loop3A_214, %parallel_loop3A_229 : vector<16xf32>
        %parallel_loop3A_231 = arith.sitofp %parallel_loop3A_228 : vector<16xi32> to vector<16xf32>
        %parallel_loop3A_232 = arith.subf %parallel_loop3A_226, %parallel_loop3A_231 : vector<16xf32>
        %parallel_loop3A_233 = arith.constant 1 : i32
        %parallel_loop3A_234 = vector.broadcast %parallel_loop3A_233 : i32 to vector<16xi32>
        %parallel_loop3A_235 = arith.subi %parallel_loop3A_227, %parallel_loop3A_234 : vector<16xi32>
        %parallel_loop3A_236 = arith.constant 0 : i32
        %parallel_loop3A_237 = arith.constant 12 : i32
        %parallel_loop3A_238 = vector.broadcast %parallel_loop3A_236 : i32 to vector<16xi32>
        %parallel_loop3A_239 = arith.maxsi %parallel_loop3A_238, %parallel_loop3A_235 : vector<16xi32>
        %parallel_loop3A_240 = vector.broadcast %parallel_loop3A_237 : i32 to vector<16xi32>
        %parallel_loop3A_241 = arith.minsi %parallel_loop3A_240, %parallel_loop3A_239 : vector<16xi32>
        %parallel_loop3A_242 = arith.constant 1 : i32
        %parallel_loop3A_243 = vector.broadcast %parallel_loop3A_242 : i32 to vector<16xi32>
        %parallel_loop3A_244 = arith.subi %parallel_loop3A_228, %parallel_loop3A_243 : vector<16xi32>
        %parallel_loop3A_245 = arith.constant 0 : i32
        %parallel_loop3A_246 = arith.constant 8 : i32
        %parallel_loop3A_247 = vector.broadcast %parallel_loop3A_245 : i32 to vector<16xi32>
        %parallel_loop3A_248 = arith.maxsi %parallel_loop3A_247, %parallel_loop3A_244 : vector<16xi32>
        %parallel_loop3A_249 = vector.broadcast %parallel_loop3A_246 : i32 to vector<16xi32>
        %parallel_loop3A_250 = arith.minsi %parallel_loop3A_249, %parallel_loop3A_248 : vector<16xi32>
        %parallel_loop3A_251 = arith.constant 9 : i32
        %parallel_loop3A_252 = vector.broadcast %parallel_loop3A_251 : i32 to vector<16xi32>
        %parallel_loop3A_253 = arith.muli %parallel_loop3A_241, %parallel_loop3A_252 : vector<16xi32>
        %parallel_loop3A_254 = arith.addi %parallel_loop3A_253, %parallel_loop3A_250 : vector<16xi32>
        %parallel_loop3A_255 = arith.constant 17 : i32
        %parallel_loop3A_256 = vector.broadcast %parallel_loop3A_255 : i32 to vector<16xi32>
        %parallel_loop3A_257 = arith.muli %parallel_loop3A_254, %parallel_loop3A_256 : vector<16xi32>
        %parallel_loop3A_258 = arith.constant 0 : i32
        %parallel_loop3A_259 = tpu.memref_slice %arg10[%parallel_loop3A_258] : memref<16056xf32, #tpu.memory_space<vmem>> -> memref<16056xf32, #tpu.memory_space<vmem>>
        %parallel_loop3A_260 = tpu.vector_load_idx %parallel_loop3A_259[%parallel_loop3A_257] : memref<16056xf32, #tpu.memory_space<vmem>>[vector<16xi32>], vector<16xf32>,
        %parallel_loop3A_261 = arith.constant 2008 : i32
        %parallel_loop3A_262 = tpu.memref_slice %arg10[%parallel_loop3A_261] : memref<16056xf32, #tpu.memory_space<vmem>> -> memref<14048xf32, #tpu.memory_space<vmem>>
        %parallel_loop3A_263 = tpu.vector_load_idx %parallel_loop3A_262[%parallel_loop3A_257] : memref<14048xf32, #tpu.memory_space<vmem>>[vector<16xi32>], vector<16xf32>,
        %parallel_loop3A_264 = arith.constant 4016 : i32
        %parallel_loop3A_265 = tpu.memref_slice %arg10[%parallel_loop3A_264] : memref<16056xf32, #tpu.memory_space<vmem>> -> memref<12040xf32, #tpu.memory_space<vmem>>
        %parallel_loop3A_266 = tpu.vector_load_idx %parallel_loop3A_265[%parallel_loop3A_257] : memref<12040xf32, #tpu.memory_space<vmem>>[vector<16xi32>], vector<16xf32>,
        %parallel_loop3A_267 = arith.constant 6024 : i32
        %parallel_loop3A_268 = tpu.memref_slice %arg10[%parallel_loop3A_267] : memref<16056xf32, #tpu.memory_space<vmem>> -> memref<10032xf32, #tpu.memory_space<vmem>>
        %parallel_loop3A_269 = tpu.vector_load_idx %parallel_loop3A_268[%parallel_loop3A_257] : memref<10032xf32, #tpu.memory_space<vmem>>[vector<16xi32>], vector<16xf32>,
        %parallel_loop3A_270 = arith.constant 8032 : i32
        %parallel_loop3A_271 = tpu.memref_slice %arg10[%parallel_loop3A_270] : memref<16056xf32, #tpu.memory_space<vmem>> -> memref<8024xf32, #tpu.memory_space<vmem>>
        %parallel_loop3A_272 = tpu.vector_load_idx %parallel_loop3A_271[%parallel_loop3A_257] : memref<8024xf32, #tpu.memory_space<vmem>>[vector<16xi32>], vector<16xf32>,
        %parallel_loop3A_273 = arith.constant 10040 : i32
        %parallel_loop3A_274 = tpu.memref_slice %arg10[%parallel_loop3A_273] : memref<16056xf32, #tpu.memory_space<vmem>> -> memref<6016xf32, #tpu.memory_space<vmem>>
        %parallel_loop3A_275 = tpu.vector_load_idx %parallel_loop3A_274[%parallel_loop3A_257] : memref<6016xf32, #tpu.memory_space<vmem>>[vector<16xi32>], vector<16xf32>,
        %parallel_loop3A_276 = arith.constant 12048 : i32
        %parallel_loop3A_277 = tpu.memref_slice %arg10[%parallel_loop3A_276] : memref<16056xf32, #tpu.memory_space<vmem>> -> memref<4008xf32, #tpu.memory_space<vmem>>
        %parallel_loop3A_278 = tpu.vector_load_idx %parallel_loop3A_277[%parallel_loop3A_257] : memref<4008xf32, #tpu.memory_space<vmem>>[vector<16xi32>], vector<16xf32>,
        %parallel_loop3A_279 = arith.constant 14056 : i32
        %parallel_loop3A_280 = tpu.memref_slice %arg10[%parallel_loop3A_279] : memref<16056xf32, #tpu.memory_space<vmem>> -> memref<2000xf32, #tpu.memory_space<vmem>>
        %parallel_loop3A_281 = tpu.vector_load_idx %parallel_loop3A_280[%parallel_loop3A_257] : memref<2000xf32, #tpu.memory_space<vmem>>[vector<16xi32>], vector<16xf32>,
        %parallel_loop3A_282 = arith.constant 8 : i32
        %parallel_loop3A_283 = tpu.memref_slice %arg10[%parallel_loop3A_282] : memref<16056xf32, #tpu.memory_space<vmem>> -> memref<16048xf32, #tpu.memory_space<vmem>>
        %parallel_loop3A_284 = tpu.vector_load_idx %parallel_loop3A_283[%parallel_loop3A_257] : memref<16048xf32, #tpu.memory_space<vmem>>[vector<16xi32>], vector<16xf32>,
        %parallel_loop3A_285 = arith.constant 2016 : i32
        %parallel_loop3A_286 = tpu.memref_slice %arg10[%parallel_loop3A_285] : memref<16056xf32, #tpu.memory_space<vmem>> -> memref<14040xf32, #tpu.memory_space<vmem>>
        %parallel_loop3A_287 = tpu.vector_load_idx %parallel_loop3A_286[%parallel_loop3A_257] : memref<14040xf32, #tpu.memory_space<vmem>>[vector<16xi32>], vector<16xf32>,
        %parallel_loop3A_288 = arith.constant 4024 : i32
        %parallel_loop3A_289 = tpu.memref_slice %arg10[%parallel_loop3A_288] : memref<16056xf32, #tpu.memory_space<vmem>> -> memref<12032xf32, #tpu.memory_space<vmem>>
        %parallel_loop3A_290 = tpu.vector_load_idx %parallel_loop3A_289[%parallel_loop3A_257] : memref<12032xf32, #tpu.memory_space<vmem>>[vector<16xi32>], vector<16xf32>,
        %parallel_loop3A_291 = arith.constant 6032 : i32
        %parallel_loop3A_292 = tpu.memref_slice %arg10[%parallel_loop3A_291] : memref<16056xf32, #tpu.memory_space<vmem>> -> memref<10024xf32, #tpu.memory_space<vmem>>
        %parallel_loop3A_293 = tpu.vector_load_idx %parallel_loop3A_292[%parallel_loop3A_257] : memref<10024xf32, #tpu.memory_space<vmem>>[vector<16xi32>], vector<16xf32>,
        %parallel_loop3A_294 = arith.constant 8040 : i32
        %parallel_loop3A_295 = tpu.memref_slice %arg10[%parallel_loop3A_294] : memref<16056xf32, #tpu.memory_space<vmem>> -> memref<8016xf32, #tpu.memory_space<vmem>>
        %parallel_loop3A_296 = tpu.vector_load_idx %parallel_loop3A_295[%parallel_loop3A_257] : memref<8016xf32, #tpu.memory_space<vmem>>[vector<16xi32>], vector<16xf32>,
        %parallel_loop3A_297 = arith.constant 10048 : i32
        %parallel_loop3A_298 = tpu.memref_slice %arg10[%parallel_loop3A_297] : memref<16056xf32, #tpu.memory_space<vmem>> -> memref<6008xf32, #tpu.memory_space<vmem>>
        %parallel_loop3A_299 = tpu.vector_load_idx %parallel_loop3A_298[%parallel_loop3A_257] : memref<6008xf32, #tpu.memory_space<vmem>>[vector<16xi32>], vector<16xf32>,
        %parallel_loop3A_300 = arith.constant 12056 : i32
        %parallel_loop3A_301 = tpu.memref_slice %arg10[%parallel_loop3A_300] : memref<16056xf32, #tpu.memory_space<vmem>> -> memref<4000xf32, #tpu.memory_space<vmem>>
        %parallel_loop3A_302 = tpu.vector_load_idx %parallel_loop3A_301[%parallel_loop3A_257] : memref<4000xf32, #tpu.memory_space<vmem>>[vector<16xi32>], vector<16xf32>,
        %parallel_loop3A_303 = arith.constant 14064 : i32
        %parallel_loop3A_304 = tpu.memref_slice %arg10[%parallel_loop3A_303] : memref<16056xf32, #tpu.memory_space<vmem>> -> memref<1992xf32, #tpu.memory_space<vmem>>
        %parallel_loop3A_305 = tpu.vector_load_idx %parallel_loop3A_304[%parallel_loop3A_257] : memref<1992xf32, #tpu.memory_space<vmem>>[vector<16xi32>], vector<16xf32>,
        %parallel_loop3A_306 = arith.mulf %parallel_loop3A_269, %parallel_loop3A_232 : vector<16xf32>
        %parallel_loop3A_307 = arith.addf %parallel_loop3A_306, %parallel_loop3A_266 : vector<16xf32>
        %parallel_loop3A_308 = arith.mulf %parallel_loop3A_307, %parallel_loop3A_232 : vector<16xf32>
        %parallel_loop3A_309 = arith.addf %parallel_loop3A_308, %parallel_loop3A_263 : vector<16xf32>
        %parallel_loop3A_310 = arith.mulf %parallel_loop3A_309, %parallel_loop3A_232 : vector<16xf32>
        %parallel_loop3A_311 = arith.addf %parallel_loop3A_310, %parallel_loop3A_260 : vector<16xf32>
        %parallel_loop3A_312 = arith.mulf %parallel_loop3A_281, %parallel_loop3A_232 : vector<16xf32>
        %parallel_loop3A_313 = arith.addf %parallel_loop3A_312, %parallel_loop3A_278 : vector<16xf32>
        %parallel_loop3A_314 = arith.mulf %parallel_loop3A_313, %parallel_loop3A_232 : vector<16xf32>
        %parallel_loop3A_315 = arith.addf %parallel_loop3A_314, %parallel_loop3A_275 : vector<16xf32>
        %parallel_loop3A_316 = arith.mulf %parallel_loop3A_315, %parallel_loop3A_232 : vector<16xf32>
        %parallel_loop3A_317 = arith.addf %parallel_loop3A_316, %parallel_loop3A_272 : vector<16xf32>
        %parallel_loop3A_318 = arith.mulf %parallel_loop3A_293, %parallel_loop3A_232 : vector<16xf32>
        %parallel_loop3A_319 = arith.addf %parallel_loop3A_318, %parallel_loop3A_290 : vector<16xf32>
        %parallel_loop3A_320 = arith.mulf %parallel_loop3A_319, %parallel_loop3A_232 : vector<16xf32>
        %parallel_loop3A_321 = arith.addf %parallel_loop3A_320, %parallel_loop3A_287 : vector<16xf32>
        %parallel_loop3A_322 = arith.mulf %parallel_loop3A_321, %parallel_loop3A_232 : vector<16xf32>
        %parallel_loop3A_323 = arith.addf %parallel_loop3A_322, %parallel_loop3A_284 : vector<16xf32>
        %parallel_loop3A_324 = arith.mulf %parallel_loop3A_305, %parallel_loop3A_232 : vector<16xf32>
        %parallel_loop3A_325 = arith.addf %parallel_loop3A_324, %parallel_loop3A_302 : vector<16xf32>
        %parallel_loop3A_326 = arith.mulf %parallel_loop3A_325, %parallel_loop3A_232 : vector<16xf32>
        %parallel_loop3A_327 = arith.addf %parallel_loop3A_326, %parallel_loop3A_299 : vector<16xf32>
        %parallel_loop3A_328 = arith.mulf %parallel_loop3A_327, %parallel_loop3A_232 : vector<16xf32>
        %parallel_loop3A_329 = arith.addf %parallel_loop3A_328, %parallel_loop3A_296 : vector<16xf32>
        %parallel_loop3A_330 = arith.mulf %parallel_loop3A_329, %parallel_loop3A_230 : vector<16xf32>
        %parallel_loop3A_331 = arith.addf %parallel_loop3A_330, %parallel_loop3A_323 : vector<16xf32>
        %parallel_loop3A_332 = arith.mulf %parallel_loop3A_331, %parallel_loop3A_230 : vector<16xf32>
        %parallel_loop3A_333 = arith.addf %parallel_loop3A_332, %parallel_loop3A_317 : vector<16xf32>
        %parallel_loop3A_334 = arith.mulf %parallel_loop3A_333, %parallel_loop3A_230 : vector<16xf32>
        %parallel_loop3A_335 = arith.addf %parallel_loop3A_334, %parallel_loop3A_311 : vector<16xf32>
        %parallel_loop3A_336 = arith.constant -5.000000e-01 : f32
        %parallel_loop3A_337 = arith.constant 5.000000e-01 : f32
        %parallel_loop3A_338 = vector.broadcast %parallel_loop3A_336 : f32 to vector<16xf32>
        %parallel_loop3A_339 = arith.maximumf %parallel_loop3A_338, %parallel_loop3A_335 : vector<16xf32>
        %parallel_loop3A_340 = vector.broadcast %parallel_loop3A_337 : f32 to vector<16xf32>
        %parallel_loop3A_341 = arith.minimumf %parallel_loop3A_340, %parallel_loop3A_339 : vector<16xf32>
        %parallel_loop3A_342 = arith.index_cast %parallel_loop3A_144 : i32 to index
        %parallel_loop3A_343 = tpu.vector_load %arg13[%parallel_loop3A_342] {strides = array<i32>} : memref<16384xf32, #tpu.memory_space<vmem>>, vector<16xf32>,
        tpu.vector_store %arg13[%parallel_loop3A_342], %parallel_loop3A_341 {strides = array<i32>} : memref<16384xf32, #tpu.memory_space<vmem>>, vector<16xf32>,
      } {sc.loop_unroll_factor = 16 : i64, sc.parallel_access}
      %lt3A = arith.constant 7 : i32
      %lt3A_86 = arith.cmpi slt, %scan3A_62, %lt3A : i32
      %convert_element_type3A_87 = arith.extui %lt3A_86 : i1 to i32
      %cond3A_88 = arith.constant 0 : i32
      %cond3A_89 = arith.cmpi ne, %convert_element_type3A_87, %cond3A_88 : i32
      scf.if %cond3A_89 {
        %add3A_140 = arith.constant 2 : i32
        %add3A_141 = arith.addi %add3A_66, %add3A_140 : i32
        %mul3A_142 = arith.constant 8192 : i32
        %mul3A_143 = arith.muli %add3A_141, %mul3A_142 : i32
        %add3A_144 = arith.addi %mul3A_2, %mul3A_143 : i32
        %dma_start3A_145 = arith.constant 0 : i32
        %dma_start3A_146 = tpu.memref_slice %arg11[%dma_start3A_145] : memref<16384xf32, #tpu.memory_space<vmem>> -> memref<8192xf32, #tpu.memory_space<vmem>>
        %dma_start3A_147 = tpu.memref_slice %arg2[%add3A_144] : memref<4194304xf32, #tpu.memory_space<hbm>> -> memref<8192xf32, #tpu.memory_space<hbm>>
        %dma_start3A_148 = arith.constant 0 : i32
        %dma_start3A_149 = tpu.memref_slice %arg11[%dma_start3A_148] : memref<16384xf32, #tpu.memory_space<vmem>> -> memref<8192xf32, #tpu.memory_space<vmem>>
        %dma_start3A_150 = tpu.memref_slice %arg2[%add3A_144] : memref<4194304xf32, #tpu.memory_space<hbm>> -> memref<8192xf32, #tpu.memory_space<hbm>>
        tpu.enqueue_dma source(%dma_start3A_150 : memref<8192xf32, #tpu.memory_space<hbm>>) target(%dma_start3A_149 : memref<8192xf32, #tpu.memory_space<vmem>>) target_semaphore(%arg14 : memref<!tpu.dma_semaphore, #tpu.memory_space<semaphore_mem>>)
        %dma_start3A_151 = arith.constant 0 : i32
        %dma_start3A_152 = tpu.memref_slice %arg12[%dma_start3A_151] : memref<16384xf32, #tpu.memory_space<vmem>> -> memref<8192xf32, #tpu.memory_space<vmem>>
        %dma_start3A_153 = tpu.memref_slice %arg3[%add3A_144] : memref<4194304xf32, #tpu.memory_space<hbm>> -> memref<8192xf32, #tpu.memory_space<hbm>>
        %dma_start3A_154 = arith.constant 0 : i32
        %dma_start3A_155 = tpu.memref_slice %arg12[%dma_start3A_154] : memref<16384xf32, #tpu.memory_space<vmem>> -> memref<8192xf32, #tpu.memory_space<vmem>>
        %dma_start3A_156 = tpu.memref_slice %arg3[%add3A_144] : memref<4194304xf32, #tpu.memory_space<hbm>> -> memref<8192xf32, #tpu.memory_space<hbm>>
        tpu.enqueue_dma source(%dma_start3A_156 : memref<8192xf32, #tpu.memory_space<hbm>>) target(%dma_start3A_155 : memref<8192xf32, #tpu.memory_space<vmem>>) target_semaphore(%arg14 : memref<!tpu.dma_semaphore, #tpu.memory_space<semaphore_mem>>)
      } else {
      }
      %mul3A_90 = arith.constant 8192 : i32
      %mul3A_91 = arith.muli %add3A_66, %mul3A_90 : i32
      %add3A_92 = arith.addi %mul3A_2, %mul3A_91 : i32
      %dma_start3A_93 = arith.constant 0 : i32
      %dma_start3A_94 = tpu.memref_slice %arg13[%dma_start3A_93] : memref<16384xf32, #tpu.memory_space<vmem>> -> memref<8192xf32, #tpu.memory_space<vmem>>
      %dma_start3A_95 = tpu.memref_slice %arg6[%add3A_92] : memref<4194304xf32, #tpu.memory_space<hbm>> -> memref<8192xf32, #tpu.memory_space<hbm>>
      %dma_start3A_96 = tpu.memref_slice %arg6[%add3A_92] : memref<4194304xf32, #tpu.memory_space<hbm>> -> memref<8192xf32, #tpu.memory_space<hbm>>
      %dma_start3A_97 = arith.constant 0 : i32
      %dma_start3A_98 = tpu.memref_slice %arg13[%dma_start3A_97] : memref<16384xf32, #tpu.memory_space<vmem>> -> memref<8192xf32, #tpu.memory_space<vmem>>
      tpu.enqueue_dma source(%dma_start3A_98 : memref<8192xf32, #tpu.memory_space<vmem>>) target(%dma_start3A_96 : memref<8192xf32, #tpu.memory_space<hbm>>) target_semaphore(%arg16 : memref<!tpu.dma_semaphore, #tpu.memory_space<semaphore_mem>>)
      %mul3A_99 = arith.constant 2 : i32
      %mul3A_100 = arith.muli %mul3A_99, %scan3A_62 : i32
      %add3A_101 = arith.constant 1 : i32
      %add3A_102 = arith.addi %mul3A_100, %add3A_101 : i32
      %mul3A_103 = arith.constant 8192 : i32
      %mul3A_104 = arith.muli %add3A_102, %mul3A_103 : i32
      %add3A_105 = arith.addi %mul3A_2, %mul3A_104 : i32
      %dma_wait3A_106 = arith.constant 8192 : i32
      %dma_wait3A_107 = tpu.memref_slice %arg11[%dma_wait3A_106] : memref<16384xf32, #tpu.memory_space<vmem>> -> memref<8192xf32, #tpu.memory_space<vmem>>
      %dma_wait3A_108 = tpu.memref_slice %arg2[%add3A_105] : memref<4194304xf32, #tpu.memory_space<hbm>> -> memref<8192xf32, #tpu.memory_space<hbm>>
      %dma_wait3A_109 = arith.constant 8192 : i32
      %dma_wait3A_110 = tpu.memref_slice %arg11[%dma_wait3A_109] : memref<16384xf32, #tpu.memory_space<vmem>> -> memref<8192xf32, #tpu.memory_space<vmem>>
      %dma_wait3A_111 = tpu.memref_slice %arg2[%add3A_105] : memref<4194304xf32, #tpu.memory_space<hbm>> -> memref<8192xf32, #tpu.memory_space<hbm>>
      tpu.wait_dma2 semaphore(%arg15 : memref<!tpu.dma_semaphore, #tpu.memory_space<semaphore_mem>>) src(%dma_wait3A_111 : memref<8192xf32, #tpu.memory_space<hbm>>) dst(%dma_wait3A_110 : memref<8192xf32, #tpu.memory_space<vmem>>)
      %dma_wait3A_112 = arith.constant 8192 : i32
      %dma_wait3A_113 = tpu.memref_slice %arg12[%dma_wait3A_112] : memref<16384xf32, #tpu.memory_space<vmem>> -> memref<8192xf32, #tpu.memory_space<vmem>>
      %dma_wait3A_114 = tpu.memref_slice %arg3[%add3A_105] : memref<4194304xf32, #tpu.memory_space<hbm>> -> memref<8192xf32, #tpu.memory_space<hbm>>
      %dma_wait3A_115 = arith.constant 8192 : i32
      %dma_wait3A_116 = tpu.memref_slice %arg12[%dma_wait3A_115] : memref<16384xf32, #tpu.memory_space<vmem>> -> memref<8192xf32, #tpu.memory_space<vmem>>
      %dma_wait3A_117 = tpu.memref_slice %arg3[%add3A_105] : memref<4194304xf32, #tpu.memory_space<hbm>> -> memref<8192xf32, #tpu.memory_space<hbm>>
      tpu.wait_dma2 semaphore(%arg15 : memref<!tpu.dma_semaphore, #tpu.memory_space<semaphore_mem>>) src(%dma_wait3A_117 : memref<8192xf32, #tpu.memory_space<hbm>>) dst(%dma_wait3A_116 : memref<8192xf32, #tpu.memory_space<vmem>>)
      %gt3A_118 = arith.constant 0 : i32
      %gt3A_119 = arith.cmpi sgt, %scan3A_62, %gt3A_118 : i32
      %convert_element_type3A_120 = arith.extui %gt3A_119 : i1 to i32
      %cond3A_121 = arith.constant 0 : i32
      %cond3A_122 = arith.cmpi ne, %convert_element_type3A_120, %cond3A_121 : i32
      scf.if %cond3A_122 {
        %sub3A = arith.constant 2 : i32
        %sub3A_140 = arith.subi %add3A_102, %sub3A : i32
        %mul3A_141 = arith.constant 8192 : i32
        %mul3A_142 = arith.muli %sub3A_140, %mul3A_141 : i32
        %add3A_143 = arith.addi %mul3A_2, %mul3A_142 : i32
        %dma_wait3A_144 = arith.constant 8192 : i32
        %dma_wait3A_145 = tpu.memref_slice %arg13[%dma_wait3A_144] : memref<16384xf32, #tpu.memory_space<vmem>> -> memref<8192xf32, #tpu.memory_space<vmem>>
        %dma_wait3A_146 = tpu.memref_slice %arg6[%add3A_143] : memref<4194304xf32, #tpu.memory_space<hbm>> -> memref<8192xf32, #tpu.memory_space<hbm>>
        %dma_wait3A_147 = tpu.memref_slice %arg6[%add3A_143] : memref<4194304xf32, #tpu.memory_space<hbm>> -> memref<8192xf32, #tpu.memory_space<hbm>>
        %dma_wait3A_148 = arith.constant 8192 : i32
        %dma_wait3A_149 = tpu.memref_slice %arg13[%dma_wait3A_148] : memref<16384xf32, #tpu.memory_space<vmem>> -> memref<8192xf32, #tpu.memory_space<vmem>>
        tpu.wait_dma2 semaphore(%arg17 : memref<!tpu.dma_semaphore, #tpu.memory_space<semaphore_mem>>) src(%dma_wait3A_149 : memref<8192xf32, #tpu.memory_space<vmem>>) dst(%dma_wait3A_147 : memref<8192xf32, #tpu.memory_space<hbm>>)
      } else {
      }
      %parallel_loop3A_123 = arith.constant 0 : i32
      %parallel_loop3A_124 = arith.constant 512 : i32
      %parallel_loop3A_125 = arith.constant 1 : i32
      scf.for %parallel_loop3A_140 = %parallel_loop3A_123 to %parallel_loop3A_124 step %parallel_loop3A_125  : i32 {
        %parallel_loop3A_141 = arith.constant 16 : i32
        %parallel_loop3A_142 = arith.muli %parallel_loop3A_140, %parallel_loop3A_141 : i32
        %parallel_loop3A_143 = arith.constant 8192 : i32
        %parallel_loop3A_144 = arith.addi %parallel_loop3A_143, %parallel_loop3A_142 : i32
        %parallel_loop3A_145 = arith.index_cast %parallel_loop3A_144 : i32 to index
        %parallel_loop3A_146 = tpu.vector_load %arg11[%parallel_loop3A_145] {strides = array<i32>} : memref<16384xf32, #tpu.memory_space<vmem>>, vector<16xf32>,
        %parallel_loop3A_147 = arith.index_cast %parallel_loop3A_144 : i32 to index
        %parallel_loop3A_148 = tpu.vector_load %arg12[%parallel_loop3A_147] {strides = array<i32>} : memref<16384xf32, #tpu.memory_space<vmem>>, vector<16xf32>,
        %parallel_loop3A_149 = math.absf %parallel_loop3A_146 : vector<16xf32>
        %parallel_loop3A_150 = arith.constant 1.000000e+00 : f32
        %parallel_loop3A_151 = vector.broadcast %parallel_loop3A_150 : f32 to vector<16xf32>
        %parallel_loop3A_152 = arith.subf %parallel_loop3A_151, %parallel_loop3A_149 : vector<16xf32>
        %parallel_loop3A_153 = arith.constant 9.99999982E-15 : f32
        %parallel_loop3A_154 = vector.broadcast %parallel_loop3A_153 : f32 to vector<16xf32>
        %parallel_loop3A_155 = arith.maximumf %parallel_loop3A_152, %parallel_loop3A_154 : vector<16xf32>
        %parallel_loop3A_156 = vector.bitcast %parallel_loop3A_155 : vector<16xf32> to vector<16xi32>
        %parallel_loop3A_157 = arith.constant 1 : i32
        %parallel_loop3A_158 = vector.broadcast %parallel_loop3A_157 : i32 to vector<16xi32>
        %parallel_loop3A_159 = arith.shrui %parallel_loop3A_156, %parallel_loop3A_158 : vector<16xi32>
        %parallel_loop3A_160 = arith.constant 1597463007 : i32
        %parallel_loop3A_161 = vector.broadcast %parallel_loop3A_160 : i32 to vector<16xi32>
        %parallel_loop3A_162 = arith.subi %parallel_loop3A_161, %parallel_loop3A_159 : vector<16xi32>
        %parallel_loop3A_163 = vector.bitcast %parallel_loop3A_162 : vector<16xi32> to vector<16xf32>
        %parallel_loop3A_164 = arith.constant 5.000000e-01 : f32
        %parallel_loop3A_165 = vector.broadcast %parallel_loop3A_164 : f32 to vector<16xf32>
        %parallel_loop3A_166 = arith.mulf %parallel_loop3A_165, %parallel_loop3A_155 : vector<16xf32>
        %parallel_loop3A_167 = arith.mulf %parallel_loop3A_166, %parallel_loop3A_163 : vector<16xf32>
        %parallel_loop3A_168 = arith.mulf %parallel_loop3A_167, %parallel_loop3A_163 : vector<16xf32>
        %parallel_loop3A_169 = arith.constant 1.500000e+00 : f32
        %parallel_loop3A_170 = vector.broadcast %parallel_loop3A_169 : f32 to vector<16xf32>
        %parallel_loop3A_171 = arith.subf %parallel_loop3A_170, %parallel_loop3A_168 : vector<16xf32>
        %parallel_loop3A_172 = arith.mulf %parallel_loop3A_163, %parallel_loop3A_171 : vector<16xf32>
        %parallel_loop3A_173 = arith.mulf %parallel_loop3A_166, %parallel_loop3A_172 : vector<16xf32>
        %parallel_loop3A_174 = arith.mulf %parallel_loop3A_173, %parallel_loop3A_172 : vector<16xf32>
        %parallel_loop3A_175 = arith.constant 1.500000e+00 : f32
        %parallel_loop3A_176 = vector.broadcast %parallel_loop3A_175 : f32 to vector<16xf32>
        %parallel_loop3A_177 = arith.subf %parallel_loop3A_176, %parallel_loop3A_174 : vector<16xf32>
        %parallel_loop3A_178 = arith.mulf %parallel_loop3A_172, %parallel_loop3A_177 : vector<16xf32>
        %parallel_loop3A_179 = arith.mulf %parallel_loop3A_155, %parallel_loop3A_178 : vector<16xf32>
        %parallel_loop3A_180 = arith.constant 0.00864820554 : f32
        %parallel_loop3A_181 = vector.broadcast %parallel_loop3A_180 : f32 to vector<16xf32>
        %parallel_loop3A_182 = arith.mulf %parallel_loop3A_181, %parallel_loop3A_149 : vector<16xf32>
        %parallel_loop3A_183 = arith.constant -0.0357545875 : f32
        %parallel_loop3A_184 = vector.broadcast %parallel_loop3A_183 : f32 to vector<16xf32>
        %parallel_loop3A_185 = arith.addf %parallel_loop3A_182, %parallel_loop3A_184 : vector<16xf32>
        %parallel_loop3A_186 = arith.mulf %parallel_loop3A_185, %parallel_loop3A_149 : vector<16xf32>
        %parallel_loop3A_187 = arith.constant 0.084664613 : f32
        %parallel_loop3A_188 = vector.broadcast %parallel_loop3A_187 : f32 to vector<16xf32>
        %parallel_loop3A_189 = arith.addf %parallel_loop3A_186, %parallel_loop3A_188 : vector<16xf32>
        %parallel_loop3A_190 = arith.mulf %parallel_loop3A_189, %parallel_loop3A_149 : vector<16xf32>
        %parallel_loop3A_191 = arith.constant -0.214123935 : f32
        %parallel_loop3A_192 = vector.broadcast %parallel_loop3A_191 : f32 to vector<16xf32>
        %parallel_loop3A_193 = arith.addf %parallel_loop3A_190, %parallel_loop3A_192 : vector<16xf32>
        %parallel_loop3A_194 = arith.mulf %parallel_loop3A_193, %parallel_loop3A_149 : vector<16xf32>
        %parallel_loop3A_195 = arith.constant 1.57078779 : f32
        %parallel_loop3A_196 = vector.broadcast %parallel_loop3A_195 : f32 to vector<16xf32>
        %parallel_loop3A_197 = arith.addf %parallel_loop3A_194, %parallel_loop3A_196 : vector<16xf32>
        %parallel_loop3A_198 = arith.mulf %parallel_loop3A_179, %parallel_loop3A_197 : vector<16xf32>
        %parallel_loop3A_199 = arith.constant 4.77464819 : f32
        %parallel_loop3A_200 = vector.broadcast %parallel_loop3A_199 : f32 to vector<16xf32>
        %parallel_loop3A_201 = arith.mulf %parallel_loop3A_198, %parallel_loop3A_200 : vector<16xf32>
        %parallel_loop3A_202 = arith.constant 1.000000e+00 : f32
        %parallel_loop3A_203 = vector.broadcast %parallel_loop3A_202 : f32 to vector<16xf32>
        %parallel_loop3A_204 = arith.cmpf oge, %parallel_loop3A_149, %parallel_loop3A_203 : vector<16xf32>
        %parallel_loop3A_205 = arith.constant 0.000000e+00 : f32
        %parallel_loop3A_206 = vector.broadcast %parallel_loop3A_205 : f32 to vector<16xf32>
        %parallel_loop3A_207 = arith.select %parallel_loop3A_204, %parallel_loop3A_206, %parallel_loop3A_201 : vector<16xi1>, vector<16xf32>
        %parallel_loop3A_208 = arith.constant 0.000000e+00 : f32
        %parallel_loop3A_209 = vector.broadcast %parallel_loop3A_208 : f32 to vector<16xf32>
        %parallel_loop3A_210 = arith.cmpf olt, %parallel_loop3A_146, %parallel_loop3A_209 : vector<16xf32>
        %parallel_loop3A_211 = arith.constant 1.500000e+01 : f32
        %parallel_loop3A_212 = vector.broadcast %parallel_loop3A_211 : f32 to vector<16xf32>
        %parallel_loop3A_213 = arith.subf %parallel_loop3A_212, %parallel_loop3A_207 : vector<16xf32>
        %parallel_loop3A_214 = arith.select %parallel_loop3A_210, %parallel_loop3A_207, %parallel_loop3A_213 : vector<16xi1>, vector<16xf32>
        %parallel_loop3A_215 = arith.constant -3.000000e+00 : f32
        %parallel_loop3A_216 = vector.broadcast %parallel_loop3A_215 : f32 to vector<16xf32>
        %parallel_loop3A_217 = arith.subf %parallel_loop3A_148, %parallel_loop3A_216 : vector<16xf32>
        %parallel_loop3A_218 = arith.constant 1.375000e+00 : f32
        %parallel_loop3A_219 = vector.broadcast %parallel_loop3A_218 : f32 to vector<16xf32>
        %parallel_loop3A_220 = arith.mulf %parallel_loop3A_217, %parallel_loop3A_219 : vector<16xf32>
        %parallel_loop3A_221 = arith.constant 0.000000e+00 : f32
        %parallel_loop3A_222 = arith.constant 1.100000e+01 : f32
        %parallel_loop3A_223 = vector.broadcast %parallel_loop3A_221 : f32 to vector<16xf32>
        %parallel_loop3A_224 = arith.maximumf %parallel_loop3A_223, %parallel_loop3A_220 : vector<16xf32>
        %parallel_loop3A_225 = vector.broadcast %parallel_loop3A_222 : f32 to vector<16xf32>
        %parallel_loop3A_226 = arith.minimumf %parallel_loop3A_225, %parallel_loop3A_224 : vector<16xf32>
        %parallel_loop3A_227 = arith.fptosi %parallel_loop3A_214 : vector<16xf32> to vector<16xi32>
        %parallel_loop3A_228 = arith.fptosi %parallel_loop3A_226 : vector<16xf32> to vector<16xi32>
        %parallel_loop3A_229 = arith.sitofp %parallel_loop3A_227 : vector<16xi32> to vector<16xf32>
        %parallel_loop3A_230 = arith.subf %parallel_loop3A_214, %parallel_loop3A_229 : vector<16xf32>
        %parallel_loop3A_231 = arith.sitofp %parallel_loop3A_228 : vector<16xi32> to vector<16xf32>
        %parallel_loop3A_232 = arith.subf %parallel_loop3A_226, %parallel_loop3A_231 : vector<16xf32>
        %parallel_loop3A_233 = arith.constant 1 : i32
        %parallel_loop3A_234 = vector.broadcast %parallel_loop3A_233 : i32 to vector<16xi32>
        %parallel_loop3A_235 = arith.subi %parallel_loop3A_227, %parallel_loop3A_234 : vector<16xi32>
        %parallel_loop3A_236 = arith.constant 0 : i32
        %parallel_loop3A_237 = arith.constant 12 : i32
        %parallel_loop3A_238 = vector.broadcast %parallel_loop3A_236 : i32 to vector<16xi32>
        %parallel_loop3A_239 = arith.maxsi %parallel_loop3A_238, %parallel_loop3A_235 : vector<16xi32>
        %parallel_loop3A_240 = vector.broadcast %parallel_loop3A_237 : i32 to vector<16xi32>
        %parallel_loop3A_241 = arith.minsi %parallel_loop3A_240, %parallel_loop3A_239 : vector<16xi32>
        %parallel_loop3A_242 = arith.constant 1 : i32
        %parallel_loop3A_243 = vector.broadcast %parallel_loop3A_242 : i32 to vector<16xi32>
        %parallel_loop3A_244 = arith.subi %parallel_loop3A_228, %parallel_loop3A_243 : vector<16xi32>
        %parallel_loop3A_245 = arith.constant 0 : i32
        %parallel_loop3A_246 = arith.constant 8 : i32
        %parallel_loop3A_247 = vector.broadcast %parallel_loop3A_245 : i32 to vector<16xi32>
        %parallel_loop3A_248 = arith.maxsi %parallel_loop3A_247, %parallel_loop3A_244 : vector<16xi32>
        %parallel_loop3A_249 = vector.broadcast %parallel_loop3A_246 : i32 to vector<16xi32>
        %parallel_loop3A_250 = arith.minsi %parallel_loop3A_249, %parallel_loop3A_248 : vector<16xi32>
        %parallel_loop3A_251 = arith.constant 9 : i32
        %parallel_loop3A_252 = vector.broadcast %parallel_loop3A_251 : i32 to vector<16xi32>
        %parallel_loop3A_253 = arith.muli %parallel_loop3A_241, %parallel_loop3A_252 : vector<16xi32>
        %parallel_loop3A_254 = arith.addi %parallel_loop3A_253, %parallel_loop3A_250 : vector<16xi32>
        %parallel_loop3A_255 = arith.constant 17 : i32
        %parallel_loop3A_256 = vector.broadcast %parallel_loop3A_255 : i32 to vector<16xi32>
        %parallel_loop3A_257 = arith.muli %parallel_loop3A_254, %parallel_loop3A_256 : vector<16xi32>
        %parallel_loop3A_258 = arith.constant 0 : i32
        %parallel_loop3A_259 = tpu.memref_slice %arg10[%parallel_loop3A_258] : memref<16056xf32, #tpu.memory_space<vmem>> -> memref<16056xf32, #tpu.memory_space<vmem>>
        %parallel_loop3A_260 = tpu.vector_load_idx %parallel_loop3A_259[%parallel_loop3A_257] : memref<16056xf32, #tpu.memory_space<vmem>>[vector<16xi32>], vector<16xf32>,
        %parallel_loop3A_261 = arith.constant 2008 : i32
        %parallel_loop3A_262 = tpu.memref_slice %arg10[%parallel_loop3A_261] : memref<16056xf32, #tpu.memory_space<vmem>> -> memref<14048xf32, #tpu.memory_space<vmem>>
        %parallel_loop3A_263 = tpu.vector_load_idx %parallel_loop3A_262[%parallel_loop3A_257] : memref<14048xf32, #tpu.memory_space<vmem>>[vector<16xi32>], vector<16xf32>,
        %parallel_loop3A_264 = arith.constant 4016 : i32
        %parallel_loop3A_265 = tpu.memref_slice %arg10[%parallel_loop3A_264] : memref<16056xf32, #tpu.memory_space<vmem>> -> memref<12040xf32, #tpu.memory_space<vmem>>
        %parallel_loop3A_266 = tpu.vector_load_idx %parallel_loop3A_265[%parallel_loop3A_257] : memref<12040xf32, #tpu.memory_space<vmem>>[vector<16xi32>], vector<16xf32>,
        %parallel_loop3A_267 = arith.constant 6024 : i32
        %parallel_loop3A_268 = tpu.memref_slice %arg10[%parallel_loop3A_267] : memref<16056xf32, #tpu.memory_space<vmem>> -> memref<10032xf32, #tpu.memory_space<vmem>>
        %parallel_loop3A_269 = tpu.vector_load_idx %parallel_loop3A_268[%parallel_loop3A_257] : memref<10032xf32, #tpu.memory_space<vmem>>[vector<16xi32>], vector<16xf32>,
        %parallel_loop3A_270 = arith.constant 8032 : i32
        %parallel_loop3A_271 = tpu.memref_slice %arg10[%parallel_loop3A_270] : memref<16056xf32, #tpu.memory_space<vmem>> -> memref<8024xf32, #tpu.memory_space<vmem>>
        %parallel_loop3A_272 = tpu.vector_load_idx %parallel_loop3A_271[%parallel_loop3A_257] : memref<8024xf32, #tpu.memory_space<vmem>>[vector<16xi32>], vector<16xf32>,
        %parallel_loop3A_273 = arith.constant 10040 : i32
        %parallel_loop3A_274 = tpu.memref_slice %arg10[%parallel_loop3A_273] : memref<16056xf32, #tpu.memory_space<vmem>> -> memref<6016xf32, #tpu.memory_space<vmem>>
        %parallel_loop3A_275 = tpu.vector_load_idx %parallel_loop3A_274[%parallel_loop3A_257] : memref<6016xf32, #tpu.memory_space<vmem>>[vector<16xi32>], vector<16xf32>,
        %parallel_loop3A_276 = arith.constant 12048 : i32
        %parallel_loop3A_277 = tpu.memref_slice %arg10[%parallel_loop3A_276] : memref<16056xf32, #tpu.memory_space<vmem>> -> memref<4008xf32, #tpu.memory_space<vmem>>
        %parallel_loop3A_278 = tpu.vector_load_idx %parallel_loop3A_277[%parallel_loop3A_257] : memref<4008xf32, #tpu.memory_space<vmem>>[vector<16xi32>], vector<16xf32>,
        %parallel_loop3A_279 = arith.constant 14056 : i32
        %parallel_loop3A_280 = tpu.memref_slice %arg10[%parallel_loop3A_279] : memref<16056xf32, #tpu.memory_space<vmem>> -> memref<2000xf32, #tpu.memory_space<vmem>>
        %parallel_loop3A_281 = tpu.vector_load_idx %parallel_loop3A_280[%parallel_loop3A_257] : memref<2000xf32, #tpu.memory_space<vmem>>[vector<16xi32>], vector<16xf32>,
        %parallel_loop3A_282 = arith.constant 8 : i32
        %parallel_loop3A_283 = tpu.memref_slice %arg10[%parallel_loop3A_282] : memref<16056xf32, #tpu.memory_space<vmem>> -> memref<16048xf32, #tpu.memory_space<vmem>>
        %parallel_loop3A_284 = tpu.vector_load_idx %parallel_loop3A_283[%parallel_loop3A_257] : memref<16048xf32, #tpu.memory_space<vmem>>[vector<16xi32>], vector<16xf32>,
        %parallel_loop3A_285 = arith.constant 2016 : i32
        %parallel_loop3A_286 = tpu.memref_slice %arg10[%parallel_loop3A_285] : memref<16056xf32, #tpu.memory_space<vmem>> -> memref<14040xf32, #tpu.memory_space<vmem>>
        %parallel_loop3A_287 = tpu.vector_load_idx %parallel_loop3A_286[%parallel_loop3A_257] : memref<14040xf32, #tpu.memory_space<vmem>>[vector<16xi32>], vector<16xf32>,
        %parallel_loop3A_288 = arith.constant 4024 : i32
        %parallel_loop3A_289 = tpu.memref_slice %arg10[%parallel_loop3A_288] : memref<16056xf32, #tpu.memory_space<vmem>> -> memref<12032xf32, #tpu.memory_space<vmem>>
        %parallel_loop3A_290 = tpu.vector_load_idx %parallel_loop3A_289[%parallel_loop3A_257] : memref<12032xf32, #tpu.memory_space<vmem>>[vector<16xi32>], vector<16xf32>,
        %parallel_loop3A_291 = arith.constant 6032 : i32
        %parallel_loop3A_292 = tpu.memref_slice %arg10[%parallel_loop3A_291] : memref<16056xf32, #tpu.memory_space<vmem>> -> memref<10024xf32, #tpu.memory_space<vmem>>
        %parallel_loop3A_293 = tpu.vector_load_idx %parallel_loop3A_292[%parallel_loop3A_257] : memref<10024xf32, #tpu.memory_space<vmem>>[vector<16xi32>], vector<16xf32>,
        %parallel_loop3A_294 = arith.constant 8040 : i32
        %parallel_loop3A_295 = tpu.memref_slice %arg10[%parallel_loop3A_294] : memref<16056xf32, #tpu.memory_space<vmem>> -> memref<8016xf32, #tpu.memory_space<vmem>>
        %parallel_loop3A_296 = tpu.vector_load_idx %parallel_loop3A_295[%parallel_loop3A_257] : memref<8016xf32, #tpu.memory_space<vmem>>[vector<16xi32>], vector<16xf32>,
        %parallel_loop3A_297 = arith.constant 10048 : i32
        %parallel_loop3A_298 = tpu.memref_slice %arg10[%parallel_loop3A_297] : memref<16056xf32, #tpu.memory_space<vmem>> -> memref<6008xf32, #tpu.memory_space<vmem>>
        %parallel_loop3A_299 = tpu.vector_load_idx %parallel_loop3A_298[%parallel_loop3A_257] : memref<6008xf32, #tpu.memory_space<vmem>>[vector<16xi32>], vector<16xf32>,
        %parallel_loop3A_300 = arith.constant 12056 : i32
        %parallel_loop3A_301 = tpu.memref_slice %arg10[%parallel_loop3A_300] : memref<16056xf32, #tpu.memory_space<vmem>> -> memref<4000xf32, #tpu.memory_space<vmem>>
        %parallel_loop3A_302 = tpu.vector_load_idx %parallel_loop3A_301[%parallel_loop3A_257] : memref<4000xf32, #tpu.memory_space<vmem>>[vector<16xi32>], vector<16xf32>,
        %parallel_loop3A_303 = arith.constant 14064 : i32
        %parallel_loop3A_304 = tpu.memref_slice %arg10[%parallel_loop3A_303] : memref<16056xf32, #tpu.memory_space<vmem>> -> memref<1992xf32, #tpu.memory_space<vmem>>
        %parallel_loop3A_305 = tpu.vector_load_idx %parallel_loop3A_304[%parallel_loop3A_257] : memref<1992xf32, #tpu.memory_space<vmem>>[vector<16xi32>], vector<16xf32>,
        %parallel_loop3A_306 = arith.mulf %parallel_loop3A_269, %parallel_loop3A_232 : vector<16xf32>
        %parallel_loop3A_307 = arith.addf %parallel_loop3A_306, %parallel_loop3A_266 : vector<16xf32>
        %parallel_loop3A_308 = arith.mulf %parallel_loop3A_307, %parallel_loop3A_232 : vector<16xf32>
        %parallel_loop3A_309 = arith.addf %parallel_loop3A_308, %parallel_loop3A_263 : vector<16xf32>
        %parallel_loop3A_310 = arith.mulf %parallel_loop3A_309, %parallel_loop3A_232 : vector<16xf32>
        %parallel_loop3A_311 = arith.addf %parallel_loop3A_310, %parallel_loop3A_260 : vector<16xf32>
        %parallel_loop3A_312 = arith.mulf %parallel_loop3A_281, %parallel_loop3A_232 : vector<16xf32>
        %parallel_loop3A_313 = arith.addf %parallel_loop3A_312, %parallel_loop3A_278 : vector<16xf32>
        %parallel_loop3A_314 = arith.mulf %parallel_loop3A_313, %parallel_loop3A_232 : vector<16xf32>
        %parallel_loop3A_315 = arith.addf %parallel_loop3A_314, %parallel_loop3A_275 : vector<16xf32>
        %parallel_loop3A_316 = arith.mulf %parallel_loop3A_315, %parallel_loop3A_232 : vector<16xf32>
        %parallel_loop3A_317 = arith.addf %parallel_loop3A_316, %parallel_loop3A_272 : vector<16xf32>
        %parallel_loop3A_318 = arith.mulf %parallel_loop3A_293, %parallel_loop3A_232 : vector<16xf32>
        %parallel_loop3A_319 = arith.addf %parallel_loop3A_318, %parallel_loop3A_290 : vector<16xf32>
        %parallel_loop3A_320 = arith.mulf %parallel_loop3A_319, %parallel_loop3A_232 : vector<16xf32>
        %parallel_loop3A_321 = arith.addf %parallel_loop3A_320, %parallel_loop3A_287 : vector<16xf32>
        %parallel_loop3A_322 = arith.mulf %parallel_loop3A_321, %parallel_loop3A_232 : vector<16xf32>
        %parallel_loop3A_323 = arith.addf %parallel_loop3A_322, %parallel_loop3A_284 : vector<16xf32>
        %parallel_loop3A_324 = arith.mulf %parallel_loop3A_305, %parallel_loop3A_232 : vector<16xf32>
        %parallel_loop3A_325 = arith.addf %parallel_loop3A_324, %parallel_loop3A_302 : vector<16xf32>
        %parallel_loop3A_326 = arith.mulf %parallel_loop3A_325, %parallel_loop3A_232 : vector<16xf32>
        %parallel_loop3A_327 = arith.addf %parallel_loop3A_326, %parallel_loop3A_299 : vector<16xf32>
        %parallel_loop3A_328 = arith.mulf %parallel_loop3A_327, %parallel_loop3A_232 : vector<16xf32>
        %parallel_loop3A_329 = arith.addf %parallel_loop3A_328, %parallel_loop3A_296 : vector<16xf32>
        %parallel_loop3A_330 = arith.mulf %parallel_loop3A_329, %parallel_loop3A_230 : vector<16xf32>
        %parallel_loop3A_331 = arith.addf %parallel_loop3A_330, %parallel_loop3A_323 : vector<16xf32>
        %parallel_loop3A_332 = arith.mulf %parallel_loop3A_331, %parallel_loop3A_230 : vector<16xf32>
        %parallel_loop3A_333 = arith.addf %parallel_loop3A_332, %parallel_loop3A_317 : vector<16xf32>
        %parallel_loop3A_334 = arith.mulf %parallel_loop3A_333, %parallel_loop3A_230 : vector<16xf32>
        %parallel_loop3A_335 = arith.addf %parallel_loop3A_334, %parallel_loop3A_311 : vector<16xf32>
        %parallel_loop3A_336 = arith.constant -5.000000e-01 : f32
        %parallel_loop3A_337 = arith.constant 5.000000e-01 : f32
        %parallel_loop3A_338 = vector.broadcast %parallel_loop3A_336 : f32 to vector<16xf32>
        %parallel_loop3A_339 = arith.maximumf %parallel_loop3A_338, %parallel_loop3A_335 : vector<16xf32>
        %parallel_loop3A_340 = vector.broadcast %parallel_loop3A_337 : f32 to vector<16xf32>
        %parallel_loop3A_341 = arith.minimumf %parallel_loop3A_340, %parallel_loop3A_339 : vector<16xf32>
        %parallel_loop3A_342 = arith.index_cast %parallel_loop3A_144 : i32 to index
        %parallel_loop3A_343 = tpu.vector_load %arg13[%parallel_loop3A_342] {strides = array<i32>} : memref<16384xf32, #tpu.memory_space<vmem>>, vector<16xf32>,
        tpu.vector_store %arg13[%parallel_loop3A_342], %parallel_loop3A_341 {strides = array<i32>} : memref<16384xf32, #tpu.memory_space<vmem>>, vector<16xf32>,
      } {sc.loop_unroll_factor = 16 : i64, sc.parallel_access}
      %lt3A_126 = arith.constant 7 : i32
      %lt3A_127 = arith.cmpi slt, %scan3A_62, %lt3A_126 : i32
      %convert_element_type3A_128 = arith.extui %lt3A_127 : i1 to i32
      %cond3A_129 = arith.constant 0 : i32
      %cond3A_130 = arith.cmpi ne, %convert_element_type3A_128, %cond3A_129 : i32
      scf.if %cond3A_130 {
        %add3A_140 = arith.constant 2 : i32
        %add3A_141 = arith.addi %add3A_102, %add3A_140 : i32
        %mul3A_142 = arith.constant 8192 : i32
        %mul3A_143 = arith.muli %add3A_141, %mul3A_142 : i32
        %add3A_144 = arith.addi %mul3A_2, %mul3A_143 : i32
        %dma_start3A_145 = arith.constant 8192 : i32
        %dma_start3A_146 = tpu.memref_slice %arg11[%dma_start3A_145] : memref<16384xf32, #tpu.memory_space<vmem>> -> memref<8192xf32, #tpu.memory_space<vmem>>
        %dma_start3A_147 = tpu.memref_slice %arg2[%add3A_144] : memref<4194304xf32, #tpu.memory_space<hbm>> -> memref<8192xf32, #tpu.memory_space<hbm>>
        %dma_start3A_148 = arith.constant 8192 : i32
        %dma_start3A_149 = tpu.memref_slice %arg11[%dma_start3A_148] : memref<16384xf32, #tpu.memory_space<vmem>> -> memref<8192xf32, #tpu.memory_space<vmem>>
        %dma_start3A_150 = tpu.memref_slice %arg2[%add3A_144] : memref<4194304xf32, #tpu.memory_space<hbm>> -> memref<8192xf32, #tpu.memory_space<hbm>>
        tpu.enqueue_dma source(%dma_start3A_150 : memref<8192xf32, #tpu.memory_space<hbm>>) target(%dma_start3A_149 : memref<8192xf32, #tpu.memory_space<vmem>>) target_semaphore(%arg15 : memref<!tpu.dma_semaphore, #tpu.memory_space<semaphore_mem>>)
        %dma_start3A_151 = arith.constant 8192 : i32
        %dma_start3A_152 = tpu.memref_slice %arg12[%dma_start3A_151] : memref<16384xf32, #tpu.memory_space<vmem>> -> memref<8192xf32, #tpu.memory_space<vmem>>
        %dma_start3A_153 = tpu.memref_slice %arg3[%add3A_144] : memref<4194304xf32, #tpu.memory_space<hbm>> -> memref<8192xf32, #tpu.memory_space<hbm>>
        %dma_start3A_154 = arith.constant 8192 : i32
        %dma_start3A_155 = tpu.memref_slice %arg12[%dma_start3A_154] : memref<16384xf32, #tpu.memory_space<vmem>> -> memref<8192xf32, #tpu.memory_space<vmem>>
        %dma_start3A_156 = tpu.memref_slice %arg3[%add3A_144] : memref<4194304xf32, #tpu.memory_space<hbm>> -> memref<8192xf32, #tpu.memory_space<hbm>>
        tpu.enqueue_dma source(%dma_start3A_156 : memref<8192xf32, #tpu.memory_space<hbm>>) target(%dma_start3A_155 : memref<8192xf32, #tpu.memory_space<vmem>>) target_semaphore(%arg15 : memref<!tpu.dma_semaphore, #tpu.memory_space<semaphore_mem>>)
      } else {
      }
      %mul3A_131 = arith.constant 8192 : i32
      %mul3A_132 = arith.muli %add3A_102, %mul3A_131 : i32
      %add3A_133 = arith.addi %mul3A_2, %mul3A_132 : i32
      %dma_start3A_134 = arith.constant 8192 : i32
      %dma_start3A_135 = tpu.memref_slice %arg13[%dma_start3A_134] : memref<16384xf32, #tpu.memory_space<vmem>> -> memref<8192xf32, #tpu.memory_space<vmem>>
      %dma_start3A_136 = tpu.memref_slice %arg6[%add3A_133] : memref<4194304xf32, #tpu.memory_space<hbm>> -> memref<8192xf32, #tpu.memory_space<hbm>>
      %dma_start3A_137 = tpu.memref_slice %arg6[%add3A_133] : memref<4194304xf32, #tpu.memory_space<hbm>> -> memref<8192xf32, #tpu.memory_space<hbm>>
      %dma_start3A_138 = arith.constant 8192 : i32
      %dma_start3A_139 = tpu.memref_slice %arg13[%dma_start3A_138] : memref<16384xf32, #tpu.memory_space<vmem>> -> memref<8192xf32, #tpu.memory_space<vmem>>
      tpu.enqueue_dma source(%dma_start3A_139 : memref<8192xf32, #tpu.memory_space<vmem>>) target(%dma_start3A_137 : memref<8192xf32, #tpu.memory_space<hbm>>) target_semaphore(%arg17 : memref<!tpu.dma_semaphore, #tpu.memory_space<semaphore_mem>>)
    }
    %scan3A_46 = arith.constant 8 : i32
    %add3A_47 = arith.constant 114688 : i32
    %add3A_48 = arith.addi %mul3A_2, %add3A_47 : i32
    %dma_wait3A = arith.constant 0 : i32
    %dma_wait3A_49 = tpu.memref_slice %arg13[%dma_wait3A] : memref<16384xf32, #tpu.memory_space<vmem>> -> memref<8192xf32, #tpu.memory_space<vmem>>
    %dma_wait3A_50 = tpu.memref_slice %arg6[%add3A_48] : memref<4194304xf32, #tpu.memory_space<hbm>> -> memref<8192xf32, #tpu.memory_space<hbm>>
    %dma_wait3A_51 = tpu.memref_slice %arg6[%add3A_48] : memref<4194304xf32, #tpu.memory_space<hbm>> -> memref<8192xf32, #tpu.memory_space<hbm>>
    %dma_wait3A_52 = arith.constant 0 : i32
    %dma_wait3A_53 = tpu.memref_slice %arg13[%dma_wait3A_52] : memref<16384xf32, #tpu.memory_space<vmem>> -> memref<8192xf32, #tpu.memory_space<vmem>>
    tpu.wait_dma2 semaphore(%arg16 : memref<!tpu.dma_semaphore, #tpu.memory_space<semaphore_mem>>) src(%dma_wait3A_53 : memref<8192xf32, #tpu.memory_space<vmem>>) dst(%dma_wait3A_51 : memref<8192xf32, #tpu.memory_space<hbm>>)
    %add3A_54 = arith.constant 122880 : i32
    %add3A_55 = arith.addi %mul3A_2, %add3A_54 : i32
    %dma_wait3A_56 = arith.constant 8192 : i32
    %dma_wait3A_57 = tpu.memref_slice %arg13[%dma_wait3A_56] : memref<16384xf32, #tpu.memory_space<vmem>> -> memref<8192xf32, #tpu.memory_space<vmem>>
    %dma_wait3A_58 = tpu.memref_slice %arg6[%add3A_55] : memref<4194304xf32, #tpu.memory_space<hbm>> -> memref<8192xf32, #tpu.memory_space<hbm>>
    %dma_wait3A_59 = tpu.memref_slice %arg6[%add3A_55] : memref<4194304xf32, #tpu.memory_space<hbm>> -> memref<8192xf32, #tpu.memory_space<hbm>>
    %dma_wait3A_60 = arith.constant 8192 : i32
    %dma_wait3A_61 = tpu.memref_slice %arg13[%dma_wait3A_60] : memref<16384xf32, #tpu.memory_space<vmem>> -> memref<8192xf32, #tpu.memory_space<vmem>>
    tpu.wait_dma2 semaphore(%arg17 : memref<!tpu.dma_semaphore, #tpu.memory_space<semaphore_mem>>) src(%dma_wait3A_61 : memref<8192xf32, #tpu.memory_space<vmem>>) dst(%dma_wait3A_59 : memref<8192xf32, #tpu.memory_space<hbm>>)
    return
  }
}

</mosaic_0001>

<sc_bundles>
// kernel: kernel.3.cloned.1.call-start
scs
__scs_entry_jumppad:
0x0: {  	(pc) =	sbr.rel $0x88, $3  }
0x1: {  	(tag) =	ssettag $0x0;
	lr =	simm.s32 $0x1  }
0x2: {  	[smem:$0x3F9E] =	sst lr;
	_ =	strace $0xD0000000  }
0x3: {  	_ = 	snop  }
0x4: {  	_ = 	snop  }
0x5: {  	_ = 	snop  }
0x6: {  	_ = 	snop  }
0x7: {  	_ = 	snop  }
__scs_overlays_trampoline_lowered:
0x8: {  	[smem:$0x3FAD] =	sst s0  }
0x9: {  	[smem:$0x3FAE] =	sst s1  }
0xa: {  	[smem:$0x3FAF] =	sst s2  }
0xb: {  	[smem:$0x3FB0] =	sst s3  }
0xc: {  	[smem:$0x3FB1] =	sst s4  }
0xd: {  	[smem:$0x3FB2] =	sst s5  }
0xe: {  	[smem:$0x3FB3] =	sst s6  }
0xf: {  	[smem:$0x3FB4] =	sst s7  }
0x10: {  	[smem:$0x3FB5] =	sst s8  }
0x11: {  	[smem:$0x3FB6] =	sst s9;
	s0 =	simm.s32 @!p0 $0x0  }
0x12: {  	s1 =	sld [smem:$0x3F9C];
	s0 =	simm.s32 @p0 $0x1  }
0x13: {  	[smem:$0x3FB7] =	sst s0;
	s0 =	simm.s32 @!p1 $0x0  }
0x14: {  	s2 =	sld [smem:$0x3F9B];
	s0 =	simm.s32 @p1 $0x1  }
0x15: {  	[smem:$0x3FB8] =	sst s0;
	s0 =	simm.s32 @!p2 $0x0  }
0x16: {  	s3 =	sld [smem:$0x3FDB];
	s0 =	simm.s32 @p2 $0x1  }
0x17: {  	s4 =	simm.s32 $0x1BF5;
	[smem:$0x3FBA] =	sst s0  }
0x18: {  	s0 =	sld [smem:$0x3F9D];
	_ =	swait.ge [sflag:s4], $0x0  }
0x19: {  	s7 =	sld [smem:$0x3F9E]  }
0x1a: {  	s8 =	sadd.s32 $0xFFFFE003, lr  }
0x1b: {  	s9 =	sadd.s32 $0xFFFFFEF7, lr;
	s5 =	simm.s32 $0xFFFFFFFF;
	p2 =	slt.u32 s8, $0xFFFFF086  }
0x1c: {  	p1 =	slt.u32 s9, $0xF7A;
	s5 =	simm.s32 @!p2 $0x0  }
0x1d: {  	s5 =	simm.s32 @p1 $0x1;
	p0 =	seq.s32 s7, s2  }
0x1e: {  	s7 =	smul.u32 @!p0 $0xF7A, s2;
	p2 =	seq.s32 @!p0 s5, $0x0  }
0x1f: {  	s9 =	smul.u32 $0xF7A, s1;
	s8 =	simm.s32 @!p0 $0x1BF5;
	p2 =	por !p2, p0  }
0x20: {  	[sflag:s8] =	ssyncset.s32 @!p0 $0xFFFFF086;
	s6 =	sadd.s32 @!p0 s3, s7;
	s7 =	simm.s32 @!p0 $0x108  }
0x21: {  	s3 =	sadd.s32 s3, s9;
	s6 =	sadd.s32 @!p0 $0x88, s6;
	s7 =	simm.s32 @p2 $0x1082  }
0x22: {  	[simem:s7], [sflag:s8] =	dma.local @!p0 [hbm:s6], $0xF7A  }
0x23: {  	s9 =	sor.u32 $0xD0000000, s2;
	s6 =	simm.s32 $0x108;
	_ =	swait.ge @!p0 [sflag:s8], $0x0  }
0x24: {  	s3 =	sadd.s32 $0x88, s3;
	s6 =	simm.s32 @!p1 $0x1082;
	[sflag:s4] =	ssyncset.s32 $0xFFFFF086  }
0x25: {  	[simem:s6], [sflag:s4] =	dma.local [hbm:s3], $0xF7A  }
0x26: {  	[smem:$0x3F9E] =	sst s1;
	(tag) =	ssettag s2;
	_ =	strace s9  }
0x27: {  	s1 =	sld [smem:$0x3FAE]  }
0x28: {  	s2 =	sld [smem:$0x3FAF]  }
0x29: {  	s4 =	sld [smem:$0x3FB1]  }
0x2a: {  	p0 =	seq.s32 s5, $0x0;
	s5 =	sld [smem:$0x3FB2]  }
0x2b: {  	s6 =	sld [smem:$0x3FB3]  }
0x2c: {  	s7 =	sld [smem:$0x3FB4]  }
0x2d: {  	s3 =	simm.s32 $0x108;
	s8 =	sld [smem:$0x3FB5]  }
0x2e: {  	s3 =	simm.s32 @!p0 $0x1082;
	s9 =	sld [smem:$0x3FB6]  }
0x2f: {  	lr =	sadd.s32 s0, s3;
	s0 =	sld [smem:$0x3FAD]  }
0x30: {  	s3 =	sld [smem:$0x3FB0]  }
0x31: {  	[smem:$0x3FB9] =	sst s10  }
0x32: {  	s10 =	sld [smem:$0x3FB7];
	_ =	sdelay $0x3  }
0x33: {  	p0 =	seq.s32 s10, $0x1;
	s10 =	sld [smem:$0x3FB9];
	_ =	sdelay $0x3  }
0x34: {  	[smem:$0x3FB9] =	sst s10  }
0x35: {  	s10 =	sld [smem:$0x3FB8];
	_ =	sdelay $0x3  }
0x36: {  	p1 =	seq.s32 s10, $0x1;
	s10 =	sld [smem:$0x3FB9];
	_ =	sdelay $0x3  }
0x37: {  	[smem:$0x3FB9] =	sst s10  }
0x38: {  	s10 =	sld [smem:$0x3FBA]  }
0x39: {  	_ = 	snop;
	(pc) =	sbr.ind lr, $3  }
0x3a: {  	_ = 	snop  }
0x3b: {  	_ = 	snop  }
0x3c: {  	p2 =	seq.s32 s10, $0x1;
	s10 =	sld [smem:$0x3FB9]  }
0x3d: {  	_ =	shalt  }
0x3e: {  	_ =	shalt  }
0x3f: {  	_ =	shalt  }
0x40: {  	_ =	shalt  }
0x41: {  	_ =	shalt  }
0x42: {  	_ =	shalt  }
0x43: {  	_ =	shalt  }
0x44: {  	_ =	shalt  }
0x45: {  	_ =	shalt  }
0x46: {  	_ =	shalt  }
0x47: {  	_ =	shalt  }
0x48: {  	_ =	shalt  }
0x49: {  	_ =	shalt  }
0x4a: {  	_ =	shalt  }
0x4b: {  	_ =	shalt  }
0x4c: {  	_ =	shalt  }
0x4d: {  	_ =	shalt  }
0x4e: {  	_ =	shalt  }
0x4f: {  	_ =	shalt  }
0x50: {  	_ =	shalt  }
0x51: {  	_ =	shalt  }
0x52: {  	_ =	shalt  }
0x53: {  	_ =	shalt  }
0x54: {  	_ =	shalt  }
0x55: {  	_ =	shalt  }
0x56: {  	_ =	shalt  }
0x57: {  	_ =	shalt  }
0x58: {  	_ =	shalt  }
0x59: {  	_ =	shalt  }
0x5a: {  	_ =	shalt  }
0x5b: {  	_ =	shalt  }
0x5c: {  	_ =	shalt  }
0x5d: {  	_ =	shalt  }
0x5e: {  	_ =	shalt  }
0x5f: {  	_ =	shalt  }
0x60: {  	_ =	shalt  }
0x61: {  	_ =	shalt  }
0x62: {  	_ =	shalt  }
0x63: {  	_ =	shalt  }
0x64: {  	_ =	shalt  }
0x65: {  	_ =	shalt  }
0x66: {  	_ =	shalt  }
0x67: {  	_ =	shalt  }
0x68: {  	_ =	shalt  }
0x69: {  	_ =	shalt  }
0x6a: {  	_ =	shalt  }
0x6b: {  	_ =	shalt  }
0x6c: {  	_ =	shalt  }
0x6d: {  	_ =	shalt  }
0x6e: {  	_ =	shalt  }
0x6f: {  	_ =	shalt  }
0x70: {  	_ =	shalt  }
0x71: {  	_ =	shalt  }
0x72: {  	_ =	shalt  }
0x73: {  	_ =	shalt  }
0x74: {  	_ =	shalt  }
0x75: {  	_ =	shalt  }
0x76: {  	_ =	shalt  }
0x77: {  	_ =	shalt  }
0x78: {  	_ =	shalt  }
0x79: {  	_ =	shalt  }
0x7a: {  	_ =	shalt  }
0x7b: {  	_ =	shalt  }
0x7c: {  	_ =	shalt  }
0x7d: {  	_ =	shalt  }
0x7e: {  	_ =	shalt  }
0x7f: {  	_ =	shalt  }
0x80: {  	_ =	shalt  }
0x81: {  	_ =	shalt  }
0x82: {  	_ =	shalt  }
0x83: {  	_ =	shalt  }
0x84: {  	_ =	shalt  }
0x85: {  	_ =	shalt  }
0x86: {  	_ =	shalt  }
0x87: {  	_ =	shalt  }
.Lfunc_end0:
.L_simem_size_0:
called_computation_lowered:
.L_overlay_start_0:
0x88: {  	s2 =	sld [smem:$0x3FD9]  }
0x89: {  	s3 =	sld [smem:$0x3FFE];
	_ =	sdelay $0x1  }
0x8a: {  	s1 =	srdreg.scid  }
0x8b: {  	s0 =	sand.u32 $0x1, s1  }
0x8c: {  	s17 =	sshll.u32 s0, $0xA;
	s2 =	sadd.s32 s3, s2  }
0x8d: {  	s2 =	sadd.s32 s2, s17  }
0x8e: {  	[smem:$0x3FC5] =	sst s2  }
0x8f: {  	_ = 	snop  }
0x90: {  	s2 =	sld [smem:$0x3FC8]  }
0x91: {  	s18 =	sld [smem:$0x3FD0];
	(tm) =	ssettm $0x1  }
0x92: {  	s4 =	sld [smem:$0x3FFB];
	_ =	sdelay $0x3  }
0x93: {  	_ =	strace s4  }
0x94: {  	s4 =	sld [smem:$0x3FFC];
	_ =	sdelay $0x3  }
0x95: {  	_ =	strace s4  }
0x96: {  	s4 =	sld [smem:$0x3FFD];
	_ =	sdelay $0x3  }
0x97: {  	_ =	strace s4  }
0x98: {  	_ =	strace $0x8FFFFFFF  }
0x99: {  	s19 =	sld [smem:$0x3FDB];
	_ =	sdelay $0x1  }
0x9a: {  	s5 =	simm.s32 $_scs_section_size  }
0x9b: {  	s6 =	simm.s32 $_size__tile_overlayer_lowered;
	s7 =	simm.s32 $_tile_overlayer_lowered  }
0x9c: {  	s22 =	simm.s32 $0x1BFF;
	s21 =	sshll.u32 s7, $0x1;
	s4 =	sadd.s32 s5, s19  }
0x9d: {  	s8 =	simm.s32 $0x0;
	s20 =	sshll.u32 s6, $0x1;
	s6 =	sadd.s32 s21, s4  }
0x9e: {  	[timem:s8], [sflag:s22] =	dma.local [hbm:s6], s20  }
0x9f: {  	_ =	swait.ge [sflag:s22], s20  }
0xa0: {  	s5 =	ssub.s32 $0x0, s20;
	[sflag:s22] =	ssyncset.done $0x0  }
0xa1: {  	[sflag:s22] =	ssyncadd.s32 s5;
	_ =	sdelay $0x1  }
0xa2: {  	s23 =	simm.s32 $0x1B8B  }
0xa3: {  	_ =	swait.ge [sflag:s23], $0x1  }
0xa4: {  	[sflag:s23] =	ssyncset.done $0x0  }
0xa5: {  	s25 =	simm.s32 $0x1B8E;
	s24 =	sld [smem:$0x3FFE];
	[sflag:s23] =	ssyncadd.s32 $0xFFFFFFFF  }
0xa6: {  	s26 =	simm.s32 $execute0_lowered;
	[smem:$0x3FD2] =	sst s25  }
0xa7: {  	s6 =	sshll.u32 s26, $0x1;
	_ =	strace $0x80000046;
	[dreg:$0x1] =	wrdreg $0xFFFFFFFF  }
0xa8: {  	s28 =	simm.s32 $_size_execute0_lowered;
	s4 =	sadd.s32 s4, s6;
	[dreg:$0x0] =	wrdreg $0x0  }
0xa9: {  	s6 =	sshll.u32 s28, $0x1;
	[dreg:$0x2] =	wrdreg s4  }
0xaa: {  	[dreg:$0x3] =	wrdreg s6  }
0xab: {  	[dreg:$0x4] =	wrdreg $0xC0  }
0xac: {  	_ =	task [dreg:s8], $0x5FFFF  }
0xad: {  	[dreg:$0x1] =	wrdreg $0xFFFFFFFF  }
0xae: {  	[dreg:$0x0] =	wrdreg $0x60  }
0xaf: {  	[dreg:$0x2] =	wrdreg s24  }
0xb0: {  	[dreg:$0x3] =	wrdreg s2  }
0xb1: {  	[dreg:$0x4] =	wrdreg s18  }
0xb2: {  	[dreg:$0x5] =	wrdreg $0x9  }
0xb3: {  	_ =	task.clear_ibuf [dreg:s8], $0x6FFFF;
	_ =	strace $0x90000046  }
0xb4: {  	s29 =	simm.s32 $0x9;
	_ =	strace $0x80000048  }
0xb5: {  	_ =	swait.ge [sflag:s29], $0x1  }
0xb6: {  	[sflag:s29] =	ssyncadd.s32 $0xFFFFFFFF  }
0xb7: {  	_ =	strace $0x90000048  }
0xb8: {  	_ =	sfence  }
0xb9: {  	s30 =	sld [smem:$0x0];
	_ =	sdelay $0x2  }
0xba: {  	s31 =	sshll.u32 s1, $0xD;
	s1 =	sshrl.u32 s1, $0x2  }
0xbb: {  	s3 =	sand.u32 $0x4000, s31;
	s1 =	sadd.s32 s1, s30  }
0xbc: {  	s0 =	sor.u32 s3, s0;
	s1 =	sshll.u32 s1, $0x11  }
0xbd: {  	s0 =	sor.u32 s1, s0  }
0xbe: {  	s0 =	sadd.s32 $0x8F2B, s0  }
0xbf: {  	[sflag:s0] =	ssyncadd.remote.s32 $0x1  }
0xc0: {  	_ =	sfence.sel $0xFFFF  }
0xc1: {  	[dreg:$0x0] =	wrdreg $0xFFFFFFFF;
	(pc) =	sbr.abs _section_cstart, $3  }
0xc2: {  	[dreg:$0x1] =	wrdreg $0xFFFFFFFF  }
0xc3: {  	_ =	task.clear_ibuf [dreg:s8], $0x2FFFF;
	_ =	strace $0x9FFFFFFF  }
0xc4: {  	(tm) =	ssettm $0x7FFFFFFF  }
0xc5: {  	_ =	shalt  }
tec
execute0_lowered:
.L_overlay_start_1:
0x0: {  	(tag) =	ssettag $0x1  }
0x1: {  	s0 =	rddreg [dreg:$0x0]  }
0x2: {  	s6 =	rddreg [dreg:$0x1];
	s4 =	simm.s32 $0x0;
	s1 =	srdreg.scid  }
0x3: {  	s2 =	stileid.u32;
	s18 =	simm.s32 $0x200;
	s19 =	simm.s32 $0xA00  }
0x4: {  	s28 =	simm.s32 $0x2188;
	s29 =	simm.s32 $0x2960;
	s30 =	simm.s32 $0x3138  }
0x5: {  	s31 =	simm.s32 $0x3910;
	s17 =	simm.s32 $0x11E0;
	s20 =	simm.s32 $0x19B8  }
0x6: {  	s21 =	simm.s32 $0x2190;
	s8 =	simm.s32 $0x40F0;
	s10 =	simm.s32 $0x2  }
0x7: {  	s9 =	simm.s32 $0x0;
	[smem:$0x7FF] =	sst s4;
	s1 =	sand.u32 $0x1, s1  }
0x8: {  	s5 =	sadd.s32 $0x800, s0;
	s2 =	sshll.u32 s2, $0x12;
	s7 =	sadd.s32 $0x600, s0  }
0x9: {  	s0 =	sadd.s32 $0x80800, s0;
	s13 =	smov.u32 s6;
	_ =	strace $0x80000047  }
0xa: {  	s3 =	sshll.u32 s1, $0x11;
	[dreg:$0x4] =	wrdreg s7;
	s1 =	ssub.s32 $0x2, s1  }
0xb: {  	[dreg:$0x5] =	wrdreg s0;
	s7 =	sor.u32 s3, s2;
	s22 =	sshrl.u32 s1, $0x1  }
0xc: {  	s3 =	simm.s32 $0xA08;
	s2 =	sshrl.u32 s7, $0x3;
	s0 =	ssub.s32 s1, s22  }
0xd: {  	s26 =	sor.u32 $0x4000, s7;
	s14 =	sor.u32 $0x6000, s7;
	s22 =	simm.s32 $0x2968  }
0xe: {  	s23 =	sadd.s32 s5, s2;
	s24 =	sor.u32 $0x400, s2;
	[dreg:$0xa] =	wrdreg s26  }
0xf: {  	s2 =	sadd.s32 s6, s2;
	s0 =	smax.u32 s0, $0x1;
	[dreg:$0x6] =	wrdreg s23  }
0x10: {  	s26 =	simm.s32 $0x19B0;
	[dreg:$0x7] =	wrdreg s2;
	s25 =	sadd.s32 s5, s24  }
0x11: {  	s1 =	sadd.s32 s6, s24;
	[dreg:$0xb] =	wrdreg s0;
	s24 =	simm.s32 $0x1  }
0x12: {  	s0 =	simm.s32 $0x40E8;
	s23 =	simm.s32 $0x3140;
	[dreg:$0x8] =	wrdreg s25  }
0x13: {  	v0 =	vlaneseq.u32;
	s6 =	simm.s32 $0x3918;
	[dreg:$0x9] =	wrdreg s1;
	s25 =	simm.s32 $0x11D8  }
.LBB2_1:
0x14: {  	s1 =	smulhi.u32 $0x38E38E39, s4;
	s2 =	rddreg [dreg:$0x4]  }
0x15: {  	[tilespmem:s4], [sflag:$0x5] =	stream.linear.gather [hbm4b:s2+s4], $0x100, $0x38;
	[tilespmem:$0x10900] =	vst v63  }
0x16: {  	[dreg:$0xc] =	wrdreg s9;
	s15 =	simm.s32 $0x5;
	s1 =	sshrl.u32 s1, $0x1  }
0x17: {  	_ =	swait.ge [sflag:s15], $0x100;
	s1 =	smul.u32 $0x3, s1  }
0x18: {  	s11 =	simm.s32 $0x100;
	[sflag:s15] =	ssyncset.done $0x0  }
0x19: {  	s16 =	rddreg [dreg:$0x5];
	[sflag:s15] =	ssyncadd.s32 $0xFFFFFF00;
	s1 =	sadd.s32 $0x0, s1  }
0x1a: {  	[tilespmem:s11], [sflag:$0x5] =	stream.linear.gather [hbm4b:s16+s4], $0x100, $0x38;
	v1 =	vmov s1;
	[tilespmem:$0x10900] =	vst v63  }
0x1b: {  	s11 =	sadd.s32 $0x1, s1;
	_ =	swait.ge [sflag:s15], $0x100  }
0x1c: {  	v2 =	vmov s11;
	[sflag:s15] =	ssyncset.done $0x0  }
0x1d: {  	s12 =	sadd.s32 $0x2, s1;
	[sflag:s15] =	ssyncadd.s32 $0xFFFFFF00  }
0x1e: {  	v3 =	vmov s12;
	s15 =	sadd.s32 $0x3, s1;
	v4 =	vld [tilespmem:$0x100]  }
0x1f: {  	v5 =	vmov s15;
	v1 =	vld.idx.msk [tilespmem:v1+s4+$0x0], $0xffff  }
0x20: {  	s16 =	sadd.s32 $0xC, s1;
	v6 =	vld [tilespmem:$0x110]  }
0x21: {  	v7 =	vmov s16;
	v2 =	vld.idx.msk [tilespmem:v2+s4+$0x0], $0xffff  }
0x22: {  	s9 =	sadd.s32 $0xD, s1;
	v8 =	vld [tilespmem:$0x120]  }
0x23: {  	v9 =	vmov s9;
	v3 =	vld.idx.msk [tilespmem:v3+s4+$0x0], $0xffff  }
0x24: {  	s11 =	sadd.s32 $0xE, s1;
	v1 =	vmul.f32 v4, v1;
	v4 =	vld.idx.msk [tilespmem:v5+s4+$0x0], $0xffff  }
0x25: {  	v10 =	vmov s11;
	v5 =	vld [tilespmem:$0x130]  }
0x26: {  	s12 =	sadd.s32 $0xF, s1;
	v2 =	vmul.f32 v6, v2;
	v6 =	vld.idx.msk [tilespmem:v7+s4+$0x0], $0xffff;
	v1 =	vadd.f32 $0.0e+00, v1  }
0x27: {  	v11 =	vmov s12;
	v7 =	vld [tilespmem:$0x140]  }
0x28: {  	s15 =	sadd.s32 $0x18, s1;
	v1 =	vadd.f32 v2, v1;
	v2 =	vmul.f32 v8, v3;
	v3 =	vld.idx.msk [tilespmem:v9+s4+$0x0], $0xffff  }
0x29: {  	v45 =	vmov s15;
	v8 =	vld [tilespmem:$0x150]  }
0x2a: {  	s16 =	sadd.s32 $0x19, s1;
	v1 =	vadd.f32 v2, v1;
	v2 =	vmul.f32 v5, v4;
	v4 =	vld.idx.msk [tilespmem:v10+s4+$0x0], $0xffff  }
0x2b: {  	v46 =	vmov s16;
	v5 =	vld [tilespmem:$0x160]  }
0x2c: {  	s9 =	sadd.s32 $0x1A, s1;
	v1 =	vadd.f32 v2, v1;
	v2 =	vmul.f32 v7, v6;
	v6 =	vld.idx.msk [tilespmem:v11+s4+$0x0], $0xffff  }
0x2d: {  	v47 =	vmov s9;
	v7 =	vld [tilespmem:$0x170]  }
0x2e: {  	s11 =	sadd.s32 $0x1B, s1;
	v1 =	vadd.f32 v2, v1;
	v2 =	vmul.f32 v8, v3;
	v3 =	vld.idx.msk [tilespmem:v45+s4+$0x0], $0xffff  }
0x2f: {  	v48 =	vmov s11;
	v8 =	vld [tilespmem:$0x180]  }
0x30: {  	s12 =	sadd.s32 $0x24, s1;
	v1 =	vadd.f32 v2, v1;
	v2 =	vmul.f32 v5, v4;
	v4 =	vld.idx.msk [tilespmem:v46+s4+$0x0], $0xffff  }
0x31: {  	v49 =	vmov s12;
	v5 =	vld [tilespmem:$0x190]  }
0x32: {  	s15 =	sadd.s32 $0x25, s1;
	v1 =	vadd.f32 v2, v1;
	v2 =	vmul.f32 v7, v6;
	v6 =	vld.idx.msk [tilespmem:v47+s4+$0x0], $0xffff  }
0x33: {  	v50 =	vmov s15;
	v7 =	vld [tilespmem:$0x1A0]  }
0x34: {  	s16 =	sadd.s32 $0x26, s1;
	v1 =	vadd.f32 v2, v1;
	v2 =	vmul.f32 v8, v3;
	v3 =	vld.idx.msk [tilespmem:v48+s4+$0x0], $0xffff  }
0x35: {  	v51 =	vmov s16;
	v8 =	vld [tilespmem:$0x1B0]  }
0x36: {  	s1 =	sadd.s32 $0x27, s1;
	v1 =	vadd.f32 v2, v1;
	v2 =	vmul.f32 v5, v4;
	v4 =	vld.idx.msk [tilespmem:v49+s4+$0x0], $0xffff  }
0x37: {  	v52 =	vmov s1;
	v5 =	vld [tilespmem:$0x1C0]  }
0x38: {  	v1 =	vadd.f32 v2, v1;
	v2 =	vmul.f32 v7, v6;
	v6 =	vld.idx.msk [tilespmem:v50+s4+$0x0], $0xffff  }
0x39: {  	v7 =	vld [tilespmem:$0x1D0]  }
0x3a: {  	v1 =	vadd.f32 v2, v1;
	v2 =	vmul.f32 v8, v3;
	v3 =	vld.idx.msk [tilespmem:v51+s4+$0x0], $0xffff  }
0x3b: {  	s9 =	simm.s32 $0x1;
	v8 =	vld [tilespmem:$0x1E0]  }
0x3c: {  	s1 =	smulhi.u32 $0x38E38E39, s9;
	v1 =	vadd.f32 v2, v1;
	v2 =	vmul.f32 v5, v4;
	v4 =	vld.idx.msk [tilespmem:v52+s4+$0x0], $0xffff  }
0x3d: {  	v5 =	vld [tilespmem:$0x1F0]  }
0x3e: {  	s1 =	sshrl.u32 s1, $0x1;
	v1 =	vadd.f32 v2, v1;
	v2 =	vmul.f32 v7, v6  }
0x3f: {  	s1 =	smul.u32 $0x3, s1  }
0x40: {  	v1 =	vadd.f32 v2, v1;
	v2 =	vmul.f32 v8, v3  }
0x41: {  	s1 =	sadd.s32 $0x1, s1;
	v3 =	vadd.s32 s4, v0  }
0x42: {  	v6 =	vmov s1;
	v1 =	vadd.f32 v2, v1;
	v2 =	vmul.f32 v5, v4  }
0x43: {  	s11 =	sadd.s32 $0x1, s1  }
0x44: {  	v4 =	vmov s11;
	v1 =	vadd.f32 v2, v1;
	_ =	sdelay $0x1  }
0x45: {  	s12 =	sadd.s32 $0x2, s1;
	[tilespmem:v3+s18+$0x0] =	vst.idx.msk $0xffff, v1  }
0x46: {  	s15 =	sadd.s32 $0x3, s1;
	v2 =	vmov s12;
	v1 =	vld.idx.msk [tilespmem:v6+s4+$0x0], $0xffff  }
0x47: {  	v5 =	vmov s15;
	v3 =	vld [tilespmem:$0x100]  }
0x48: {  	s16 =	sadd.s32 $0xC, s1;
	v4 =	vld.idx.msk [tilespmem:v4+s4+$0x0], $0xffff  }
0x49: {  	v7 =	vmov s16;
	v6 =	vld [tilespmem:$0x110]  }
0x4a: {  	v8 =	vld [tilespmem:$0x120]  }
0x4b: {  	s9 =	sadd.s32 $0xD, s1;
	v2 =	vld.idx.msk [tilespmem:v2+s4+$0x0], $0xffff  }
0x4c: {  	v53 =	vmov s9;
	s11 =	sadd.s32 $0xE, s1;
	v1 =	vmul.f32 v3, v1;
	v3 =	vld.idx.msk [tilespmem:v5+s4+$0x0], $0xffff  }
0x4d: {  	v54 =	vmov s11;
	v5 =	vld [tilespmem:$0x130]  }
0x4e: {  	s12 =	sadd.s32 $0xF, s1;
	v4 =	vmul.f32 v6, v4;
	v6 =	vld.idx.msk [tilespmem:v7+s4+$0x0], $0xffff;
	v1 =	vadd.f32 $0.0e+00, v1  }
0x4f: {  	v55 =	vmov s12;
	v7 =	vld [tilespmem:$0x140]  }
0x50: {  	s15 =	sadd.s32 $0x18, s1;
	v2 =	vmul.f32 v8, v2;
	v8 =	vld [tilespmem:$0x150];
	v1 =	vadd.f32 v4, v1  }
0x51: {  	v56 =	vmov s15;
	v4 =	vld.idx.msk [tilespmem:v53+s4+$0x0], $0xffff  }
0x52: {  	s16 =	sadd.s32 $0x19, s1;
	v1 =	vadd.f32 v2, v1;
	v2 =	vmul.f32 v5, v3;
	v3 =	vld.idx.msk [tilespmem:v54+s4+$0x0], $0xffff  }
0x53: {  	v57 =	vmov s16;
	v5 =	vld [tilespmem:$0x160]  }
0x54: {  	s9 =	sadd.s32 $0x1A, s1;
	v1 =	vadd.f32 v2, v1;
	v2 =	vmul.f32 v7, v6;
	v6 =	vld.idx.msk [tilespmem:v55+s4+$0x0], $0xffff  }
0x55: {  	v58 =	vmov s9;
	v7 =	vld [tilespmem:$0x170]  }
0x56: {  	v1 =	vadd.f32 v2, v1;
	v2 =	vmul.f32 v8, v4;
	v4 =	vld.idx.msk [tilespmem:v56+s4+$0x0], $0xffff  }
0x57: {  	s11 =	sadd.s32 $0x1B, s1;
	v8 =	vld [tilespmem:$0x180]  }
0x58: {  	v59 =	vmov s11;
	v1 =	vadd.f32 v2, v1;
	v2 =	vmul.f32 v5, v3;
	v3 =	vld.idx.msk [tilespmem:v57+s4+$0x0], $0xffff  }
0x59: {  	s12 =	sadd.s32 $0x24, s1;
	v5 =	vld [tilespmem:$0x190]  }
0x5a: {  	v60 =	vmov s12;
	v1 =	vadd.f32 v2, v1;
	v2 =	vmul.f32 v7, v6;
	v6 =	vld.idx.msk [tilespmem:v58+s4+$0x0], $0xffff  }
0x5b: {  	s15 =	sadd.s32 $0x25, s1;
	v7 =	vld [tilespmem:$0x1A0]  }
0x5c: {  	s16 =	sadd.s32 $0x26, s1;
	v61 =	vmov s15;
	v62 =	vld [tilespmem:$0x1B0];
	v1 =	vadd.f32 v2, v1;
	v2 =	vmul.f32 v8, v4  }
0x5d: {  	v12 =	vmov s16;
	v8 =	vld.idx.msk [tilespmem:v59+s4+$0x0], $0xffff  }
0x5e: {  	s1 =	sadd.s32 $0x27, s1;
	v63 =	vld [tilespmem:$0x1C0];
	v1 =	vadd.f32 v2, v1;
	v2 =	vmul.f32 v5, v3  }
0x5f: {  	v13 =	vmov s1;
	v3 =	vld.idx.msk [tilespmem:v60+s4+$0x0], $0xffff  }
0x60: {  	v4 =	vld [tilespmem:$0x1D0];
	v5 =	vmul.f32 v7, v6;
	v2 =	vadd.f32 v2, v1  }
0x61: {  	v1 =	vld.idx.msk [tilespmem:v61+s4+$0x0], $0xffff  }
0x62: {  	v7 =	vmul.f32 v62, v8;
	v6 =	vadd.f32 v5, v2;
	v2 =	vld.idx.msk [tilespmem:v12+s4+$0x0], $0xffff  }
0x63: {  	s2 =	simm.s32 $0x2;
	v5 =	vld [tilespmem:$0x1E0]  }
0x64: {  	s9 =	simm.s32 $0x0;
	s11 =	simm.s32 $0x3;
	s12 =	smulhi.u32 $0x38E38E39, s2;
	v6 =	vadd.f32 v7, v6;
	v7 =	vmul.f32 v63, v3;
	v3 =	vld.idx.msk [tilespmem:v13+s4+$0x0], $0xffff  }
.LBB2_2:
0x65: {  	p0 =	sne.s32 s11, $0x74;
	v8 =	vld [tilespmem:$0x1F0]  }
0x66: {  	s1 =	sshrl.u32 s12, $0x1;
	v6 =	vadd.f32 v7, v6;
	v1 =	vmul.f32 v4, v1  }
0x67: {  	s1 =	smul.u32 $0x3, s1  }
0x68: {  	s9 =	sadd.s32 $0x11, s9;
	v1 =	vadd.f32 v1, v6;
	v2 =	vmul.f32 v5, v2  }
0x69: {  	v4 =	vadd.s32 s9, v0;
	s12 =	sadd.s32 s1, s2;
	s2 =	smov.u32 s11  }
0x6a: {  	v5 =	vmov s12;
	v1 =	vadd.f32 v2, v1;
	v2 =	vmul.f32 v8, v3  }
0x6b: {  	s1 =	sadd.s32 $0x1, s12  }
0x6c: {  	v3 =	vmov s1;
	v1 =	vadd.f32 v2, v1  }
0x6d: {  	s15 =	sadd.s32 $0x2, s12  }
0x6e: {  	s1 =	simm.s32 $0x0;
	v2 =	vmov s15;
	[tilespmem:v4+s18+$0x0] =	vst.idx.msk $0xffff, v1  }
0x6f: {  	s15 =	sadd.s32 $0x3, s12;
	v1 =	vld.idx.msk [tilespmem:v5+s1+$0x0], $0xffff  }
0x70: {  	v5 =	vmov s15;
	v4 =	vld [tilespmem:$0x100]  }
0x71: {  	s15 =	sadd.s32 $0xC, s12;
	v3 =	vld.idx.msk [tilespmem:v3+s1+$0x0], $0xffff  }
0x72: {  	v7 =	vmov s15;
	v6 =	vld [tilespmem:$0x110]  }
0x73: {  	s15 =	sadd.s32 $0xD, s12;
	v2 =	vld.idx.msk [tilespmem:v2+s1+$0x0], $0xffff  }
0x74: {  	v9 =	vmov s15;
	v8 =	vld [tilespmem:$0x120]  }
0x75: {  	s15 =	sadd.s32 $0xE, s12;
	v1 =	vmul.f32 v4, v1;
	v4 =	vld.idx.msk [tilespmem:v5+s1+$0x0], $0xffff  }
0x76: {  	v10 =	vmov s15;
	v5 =	vld [tilespmem:$0x130]  }
0x77: {  	s15 =	sadd.s32 $0xF, s12;
	v1 =	vadd.f32 $0.0e+00, v1;
	v3 =	vmul.f32 v6, v3;
	v6 =	vld.idx.msk [tilespmem:v7+s1+$0x0], $0xffff  }
0x78: {  	v11 =	vmov s15;
	v7 =	vld [tilespmem:$0x140]  }
0x79: {  	s15 =	sadd.s32 $0x18, s12;
	v1 =	vadd.f32 v3, v1;
	v2 =	vmul.f32 v8, v2;
	v3 =	vld.idx.msk [tilespmem:v9+s1+$0x0], $0xffff  }
0x7a: {  	v9 =	vmov s15;
	v8 =	vld [tilespmem:$0x150]  }
0x7b: {  	s15 =	sadd.s32 $0x19, s12;
	v1 =	vadd.f32 v2, v1;
	v2 =	vmul.f32 v5, v4;
	v4 =	vld.idx.msk [tilespmem:v10+s1+$0x0], $0xffff  }
0x7c: {  	v10 =	vmov s15;
	v5 =	vld [tilespmem:$0x160]  }
0x7d: {  	s15 =	sadd.s32 $0x1A, s12;
	v1 =	vadd.f32 v2, v1;
	v2 =	vmul.f32 v7, v6;
	v6 =	vld.idx.msk [tilespmem:v11+s1+$0x0], $0xffff  }
0x7e: {  	v11 =	vmov s15;
	v7 =	vld [tilespmem:$0x170]  }
0x7f: {  	s15 =	sadd.s32 $0x1B, s12;
	v1 =	vadd.f32 v2, v1;
	v2 =	vmul.f32 v8, v3;
	v3 =	vld.idx.msk [tilespmem:v9+s1+$0x0], $0xffff  }
0x80: {  	v9 =	vmov s15;
	v8 =	vld [tilespmem:$0x180]  }
0x81: {  	s15 =	sadd.s32 $0x24, s12;
	v1 =	vadd.f32 v2, v1;
	v2 =	vmul.f32 v5, v4;
	v4 =	vld.idx.msk [tilespmem:v10+s1+$0x0], $0xffff  }
0x82: {  	v10 =	vmov s15;
	v5 =	vld [tilespmem:$0x190]  }
0x83: {  	s15 =	sadd.s32 $0x25, s12;
	v1 =	vadd.f32 v2, v1;
	v2 =	vmul.f32 v7, v6;
	v6 =	vld.idx.msk [tilespmem:v11+s1+$0x0], $0xffff  }
0x84: {  	v11 =	vmov s15;
	v7 =	vld [tilespmem:$0x1A0]  }
0x85: {  	s15 =	sadd.s32 $0x26, s12;
	v1 =	vadd.f32 v2, v1;
	v2 =	vmul.f32 v8, v3;
	v3 =	vld.idx.msk [tilespmem:v9+s1+$0x0], $0xffff  }
0x86: {  	v9 =	vmov s15;
	v8 =	vld [tilespmem:$0x1B0]  }
0x87: {  	s12 =	sadd.s32 $0x27, s12;
	v1 =	vadd.f32 v2, v1;
	v2 =	vmul.f32 v5, v4;
	v10 =	vld.idx.msk [tilespmem:v10+s1+$0x0], $0xffff  }
0x88: {  	v13 =	vmov s12;
	v12 =	vld [tilespmem:$0x1C0]  }
.Ltmp0:
0x89: {  	v2 =	vadd.f32 v2, v1;
	v5 =	vmul.f32 v7, v6;
	v1 =	vld.idx.msk [tilespmem:v11+s1+$0x0], $0xffff;
	(pc) =	sbr.rel @p0 .LBB2_2-.Ltmp0, $4  }
0x8a: {  	v4 =	vld [tilespmem:$0x1D0]  }
0x8b: {  	v6 =	vadd.f32 v5, v2;
	v3 =	vmul.f32 v8, v3;
	v2 =	vld.idx.msk [tilespmem:v9+s1+$0x0], $0xffff  }
0x8c: {  	v5 =	vld [tilespmem:$0x1E0]  }
0x8d: {  	s11 =	sadd.s32 $0x1, s11;
	s12 =	smulhi.u32 $0x38E38E39, s2;
	v6 =	vadd.f32 v3, v6;
	v7 =	vmul.f32 v12, v10;
	v3 =	vld.idx.msk [tilespmem:v13+s1+$0x0], $0xffff  }
0x8e: {  	v8 =	vld [tilespmem:$0x1F0]  }
0x8f: {  	s11 =	sshrl.u32 s12, $0x1;
	v6 =	vadd.f32 v7, v6;
	v1 =	vmul.f32 v4, v1  }
0x90: {  	s11 =	smul.u32 $0x3, s11  }
0x91: {  	s9 =	sadd.s32 $0x11, s9;
	v1 =	vadd.f32 v1, v6;
	v2 =	vmul.f32 v5, v2  }
0x92: {  	v28 =	vadd.s32 s9, v0;
	s2 =	sadd.s32 s11, s2  }
0x93: {  	v29 =	vmov s2;
	v1 =	vadd.f32 v2, v1;
	v2 =	vmul.f32 v8, v3;
	_ =	sdelay $0x1  }
0x94: {  	s11 =	sadd.s32 $0x1, s2;
	v1 =	vadd.f32 v2, v1  }
0x95: {  	v3 =	vmov s11  }
0x96: {  	s15 =	sadd.s32 $0x2, s2;
	[tilespmem:v28+s18+$0x0] =	vst.idx.msk $0xffff, v1  }
0x97: {  	v2 =	vmov s15;
	v1 =	vld.idx.msk [tilespmem:v29+s1+$0x0], $0xffff  }
0x98: {  	s16 =	sadd.s32 $0x3, s2;
	v4 =	vld [tilespmem:$0x100]  }
0x99: {  	v30 =	vmov s16;
	v31 =	vld [tilespmem:$0x110]  }
0x9a: {  	s12 =	sadd.s32 $0xC, s2;
	v3 =	vld.idx.msk [tilespmem:v3+s1+$0x0], $0xffff  }
0x9b: {  	v32 =	vmov s12;
	v33 =	vld [tilespmem:$0x120]  }
0x9c: {  	s15 =	sadd.s32 $0xD, s2;
	v2 =	vld.idx.msk [tilespmem:v2+s1+$0x0], $0xffff  }
0x9d: {  	v9 =	vmov s15;
	v35 =	vld [tilespmem:$0x130];
	v1 =	vmul.f32 v4, v1  }
0x9e: {  	s16 =	sadd.s32 $0xE, s2;
	v34 =	vld.idx.msk [tilespmem:v30+s1+$0x0], $0xffff  }
0x9f: {  	v10 =	vmov s16;
	v37 =	vld [tilespmem:$0x140];
	v3 =	vmul.f32 v31, v3;
	v1 =	vadd.f32 $0.0e+00, v1  }
0xa0: {  	s12 =	sadd.s32 $0xF, s2;
	v36 =	vld.idx.msk [tilespmem:v32+s1+$0x0], $0xffff  }
0xa1: {  	v11 =	vmov s12;
	v38 =	vld [tilespmem:$0x150];
	v2 =	vmul.f32 v33, v2;
	v1 =	vadd.f32 v3, v1  }
0xa2: {  	s15 =	sadd.s32 $0x18, s2;
	v3 =	vld.idx.msk [tilespmem:v9+s1+$0x0], $0xffff  }
0xa3: {  	v39 =	vmov s15;
	v41 =	vld [tilespmem:$0x160];
	v1 =	vadd.f32 v2, v1;
	v2 =	vmul.f32 v35, v34  }
0xa4: {  	s16 =	sadd.s32 $0x19, s2;
	v40 =	vld.idx.msk [tilespmem:v10+s1+$0x0], $0xffff  }
0xa5: {  	v42 =	vmov s16;
	v44 =	vld [tilespmem:$0x170];
	v1 =	vadd.f32 v2, v1;
	v2 =	vmul.f32 v37, v36  }
0xa6: {  	s12 =	sadd.s32 $0x1A, s2;
	v43 =	vld.idx.msk [tilespmem:v11+s1+$0x0], $0xffff  }
0xa7: {  	v45 =	vmov s12;
	v46 =	vld [tilespmem:$0x180];
	v1 =	vadd.f32 v2, v1;
	v2 =	vmul.f32 v38, v3  }
0xa8: {  	s15 =	sadd.s32 $0x1B, s2;
	v3 =	vld.idx.msk [tilespmem:v39+s1+$0x0], $0xffff  }
0xa9: {  	v47 =	vmov s15;
	v49 =	vld [tilespmem:$0x190];
	v1 =	vadd.f32 v2, v1;
	v2 =	vmul.f32 v41, v40  }
0xaa: {  	s16 =	sadd.s32 $0x24, s2;
	v48 =	vld.idx.msk [tilespmem:v42+s1+$0x0], $0xffff  }
0xab: {  	v50 =	vmov s16;
	v52 =	vld [tilespmem:$0x1A0];
	v1 =	vadd.f32 v2, v1;
	v2 =	vmul.f32 v44, v43  }
0xac: {  	s12 =	sadd.s32 $0x25, s2;
	v51 =	vld.idx.msk [tilespmem:v45+s1+$0x0], $0xffff  }
0xad: {  	v53 =	vmov s12;
	v54 =	vld [tilespmem:$0x1B0];
	v1 =	vadd.f32 v2, v1;
	v2 =	vmul.f32 v46, v3  }
0xae: {  	s15 =	sadd.s32 $0x26, s2;
	v3 =	vld.idx.msk [tilespmem:v47+s1+$0x0], $0xffff  }
0xaf: {  	v57 =	vld [tilespmem:$0x1C0];
	v55 =	vmov s15;
	v1 =	vadd.f32 v2, v1;
	v2 =	vmul.f32 v49, v48  }
0xb0: {  	s2 =	sadd.s32 $0x27, s2;
	v56 =	vld.idx.msk [tilespmem:v50+s1+$0x0], $0xffff  }
0xb1: {  	v60 =	vld [tilespmem:$0x1D0];
	v58 =	vmov s2;
	v1 =	vadd.f32 v2, v1;
	v2 =	vmul.f32 v52, v51  }
0xb2: {  	v59 =	vld.idx.msk [tilespmem:v53+s1+$0x0], $0xffff  }
0xb3: {  	v61 =	vld [tilespmem:$0x1E0];
	v1 =	vadd.f32 v2, v1;
	v2 =	vmul.f32 v54, v3  }
0xb4: {  	v3 =	vld.idx.msk [tilespmem:v55+s1+$0x0], $0xffff  }
0xb5: {  	v63 =	vld [tilespmem:$0x1F0];
	v1 =	vadd.f32 v2, v1;
	v2 =	vmul.f32 v57, v56  }
0xb6: {  	v62 =	vld.idx.msk [tilespmem:v58+s1+$0x0], $0xffff  }
0xb7: {  	v1 =	vadd.f32 v2, v1;
	v2 =	vmul.f32 v60, v59;
	_ =	sdelay $0x1  }
0xb8: {  	s16 =	sadd.s32 $0x11, s9;
	v1 =	vadd.f32 v2, v1;
	v2 =	vmul.f32 v61, v3  }
0xb9: {  	p1 =	por $0x1, $0x1;
	v3 =	vadd.s32 s16, v0  }
.Ltmp1:
0xba: {  	v1 =	vadd.f32 v2, v1;
	v2 =	vmul.f32 v63, v62;
	(pc) =	sbr.rel @!p1 .LBB2_4-.Ltmp1, $3  }
0xbb: {  	_ = 	snop  }
0xbc: {  	v1 =	vadd.f32 v2, v1;
	_ =	sdelay $0x1  }
0xbd: {  	p0 =	por $0x0, $0x0;
	s2 =	simm.s32 $0x10;
	[tilespmem:v3+s18+$0x0] =	vst.idx.msk $0xffff, v1;
	v1 =	vor.u32 s1, v0  }
0xbe: {  	vm0 =	vlt.s32 v1, $0x7CF  }
0xbf: {  	v2 =	vnsel vm0, $0x7CF, v1;
	_ =	sdelay $0x2  }
0xc0: {  	s1 =	simm.s32 $0x1  }
0xc1: {  	v3 =	vadd.s32 s1, v0  }
0xc2: {  	vm9 =	vlt.s32 v3, $0x7CF;
	v2 =	vld.idx.msk [tilespmem:v2+s18+$0x0], $0xffff  }
0xc3: {  	v3 =	vnsel vm9, $0x7CF, v3;
	_ =	sdelay $0x2  }
0xc4: {  	s12 =	simm.s32 $0x2  }
0xc5: {  	s9 =	simm.s32 $0x7D8;
	[tilespmem:v1+s19+$0x0] =	vst.idx.msk $0xffff, v2;
	v1 =	vadd.s32 s12, v0  }
0xc6: {  	v2 =	vld.idx.msk [tilespmem:v3+s18+$0x0], $0xffff;
	v3 =	vadd.s32 s9, v0;
	vm10 =	vlt.s32 v1, $0x7CF  }
0xc7: {  	v1 =	vnsel vm10, $0x7CF, v1;
	_ =	sdelay $0x2  }
0xc8: {  	s15 =	simm.s32 $0x3  }
0xc9: {  	s16 =	simm.s32 $0xFB0;
	[tilespmem:v3+s19+$0x0] =	vst.idx.msk $0xffff, v2;
	v2 =	vadd.s32 s15, v0  }
0xca: {  	v3 =	vor.u32 s16, v0;
	v1 =	vld.idx.msk [tilespmem:v1+s18+$0x0], $0xffff;
	vm11 =	vlt.s32 v2, $0x7CF  }
0xcb: {  	v2 =	vnsel vm11, $0x7CF, v2;
	_ =	sdelay $0x2  }
0xcc: {  	s11 =	simm.s32 $0x4  }
0xcd: {  	s12 =	simm.s32 $0x1788;
	[tilespmem:v3+s19+$0x0] =	vst.idx.msk $0xffff, v1;
	v1 =	vadd.s32 s11, v0  }
0xce: {  	v3 =	vadd.s32 s12, v0;
	v2 =	vld.idx.msk [tilespmem:v2+s18+$0x0], $0xffff;
	vm12 =	vlt.s32 v1, $0x7CF  }
0xcf: {  	v1 =	vnsel vm12, $0x7CF, v1;
	_ =	sdelay $0x2  }
0xd0: {  	s15 =	simm.s32 $0x5  }
0xd1: {  	s16 =	simm.s32 $0x1F60;
	[tilespmem:v3+s19+$0x0] =	vst.idx.msk $0xffff, v2;
	v2 =	vadd.s32 s15, v0  }
0xd2: {  	v3 =	vor.u32 s16, v0;
	v1 =	vld.idx.msk [tilespmem:v1+s18+$0x0], $0xffff;
	vm13 =	vlt.s32 v2, $0x7CF  }
0xd3: {  	v2 =	vnsel vm13, $0x7CF, v2;
	_ =	sdelay $0x2  }
0xd4: {  	s11 =	simm.s32 $0x6  }
0xd5: {  	s12 =	simm.s32 $0x2738;
	[tilespmem:v3+s19+$0x0] =	vst.idx.msk $0xffff, v1;
	v1 =	vadd.s32 s11, v0  }
0xd6: {  	v3 =	vadd.s32 s12, v0;
	v2 =	vld.idx.msk [tilespmem:v2+s18+$0x0], $0xffff;
	vm14 =	vlt.s32 v1, $0x7CF  }
0xd7: {  	v1 =	vnsel vm14, $0x7CF, v1;
	_ =	sdelay $0x2  }
0xd8: {  	s15 =	simm.s32 $0x7  }
0xd9: {  	s16 =	simm.s32 $0x2F10;
	[tilespmem:v3+s19+$0x0] =	vst.idx.msk $0xffff, v2;
	v2 =	vadd.s32 s15, v0  }
0xda: {  	v3 =	vor.u32 s16, v0;
	v1 =	vld.idx.msk [tilespmem:v1+s18+$0x0], $0xffff;
	vm15 =	vlt.s32 v2, $0x7CF  }
0xdb: {  	p1 =	por $0x1, $0x1;
	v2 =	vnsel vm15, $0x7CF, v2  }
.Ltmp2:
0xdc: {  	_ = 	snop;
	(pc) =	sbr.rel @!p1 .LBB2_6-.Ltmp2, $3  }
0xdd: {  	_ =	sdelay $0x1  }
0xde: {  	[tilespmem:v3+s19+$0x0] =	vst.idx.msk $0xffff, v1  }
0xdf: {  	p0 =	por $0x1, $0x1;
	s1 =	simm.s32 $0x20;
	s9 =	simm.s32 $0x36E8;
	v1 =	vor.u32 s2, v0;
	v2 =	vld.idx.msk [tilespmem:v2+s18+$0x0], $0xffff  }
.LBB2_7:
0xe0: {  	p1 =	sne.s32 s1, $0x7C0;
	vm0 =	vlt.s32 v1, $0x7CF;
	v3 =	vadd.s32 s9, v0  }
0xe1: {  	v4 =	vnsel vm0, $0x7CF, v1;
	_ =	sdelay $0x3  }
0xe2: {  	s9 =	sadd.s32 $0x1, s2;
	[tilespmem:v3+s19+$0x0] =	vst.idx.msk $0xffff, v2  }
0xe3: {  	v3 =	vadd.s32 s9, v0;
	v2 =	vld.idx.msk [tilespmem:v4+s18+$0x0], $0xffff  }
0xe4: {  	vm0 =	vlt.s32 v3, $0x7CF  }
0xe5: {  	v3 =	vnsel vm0, $0x7CF, v3;
	_ =	sdelay $0x3  }
0xe6: {  	s9 =	sadd.s32 $0x2, s2;
	[tilespmem:v1+s19+$0x0] =	vst.idx.msk $0xffff, v2  }
0xe7: {  	s11 =	sadd.s32 $0x7D8, s2;
	v2 =	vadd.s32 s9, v0;
	v1 =	vld.idx.msk [tilespmem:v3+s18+$0x0], $0xffff  }
0xe8: {  	v3 =	vadd.s32 s11, v0;
	vm0 =	vlt.s32 v2, $0x7CF  }
0xe9: {  	v2 =	vnsel vm0, $0x7CF, v2;
	_ =	sdelay $0x3  }
0xea: {  	s9 =	sadd.s32 $0x3, s2;
	[tilespmem:v3+s19+$0x0] =	vst.idx.msk $0xffff, v1  }
0xeb: {  	s11 =	sadd.s32 $0xFB0, s2;
	v1 =	vld.idx.msk [tilespmem:v2+s18+$0x0], $0xffff;
	v2 =	vadd.s32 s9, v0  }
0xec: {  	v3 =	vor.u32 s11, v0;
	vm0 =	vlt.s32 v2, $0x7CF  }
0xed: {  	v2 =	vnsel vm0, $0x7CF, v2;
	_ =	sdelay $0x3  }
0xee: {  	s9 =	sadd.s32 $0x4, s2;
	[tilespmem:v3+s19+$0x0] =	vst.idx.msk $0xffff, v1  }
0xef: {  	s11 =	sadd.s32 $0x1788, s2;
	v1 =	vld.idx.msk [tilespmem:v2+s18+$0x0], $0xffff;
	v2 =	vadd.s32 s9, v0  }
0xf0: {  	v3 =	vadd.s32 s11, v0;
	vm0 =	vlt.s32 v2, $0x7CF  }
0xf1: {  	v2 =	vnsel vm0, $0x7CF, v2;
	_ =	sdelay $0x3  }
0xf2: {  	s9 =	sadd.s32 $0x5, s2;
	[tilespmem:v3+s19+$0x0] =	vst.idx.msk $0xffff, v1  }
0xf3: {  	s11 =	sadd.s32 $0x1F60, s2;
	v1 =	vld.idx.msk [tilespmem:v2+s18+$0x0], $0xffff;
	v2 =	vadd.s32 s9, v0  }
0xf4: {  	v3 =	vor.u32 s11, v0;
	vm0 =	vlt.s32 v2, $0x7CF  }
0xf5: {  	v2 =	vnsel vm0, $0x7CF, v2;
	_ =	sdelay $0x3  }
0xf6: {  	s9 =	sadd.s32 $0x6, s2;
	[tilespmem:v3+s19+$0x0] =	vst.idx.msk $0xffff, v1  }
0xf7: {  	s11 =	sadd.s32 $0x2738, s2;
	v1 =	vld.idx.msk [tilespmem:v2+s18+$0x0], $0xffff;
	v2 =	vadd.s32 s9, v0  }
0xf8: {  	v3 =	vadd.s32 s11, v0;
	vm0 =	vlt.s32 v2, $0x7CF  }
0xf9: {  	v2 =	vnsel vm0, $0x7CF, v2;
	_ =	sdelay $0x3  }
0xfa: {  	s9 =	sadd.s32 $0x7, s2;
	[tilespmem:v3+s19+$0x0] =	vst.idx.msk $0xffff, v1  }
0xfb: {  	s11 =	sadd.s32 $0x2F10, s2;
	v1 =	vld.idx.msk [tilespmem:v2+s18+$0x0], $0xffff;
	v2 =	vadd.s32 s9, v0  }
0xfc: {  	v3 =	vor.u32 s11, v0;
	vm0 =	vlt.s32 v2, $0x7CF  }
0xfd: {  	v2 =	vnsel vm0, $0x7CF, v2  }
.Ltmp3:
0xfe: {  	(pc) =	sbr.rel @p1 .LBB2_7-.Ltmp3, $3  }
0xff: {  	_ =	sdelay $0x1  }
0x100: {  	[tilespmem:v3+s19+$0x0] =	vst.idx.msk $0xffff, v1  }
0x101: {  	s9 =	sadd.s32 $0x36E8, s2;
	s2 =	smov.u32 s1;
	v1 =	vor.u32 s1, v0;
	s1 =	sadd.s32 $0x10, s1;
	v2 =	vld.idx.msk [tilespmem:v2+s18+$0x0], $0xffff  }
0x102: {  	s1 =	smov.u32 s2  }
.LBB2_9:
0x103: {  	vm0 =	vlt.s32 v1, $0x7CF;
	v3 =	vadd.s32 @p0 s9, v0  }
0x104: {  	v4 =	vnsel vm0, $0x7CF, v1;
	_ =	sdelay $0x2  }
0x105: {  	s2 =	sadd.s32 $0x1, s1  }
0x106: {  	[tilespmem:v3+s19+$0x0] =	vst.idx.msk @p0 $0xffff, v2;
	v2 =	vadd.s32 s2, v0  }
0x107: {  	v3 =	vld.idx.msk [tilespmem:v4+s18+$0x0], $0xffff;
	vm9 =	vlt.s32 v2, $0x7CF  }
0x108: {  	v2 =	vnsel vm9, $0x7CF, v2;
	_ =	sdelay $0x2  }
0x109: {  	s11 =	sadd.s32 $0x2, s1  }
0x10a: {  	s12 =	sadd.s32 $0x7D8, s1;
	[tilespmem:v1+s19+$0x0] =	vst.idx.msk $0xffff, v3;
	v1 =	vadd.s32 s11, v0  }
0x10b: {  	v3 =	vadd.s32 s12, v0;
	v2 =	vld.idx.msk [tilespmem:v2+s18+$0x0], $0xffff;
	vm10 =	vlt.s32 v1, $0x7CF  }
0x10c: {  	v1 =	vnsel vm10, $0x7CF, v1;
	_ =	sdelay $0x2  }
0x10d: {  	s15 =	sadd.s32 $0x3, s1  }
0x10e: {  	s16 =	sadd.s32 $0xFB0, s1;
	[tilespmem:v3+s19+$0x0] =	vst.idx.msk $0xffff, v2;
	v2 =	vadd.s32 s15, v0  }
0x10f: {  	v3 =	vor.u32 s16, v0;
	v1 =	vld.idx.msk [tilespmem:v1+s18+$0x0], $0xffff;
	vm11 =	vlt.s32 v2, $0x7CF  }
0x110: {  	v2 =	vnsel vm11, $0x7CF, v2;
	_ =	sdelay $0x2  }
0x111: {  	s11 =	sadd.s32 $0x4, s1  }
0x112: {  	s12 =	sadd.s32 $0x1788, s1;
	[tilespmem:v3+s19+$0x0] =	vst.idx.msk $0xffff, v1;
	v1 =	vadd.s32 s11, v0  }
0x113: {  	v3 =	vadd.s32 s12, v0;
	v2 =	vld.idx.msk [tilespmem:v2+s18+$0x0], $0xffff;
	vm12 =	vlt.s32 v1, $0x7CF  }
0x114: {  	v1 =	vnsel vm12, $0x7CF, v1;
	_ =	sdelay $0x2  }
0x115: {  	s15 =	sadd.s32 $0x5, s1  }
0x116: {  	s16 =	sadd.s32 $0x1F60, s1;
	[tilespmem:v3+s19+$0x0] =	vst.idx.msk $0xffff, v2;
	v2 =	vadd.s32 s15, v0  }
0x117: {  	v3 =	vor.u32 s16, v0;
	v1 =	vld.idx.msk [tilespmem:v1+s18+$0x0], $0xffff;
	vm13 =	vlt.s32 v2, $0x7CF  }
0x118: {  	v2 =	vnsel vm13, $0x7CF, v2;
	_ =	sdelay $0x2  }
0x119: {  	s11 =	sadd.s32 $0x6, s1  }
0x11a: {  	s12 =	sadd.s32 $0x2738, s1;
	[tilespmem:v3+s19+$0x0] =	vst.idx.msk $0xffff, v1;
	v1 =	vadd.s32 s11, v0  }
0x11b: {  	v3 =	vadd.s32 s12, v0;
	v2 =	vld.idx.msk [tilespmem:v2+s18+$0x0], $0xffff;
	vm14 =	vlt.s32 v1, $0x7CF  }
0x11c: {  	v1 =	vnsel vm14, $0x7CF, v1;
	_ =	sdelay $0x2  }
0x11d: {  	s15 =	sadd.s32 $0x7, s1  }
0x11e: {  	s16 =	sadd.s32 $0x2F10, s1;
	[tilespmem:v3+s19+$0x0] =	vst.idx.msk $0xffff, v2;
	v2 =	vadd.s32 s15, v0  }
0x11f: {  	v3 =	vor.u32 s16, v0;
	v1 =	vld.idx.msk [tilespmem:v1+s18+$0x0], $0xffff;
	vm15 =	vlt.s32 v2, $0x7CF  }
0x120: {  	v2 =	vnsel vm15, $0x7CF, v2;
	_ =	sdelay $0x3  }
0x121: {  	s2 =	sadd.s32 $0x36E8, s1;
	[tilespmem:v3+s19+$0x0] =	vst.idx.msk $0xffff, v1  }
0x122: {  	v1 =	vld.idx.msk [tilespmem:v2+s18+$0x0], $0xffff;
	v2 =	vadd.s32 s2, v0;
	_ =	sdelay $0x4  }
0x123: {  	s9 =	rddreg [dreg:$0x6];
	s11 =	simm.s32 $0x4900;
	s15 =	simm.s32 $0x0;
	[tilespmem:v2+s19+$0x0] =	vst.idx.msk $0xffff, v1  }
0x124: {  	[tilespmem:s11], [sflag:$0x1] =	stream.linear.gather [hbm4b:s9+s15], $0x2000, $0x38;
	[tilespmem:$0x10900] =	vst v63  }
0x125: {  	s12 =	rddreg [dreg:$0x7];
	s16 =	simm.s32 $0x8900  }
0x126: {  	[tilespmem:s16], [sflag:$0x1] =	stream.linear.gather [hbm4b:s12+s15], $0x2000, $0x38;
	[tilespmem:$0x10900] =	vst v63  }
0x127: {  	s9 =	rddreg [dreg:$0x8];
	s11 =	simm.s32 $0x6900  }
0x128: {  	[tilespmem:s11], [sflag:$0x2] =	stream.linear.gather [hbm4b:s9+s15], $0x2000, $0x38;
	[tilespmem:$0x10900] =	vst v63  }
0x129: {  	s12 =	rddreg [dreg:$0x9];
	s16 =	simm.s32 $0xA900  }
0x12a: {  	[tilespmem:s16], [sflag:$0x2] =	stream.linear.gather [hbm4b:s12+s15], $0x2000, $0x38;
	[tilespmem:$0x10900] =	vst v63  }
.LBB2_10:
0x12b: {  	_ =	swait.ge [sflag:s24], $0x2000  }
0x12c: {  	[sflag:s24] =	ssyncset.done $0x0  }
0x12d: {  	[sflag:s24] =	ssyncadd.s32 $0xFFFFE000  }
0x12e: {  	_ =	swait.ge [sflag:s24], $0x2000  }
0x12f: {  	p1 =	seq.s32 s15, $0x0;
	[sflag:s24] =	ssyncset.done $0x0  }
0x130: {  	s1 =	simm.s32 @!p1 $0x3;
	[sflag:s24] =	ssyncadd.s32 $0xFFFFE000  }
0x131: {  	s16 =	sshll.u32 s15, $0xE;
	s9 =	simm.s32 $0xFFFFFFF0;
	_ =	swait.ge @!p1 [sflag:s1], $0x2000  }
0x132: {  	s11 =	simm.s32 $0xC980;
	s2 =	simm.s32 $0x8980;
	[sflag:s1] =	ssyncset.done @!p1 $0x0  }
0x133: {  	s12 =	sor.u32 s7, s16;
	[sflag:s1] =	ssyncadd.s32 @!p1 $0xFFFFE000;
	s1 =	simm.s32 $0x4980  }
.LBB2_11:
0x134: {  	v1 =	vld [tilespmem:s1+$0xFFFFFF80];
	_ =	sdelay $0x4  }
0x135: {  	v2 =	vand.u32 $0x7FFFFFFF, v1  }
0x136: {  	v3 =	vsub.f32 $1.000000000e+00, v2;
	_ =	sdelay $0x1  }
0x137: {  	v3 =	vmax.f32 v3, $9.999999820e-15  }
0x138: {  	v4 =	vshrl.u32 v3, $0x1;
	v5 =	vmul.f32 $5.000000000e-01, v3  }
0x139: {  	v4 =	vsub.s32 $0x5F3759DF, v4  }
0x13a: {  	v6 =	vmul.f32 v4, v5;
	_ =	sdelay $0x1  }
0x13b: {  	v7 =	vmul.f32 $8.648205540e-03, v2;
	v6 =	vmul.f32 v4, v6;
	_ =	sdelay $0x1  }
0x13c: {  	v7 =	vadd.f32 $-3.575458750e-02, v7;
	v6 =	vsub.f32 $1.500000000e+00, v6;
	_ =	sdelay $0x1  }
0x13d: {  	v27 =	vmul.f32 v7, v2;
	v4 =	vmul.f32 v4, v6;
	_ =	sdelay $0x1  }
0x13e: {  	v6 =	vadd.f32 $8.466461300e-02, v27;
	v5 =	vmul.f32 v4, v5;
	_ =	sdelay $0x1  }
0x13f: {  	v6 =	vmul.f32 v6, v2;
	v5 =	vmul.f32 v5, v4;
	_ =	sdelay $0x1  }
0x140: {  	v6 =	vadd.f32 $-2.141239350e-01, v6;
	v5 =	vsub.f32 $1.500000000e+00, v5;
	_ =	sdelay $0x1  }
0x141: {  	v29 =	vld [tilespmem:s1+$0xFFFFFF90];
	v28 =	vmul.f32 v6, v2;
	v4 =	vmul.f32 v5, v4;
	_ =	sdelay $0x1  }
0x142: {  	v30 =	vadd.f32 $1.570787790e+00, v28;
	v3 =	vmul.f32 v4, v3  }
0x143: {  	v31 =	vld [tilespmem:s2+$0xFFFFFF80]  }
0x144: {  	v3 =	vmul.f32 v3, v30  }
0x145: {  	v32 =	vand.u32 $0x7FFFFFFF, v29  }
0x146: {  	vm0 =	vge.f32 v2, $1.000000000e+00;
	v2 =	vsub.f32 $1.000000000e+00, v32;
	v3 =	vmul.f32 $4.774648190e+00, v3;
	_ =	sdelay $0x1  }
0x147: {  	v8 =	vmax.f32 v2, $9.999999820e-15;
	v2 =	vadd.f32 $3.000000000e+00, v31;
	v3 =	vsel vm0, $0x0, v3  }
0x148: {  	vm13 =	vlt.f32 v1, $0.0e+00;
	v33 =	vsub.f32 $1.500000000e+01, v3  }
0x149: {  	v34 =	vshrl.u32 v8, $0x1;
	v9 =	vmul.f32 $5.000000000e-01, v8;
	v2 =	vmul.f32 $1.375000000e+00, v2  }
0x14a: {  	v1 =	vsub.s32 $0x5F3759DF, v34;
	v35 =	vsel vm13, v3, v33  }
0x14b: {  	v2 =	vmax.f32 v2, $0.0e+00;
	v3 =	vmul.f32 v1, v9;
	v7 =	vtrunc.f32 v35  }
0x14c: {  	v11 =	vmin.f32 v2, $1.100000000e+01;
	v7 =	vcvt.f32.s32 v7  }
0x14d: {  	v2 =	vtrunc.f32 v11;
	v3 =	vmul.f32 v1, v3  }
0x14e: {  	v10 =	vmul.f32 $8.648205540e-03, v32;
	v12 =	vcvt.f32.s32 v2;
	v2 =	vadd.s32 $0xFFFFFFFF, v7  }
0x14f: {  	v3 =	vsub.f32 $1.500000000e+00, v3;
	vm14 =	vgt.s32 v2, $0x0  }
0x150: {  	v10 =	vadd.f32 $-3.575458750e-02, v10;
	v36 =	vadd.s32 $0xFFFFFFFF, v12;
	v2 =	vnsel vm14, $0x0, v2  }
0x151: {  	v37 =	vld [tilespmem:s1+$0xFFFFFFA0];
	vm15 =	vgt.s32 v36, $0x0;
	v1 =	vmul.f32 v1, v3;
	v2 =	vmin.u32 v2, $0xC  }
0x152: {  	v3 =	vmul.f32 v10, v32;
	v10 =	vnsel vm15, $0x0, v36;
	v2 =	vmul.u32 $0x9, v2  }
0x153: {  	v10 =	vmin.u32 v10, $0x8  }
0x154: {  	v9 =	vmul.f32 v1, v9;
	v3 =	vadd.f32 $8.466461300e-02, v3;
	v2 =	vadd.s32 v10, v2  }
0x155: {  	v2 =	vmul.u32 $0x11, v2  }
0x156: {  	v39 =	vand.u32 $0x7FFFFFFF, v37;
	v9 =	vmul.f32 v9, v1;
	v3 =	vmul.f32 v3, v32  }
0x157: {  	v13 =	vsub.f32 $1.000000000e+00, v39  }
0x158: {  	v38 =	vld [tilespmem:s2+$0xFFFFFF90];
	v9 =	vsub.f32 $1.500000000e+00, v9;
	v3 =	vadd.f32 $-2.141239350e-01, v3  }
0x159: {  	vm5 =	vlt.f32 v29, $0.0e+00  }
0x15a: {  	v41 =	vmax.f32 v13, $9.999999820e-15;
	v1 =	vmul.f32 v9, v1;
	v3 =	vmul.f32 v3, v32  }
0x15b: {  	v46 =	vmul.f32 $8.648205540e-03, v39;
	v42 =	vshrl.u32 v41, $0x1;
	v12 =	vcvt.s32.f32 v12;
	v14 =	vld.idx.msk [tilespmem:v2+s26+$0x0], $0xffff  }
0x15c: {  	v13 =	vmul.f32 $5.000000000e-01, v41;
	v1 =	vmul.f32 v1, v8;
	v3 =	vadd.f32 $1.570787790e+00, v3;
	v16 =	vld.idx.msk [tilespmem:v2+s0+$0x0], $0xffff  }
0x15d: {  	v40 =	vsub.f32 v11, v12;
	v12 =	vsub.s32 $0x5F3759DF, v42;
	v8 =	vadd.f32 $3.000000000e+00, v38;
	v18 =	vld.idx.msk [tilespmem:v2+s8+$0x0], $0xffff  }
0x15e: {  	vm9 =	vlt.f32 v37, $0.0e+00;
	v44 =	vmul.f32 v12, v13;
	v1 =	vmul.f32 v1, v3;
	v3 =	vld.idx.msk [tilespmem:v2+s28+$0x0], $0xffff  }
0x15f: {  	vm4 =	vge.f32 v32, $1.000000000e+00;
	v7 =	vcvt.s32.f32 v7;
	v20 =	vld.idx.msk [tilespmem:v2+s6+$0x0], $0xffff;
	v43 =	vmul.f32 $1.375000000e+00, v8  }
0x160: {  	vm8 =	vge.f32 v39, $1.000000000e+00;
	v47 =	vadd.f32 $-3.575458750e-02, v46;
	v45 =	vld.idx.msk [tilespmem:v2+s21+$0x0], $0xffff;
	v1 =	vmul.f32 $4.774648190e+00, v1  }
0x161: {  	v4 =	vsub.f32 v35, v7;
	v25 =	vld.idx.msk [tilespmem:v2+s31+$0x0], $0xffff;
	v8 =	vmul.f32 v12, v44;
	v6 =	vmax.f32 v43, $0.0e+00  }
0x162: {  	v6 =	vmin.f32 v6, $1.100000000e+01;
	v1 =	vsel vm4, $0x0, v1;
	v18 =	vmul.f32 v18, v40  }
0x163: {  	v52 =	vld.idx.msk [tilespmem:v2+s20+$0x0], $0xffff;
	v49 =	vtrunc.f32 v6;
	v3 =	vmul.f32 v40, v3;
	v15 =	vsub.f32 $1.500000000e+01, v1  }
0x164: {  	v22 =	vld.idx.msk [tilespmem:v2+s25+$0x0], $0xffff;
	v48 =	vmul.f32 v16, v40;
	v51 =	vcvt.f32.s32 v49;
	v18 =	vadd.f32 v18, v20  }
0x165: {  	v24 =	vld.idx.msk [tilespmem:v2+s23+$0x0], $0xffff;
	v50 =	vmul.f32 v45, v40;
	v3 =	vadd.f32 v3, v14;
	v1 =	vsel vm5, v1, v15  }
0x166: {  	v58 =	vld.idx.msk [tilespmem:v2+s30+$0x0], $0xffff;
	v23 =	vadd.s32 $0xFFFFFFFF, v51;
	v15 =	vadd.f32 v48, v25;
	v55 =	vmul.f32 v18, v40  }
0x167: {  	vm7 =	vgt.s32 v23, $0x0;
	v17 =	vmul.f32 v3, v40;
	v3 =	vtrunc.f32 v1  }
0x168: {  	v53 =	vnsel vm7, $0x0, v23;
	v19 =	vcvt.f32.s32 v3;
	v3 =	vsub.f32 $1.500000000e+00, v8  }
0x169: {  	v62 =	vld [tilespmem:s2+$0xFFFFFFA0];
	v15 =	vmul.f32 v15, v40;
	v20 =	vmin.u32 v53, $0x8;
	v8 =	vadd.f32 v50, v52  }
0x16a: {  	v54 =	vld.idx.msk [tilespmem:v2+s17+$0x0], $0xffff;
	v16 =	vadd.f32 v55, v24;
	v17 =	vadd.f32 v17, v22;
	v12 =	vmul.f32 v12, v3  }
0x16b: {  	v56 =	vld.idx.msk [tilespmem:v2+s22+$0x0], $0xffff;
	v23 =	vadd.f32 v15, v58;
	v3 =	vmul.f32 v47, v39;
	v8 =	vmul.f32 v8, v40  }
0x16c: {  	v21 =	vadd.s32 $0xFFFFFFFF, v19;
	v16 =	vmul.f32 v16, v40;
	v32 =	vcvt.s32.f32 v19  }
0x16d: {  	vm6 =	vgt.s32 v21, $0x0;
	v13 =	vmul.f32 v12, v13;
	v3 =	vadd.f32 $8.466461300e-02, v3  }
0x16e: {  	v61 =	vmul.f32 v17, v40;
	v17 =	vadd.f32 $3.000000000e+00, v62;
	v21 =	vnsel vm6, $0x0, v21  }
0x16f: {  	v21 =	vmin.u32 v21, $0xC;
	v13 =	vmul.f32 v13, v12;
	v3 =	vmul.f32 v3, v39  }
0x170: {  	v19 =	vld [tilespmem:s1+$0xFFFFFFB0];
	v8 =	vadd.f32 v8, v54;
	v22 =	vadd.f32 v16, v56;
	v21 =	vmul.u32 $0x9, v21  }
0x171: {  	v59 =	vld.idx.msk [tilespmem:v2+s3+$0x0], $0xffff;
	v5 =	vmul.f32 v23, v40;
	v13 =	vsub.f32 $1.500000000e+00, v13;
	v26 =	vadd.f32 $-2.141239350e-01, v3  }
0x172: {  	v31 =	vmul.f32 $1.375000000e+00, v17;
	v17 =	vsub.f32 v1, v32;
	v3 =	vadd.s32 v20, v21  }
0x173: {  	v3 =	vmul.u32 $0x11, v3;
	v12 =	vmul.f32 v13, v12;
	v57 =	vmul.f32 v26, v39  }
0x174: {  	v63 =	vmul.f32 v8, v40;
	v8 =	vmul.f32 v4, v22;
	v9 =	vmax.f32 v31, $0.0e+00  }
0x175: {  	v22 =	vand.u32 $0x7FFFFFFF, v19;
	v11 =	vmul.f32 v12, v41;
	v60 =	vadd.f32 $1.570787790e+00, v57  }
0x176: {  	v27 =	vld.idx.msk [tilespmem:v2+s19+$0x0], $0xffff;
	vm13 =	vlt.f32 v19, $0.0e+00;
	v7 =	vadd.f32 v63, v59;
	v9 =	vmin.f32 v9, $1.100000000e+01  }
0x177: {  	v43 =	vsub.f32 $1.000000000e+00, v22;
	v55 =	vmul.f32 $8.648205540e-03, v22;
	v11 =	vmul.f32 v11, v60  }
0x178: {  	vm12 =	vge.f32 v22, $1.000000000e+00;
	v36 =	vtrunc.f32 v9;
	v26 =	vcvt.s32.f32 v51;
	v39 =	vld.idx.msk [tilespmem:v2+s29+$0x0], $0xffff  }
0x179: {  	v7 =	vadd.f32 v8, v7;
	v46 =	vmax.f32 v43, $9.999999820e-15;
	v24 =	vld.idx.msk [tilespmem:v3+s0+$0x0], $0xffff;
	v11 =	vmul.f32 $4.774648190e+00, v11  }
0x17a: {  	v13 =	vcvt.f32.s32 v36;
	v48 =	vshrl.u32 v46, $0x1;
	v49 =	vmul.f32 $5.000000000e-01, v46;
	v25 =	vld.idx.msk [tilespmem:v3+s8+$0x0], $0xffff  }
0x17b: {  	v12 =	vadd.f32 v61, v27;
	v6 =	vsub.f32 v6, v26;
	v27 =	vld.idx.msk [tilespmem:v3+s21+$0x0], $0xffff;
	v11 =	vsel vm8, $0x0, v11  }
0x17c: {  	v7 =	vmul.f32 v7, v4;
	v50 =	vsub.s32 $0x5F3759DF, v48;
	v28 =	vld.idx.msk [tilespmem:v3+s6+$0x0], $0xffff;
	v29 =	vsub.f32 $1.500000000e+01, v11  }
0x17d: {  	v41 =	vadd.s32 $0xFFFFFFFF, v13;
	v57 =	vadd.f32 $-3.575458750e-02, v55;
	v52 =	vmul.f32 v50, v49;
	v30 =	vld.idx.msk [tilespmem:v3+s31+$0x0], $0xffff  }
0x17e: {  	v13 =	vcvt.s32.f32 v13;
	vm11 =	vgt.s32 v41, $0x0;
	v33 =	vld.idx.msk [tilespmem:v3+s20+$0x0], $0xffff;
	v11 =	vsel vm9, v11, v29  }
0x17f: {  	v18 =	vnsel vm11, $0x0, v41;
	v42 =	vld.idx.msk [tilespmem:v3+s28+$0x0], $0xffff;
	v21 =	vmul.f32 v50, v52;
	v35 =	vtrunc.f32 v11  }
0x180: {  	v61 =	vmul.f32 v57, v22;
	v37 =	vld.idx.msk [tilespmem:v3+s23+$0x0], $0xffff;
	v5 =	vadd.f32 v5, v39;
	v16 =	vcvt.f32.s32 v35  }
0x181: {  	v18 =	vmin.u32 v18, $0x8;
	v51 =	vld.idx.msk [tilespmem:v3+s26+$0x0], $0xffff;
	v21 =	vsub.f32 $1.500000000e+00, v21;
	v34 =	vmul.f32 v25, v6  }
0x182: {  	v40 =	vld.idx.msk [tilespmem:v3+s17+$0x0], $0xffff;
	v5 =	vadd.f32 v7, v5;
	v15 =	vmul.f32 v24, v6;
	v38 =	vadd.s32 $0xFFFFFFFF, v16  }
0x183: {  	v44 =	vld.idx.msk [tilespmem:v3+s30+$0x0], $0xffff;
	v14 =	vmul.f32 v27, v6;
	v8 =	vadd.f32 v34, v28;
	vm10 =	vgt.s32 v38, $0x0  }
0x184: {  	v56 =	vld.idx.msk [tilespmem:v3+s25+$0x0], $0xffff;
	v23 =	vmul.f32 v6, v42;
	v10 =	vadd.f32 v15, v30;
	v15 =	vnsel vm10, $0x0, v38  }
0x185: {  	v25 =	vld [tilespmem:s1+$0xFFFFFFC0];
	v2 =	vadd.f32 v14, v33;
	v8 =	vmul.f32 v8, v6;
	v15 =	vmin.u32 v15, $0xC  }
0x186: {  	v45 =	vld.idx.msk [tilespmem:v3+s22+$0x0], $0xffff;
	v4 =	vmul.f32 v5, v4;
	v58 =	vadd.f32 v23, v51;
	v15 =	vmul.u32 $0x9, v15  }
0x187: {  	v2 =	vmul.f32 v2, v6;
	v1 =	vmul.f32 v10, v6;
	v8 =	vadd.f32 v8, v37  }
0x188: {  	v47 =	vld.idx.msk [tilespmem:v3+s3+$0x0], $0xffff;
	v7 =	vmul.f32 v58, v6;
	v16 =	vcvt.s32.f32 v16;
	v15 =	vadd.s32 v18, v15  }
0x189: {  	v14 =	vadd.f32 v2, v40;
	v8 =	vmul.f32 v8, v6;
	v2 =	vmul.u32 $0x11, v15  }
0x18a: {  	v54 =	vld.idx.msk [tilespmem:v3+s29+$0x0], $0xffff;
	vm5 =	vlt.f32 v25, $0.0e+00;
	v1 =	vadd.f32 v1, v44;
	v26 =	vadd.f32 v7, v56  }
0x18b: {  	v3 =	vld.idx.msk [tilespmem:v3+s19+$0x0], $0xffff;
	v37 =	vand.u32 $0x7FFFFFFF, v25;
	v53 =	vmul.f32 v14, v6;
	v8 =	vadd.f32 v8, v45  }
0x18c: {  	v7 =	vsub.f32 v9, v13;
	v38 =	vsub.f32 $1.000000000e+00, v37;
	v1 =	vmul.f32 v1, v6;
	v45 =	vld [tilespmem:s2+$0xFFFFFFB0]  }
0x18d: {  	v10 =	vadd.f32 v53, v47;
	v8 =	vmul.f32 v17, v8;
	v15 =	vmul.f32 v50, v21  }
0x18e: {  	v11 =	vsub.f32 v11, v16;
	v29 =	vmul.f32 v26, v6;
	v21 =	vadd.f32 $8.466461300e-02, v61  }
0x18f: {  	v1 =	vadd.f32 v1, v54;
	v8 =	vadd.f32 v8, v10;
	v63 =	vmul.f32 v15, v49;
	v59 =	vld.idx.msk [tilespmem:v2+s28+$0x0], $0xffff  }
0x190: {  	v3 =	vadd.f32 v29, v3;
	v47 =	vmul.f32 $8.648205540e-03, v37;
	v21 =	vmul.f32 v21, v22;
	v60 =	vld.idx.msk [tilespmem:v2+s0+$0x0], $0xffff  }
0x191: {  	v18 =	vadd.f32 $3.000000000e+00, v45;
	v8 =	vmul.f32 v8, v17;
	v28 =	vmul.f32 v63, v15;
	v62 =	vld.idx.msk [tilespmem:v2+s31+$0x0], $0xffff  }
0x192: {  	vm4 =	vge.f32 v37, $1.000000000e+00;
	v34 =	vadd.f32 $-2.141239350e-01, v21;
	v21 =	vadd.f32 $-3.575458750e-02, v47;
	v27 =	vld.idx.msk [tilespmem:v2+s26+$0x0], $0xffff  }
0x193: {  	v52 =	vmul.f32 $1.375000000e+00, v18;
	v8 =	vadd.f32 v8, v1;
	v33 =	vsub.f32 $1.500000000e+00, v28;
	v35 =	vld.idx.msk [tilespmem:v2+s21+$0x0], $0xffff  }
0x194: {  	v1 =	vadd.f32 v4, v12;
	v12 =	vmul.f32 v34, v22;
	v40 =	vld.idx.msk [tilespmem:v2+s8+$0x0], $0xffff;
	v50 =	vmul.f32 v21, v37  }
0x195: {  	v39 =	vld.idx.msk [tilespmem:v2+s20+$0x0], $0xffff;
	v31 =	vmul.f32 v8, v17;
	v10 =	vmul.f32 v33, v15;
	v15 =	vmax.f32 v38, $9.999999820e-15  }
0x196: {  	v43 =	vld.idx.msk [tilespmem:v2+s6+$0x0], $0xffff;
	v12 =	vadd.f32 $1.570787790e+00, v12;
	v1 =	vmax.f32 v1, $-5.000000000e-01;
	v42 =	vmul.f32 $5.000000000e-01, v15  }
0x197: {  	v63 =	vld [tilespmem:s2+$0xFFFFFFC0];
	v41 =	vshrl.u32 v15, $0x1;
	v10 =	vmul.f32 v10, v46;
	v30 =	vmul.f32 v60, v7  }
0x198: {  	v8 =	vsub.s32 $0x5F3759DF, v41;
	v36 =	vmul.f32 v7, v59;
	v13 =	vmul.f32 v35, v7  }
0x199: {  	v1 =	vmin.f32 v1, $5.000000000e-01;
	v44 =	vmul.f32 v8, v42;
	v17 =	vmul.f32 v40, v7  }
0x19a: {  	v32 =	vld.idx.msk [tilespmem:v2+s30+$0x0], $0xffff;
	v10 =	vmul.f32 v10, v12;
	v5 =	vadd.f32 v30, v62;
	v9 =	vadd.f32 v36, v27  }
0x19b: {  	v46 =	vld.idx.msk [tilespmem:v2+s17+$0x0], $0xffff;
	v13 =	vadd.f32 v13, v39;
	v12 =	vmul.f32 v8, v44;
	v4 =	vadd.f32 v17, v43  }
0x19c: {  	v48 =	vld.idx.msk [tilespmem:v2+s23+$0x0], $0xffff;
	v17 =	vmax.f32 v52, $0.0e+00;
	v30 =	vadd.f32 $3.000000000e+00, v63;
	v10 =	vmul.f32 $4.774648190e+00, v10  }
0x19d: {  	v57 =	vld.idx.msk [tilespmem:v2+s25+$0x0], $0xffff;
	v17 =	vmin.f32 v17, $1.100000000e+01;
	v5 =	vmul.f32 v5, v7;
	v9 =	vmul.f32 v9, v7  }
0x19e: {  	v13 =	vmul.f32 v13, v7;
	v12 =	vsub.f32 $1.500000000e+00, v12;
	v4 =	vmul.f32 v4, v7  }
0x19f: {  	v51 =	vld.idx.msk [tilespmem:v2+s22+$0x0], $0xffff;
	v56 =	vtrunc.f32 v17;
	v10 =	vsel vm12, $0x0, v10;
	v5 =	vadd.f32 v5, v32  }
0x1a0: {  	v55 =	vld.idx.msk [tilespmem:v2+s3+$0x0], $0xffff;
	v58 =	vcvt.f32.s32 v56;
	v49 =	vsub.f32 $1.500000000e+01, v10;
	v13 =	vadd.f32 v13, v46  }
0x1a1: {  	v26 =	vld.idx.msk [tilespmem:v2+s19+$0x0], $0xffff;
	v8 =	vmul.f32 v8, v12;
	v12 =	vadd.f32 $8.466461300e-02, v50;
	v4 =	vadd.f32 v4, v48  }
0x1a2: {  	v60 =	vld.idx.msk [tilespmem:v2+s29+$0x0], $0xffff;
	v2 =	vadd.f32 v9, v57;
	v34 =	vcvt.s32.f32 v58;
	v5 =	vmul.f32 v5, v7  }
0x1a3: {  	v62 =	vadd.s32 $0xFFFFFFFF, v58;
	v53 =	vmul.f32 v8, v42;
	v13 =	vmul.f32 v13, v7  }
0x1a4: {  	v10 =	vsel vm13, v10, v49;
	v12 =	vmul.f32 v12, v37;
	v4 =	vmul.f32 v4, v7  }
0x1a5: {  	vm15 =	vgt.s32 v62, $0x0;
	v7 =	vmul.f32 v2, v7;
	v54 =	vtrunc.f32 v10  }
0x1a6: {  	v2 =	vadd.f32 v31, v3;
	v31 =	vmul.f32 $1.375000000e+00, v30;
	v19 =	vcvt.f32.s32 v54  }
0x1a7: {  	v9 =	vld [tilespmem:s1+$0xFFFFFFD0];
	v24 =	vnsel vm15, $0x0, v62;
	v18 =	vmul.f32 v53, v8;
	v12 =	vadd.f32 $-2.141239350e-01, v12  }
0x1a8: {  	v4 =	vadd.f32 v4, v51;
	v13 =	vadd.f32 v13, v55;
	v59 =	vadd.s32 $0xFFFFFFFF, v19  }
0x1a9: {  	v5 =	vadd.f32 v5, v60;
	v18 =	vsub.f32 $1.500000000e+00, v18;
	vm14 =	vgt.s32 v59, $0x0  }
0x1aa: {  	v27 =	vmin.u32 v24, $0x8;
	v4 =	vmul.f32 v11, v4;
	v61 =	vnsel vm14, $0x0, v59  }
0x1ab: {  	v12 =	vmul.f32 v12, v37;
	v8 =	vmul.f32 v18, v8;
	v18 =	vmin.u32 v61, $0xC  }
0x1ac: {  	v6 =	vand.u32 $0x7FFFFFFF, v9;
	v4 =	vadd.f32 v4, v13;
	v13 =	vmul.u32 $0x9, v18  }
0x1ad: {  	v32 =	vsub.f32 $1.000000000e+00, v6;
	v12 =	vadd.f32 $1.570787790e+00, v12;
	v8 =	vmul.f32 v8, v15  }
0x1ae: {  	v7 =	vadd.f32 v7, v26;
	v28 =	vmul.f32 v4, v11;
	v29 =	vadd.s32 v27, v13  }
0x1af: {  	v8 =	vmul.f32 v8, v12;
	v13 =	vmax.f32 v32, $9.999999820e-15;
	v4 =	vmul.u32 $0x11, v29  }
0x1b0: {  	v2 =	vmax.f32 v2, $-5.000000000e-01;
	v38 =	vshrl.u32 v13, $0x1;
	v39 =	vmul.f32 $5.000000000e-01, v13  }
0x1b1: {  	v46 =	vmul.f32 $8.648205540e-03, v6;
	v8 =	vmul.f32 $4.774648190e+00, v8;
	v20 =	vsub.s32 $0x5F3759DF, v38  }
0x1b2: {  	vm9 =	vlt.f32 v9, $0.0e+00;
	v2 =	vmin.f32 v2, $5.000000000e-01;
	v43 =	vmul.f32 v20, v39  }
0x1b3: {  	v48 =	vadd.f32 $-3.575458750e-02, v46;
	v5 =	vadd.f32 v28, v5;
	v8 =	vsel vm4, $0x0, v8  }
0x1b4: {  	v19 =	vcvt.s32.f32 v19;
	v3 =	vsub.f32 $1.500000000e+01, v8;
	v25 =	vmul.f32 v20, v43  }
0x1b5: {  	vm8 =	vge.f32 v6, $1.000000000e+00;
	v52 =	vmul.f32 v48, v6;
	v5 =	vmul.f32 v5, v11;
	v37 =	vld.idx.msk [tilespmem:v4+s8+$0x0], $0xffff  }
0x1b6: {  	v11 =	vsel vm5, v8, v3;
	v3 =	vmax.f32 v31, $0.0e+00;
	v40 =	vld.idx.msk [tilespmem:v4+s21+$0x0], $0xffff;
	v47 =	vsub.f32 $1.500000000e+00, v25  }
0x1b7: {  	v44 =	vld.idx.msk [tilespmem:v4+s28+$0x0], $0xffff;
	v12 =	vmin.f32 v3, $1.100000000e+01;
	v8 =	vtrunc.f32 v11;
	v3 =	vadd.f32 v5, v7  }
0x1b8: {  	v28 =	vld.idx.msk [tilespmem:v4+s0+$0x0], $0xffff;
	v33 =	vtrunc.f32 v12;
	v51 =	vmul.f32 v20, v47;
	v20 =	vadd.f32 $8.466461300e-02, v52  }
0x1b9: {  	v35 =	vld.idx.msk [tilespmem:v4+s26+$0x0], $0xffff;
	v7 =	vsub.f32 v17, v34;
	v15 =	vcvt.f32.s32 v8;
	v36 =	vcvt.f32.s32 v33  }
0x1ba: {  	v42 =	vld.idx.msk [tilespmem:v4+s6+$0x0], $0xffff;
	v3 =	vmax.f32 v3, $-5.000000000e-01;
	v21 =	vmul.f32 v51, v39;
	v20 =	vmul.f32 v20, v6  }
0x1bb: {  	v45 =	vld.idx.msk [tilespmem:v4+s20+$0x0], $0xffff;
	v8 =	vadd.s32 $0xFFFFFFFF, v15;
	v15 =	vcvt.s32.f32 v15;
	v5 =	vmul.f32 v37, v7  }
0x1bc: {  	v49 =	vld.idx.msk [tilespmem:v4+s31+$0x0], $0xffff;
	vm6 =	vgt.s32 v8, $0x0;
	v22 =	vmul.f32 v40, v7;
	v17 =	vmul.f32 v7, v44  }
0x1bd: {  	v41 =	vadd.s32 $0xFFFFFFFF, v36;
	v55 =	vmul.f32 v28, v7;
	v18 =	vcvt.s32.f32 v36  }
0x1be: {  	v14 =	vld.idx.msk [tilespmem:v4+s25+$0x0], $0xffff;
	v8 =	vnsel vm6, $0x0, v8;
	vm7 =	vgt.s32 v41, $0x0;
	v20 =	vadd.f32 $-2.141239350e-01, v20  }
0x1bf: {  	v29 =	vld.idx.msk [tilespmem:v4+s23+$0x0], $0xffff;
	v21 =	vmul.f32 v21, v51;
	v11 =	vsub.f32 v11, v15;
	v24 =	vadd.f32 v5, v42  }
0x1c0: {  	v50 =	vld.idx.msk [tilespmem:v4+s17+$0x0], $0xffff;
	v8 =	vmin.u32 v8, $0xC;
	v22 =	vadd.f32 v22, v45;
	v16 =	vadd.f32 v17, v35  }
0x1c1: {  	v56 =	vld.idx.msk [tilespmem:v4+s30+$0x0], $0xffff;
	v23 =	vnsel vm7, $0x0, v41;
	v26 =	vadd.f32 v55, v49;
	v12 =	vsub.f32 v12, v18  }
0x1c2: {  	v39 =	vld [tilespmem:s2+$0xFFFFFFD0];
	v8 =	vmul.u32 $0x9, v8;
	v23 =	vmin.u32 v23, $0x8;
	v20 =	vmul.f32 v20, v6  }
0x1c3: {  	v18 =	vld [tilespmem:s1+$0xFFFFFFE0];
	v21 =	vsub.f32 $1.500000000e+00, v21;
	v24 =	vmul.f32 v24, v7;
	v57 =	vmul.f32 v22, v7  }
0x1c4: {  	v16 =	vmul.f32 v16, v7;
	v26 =	vmul.f32 v26, v7;
	v8 =	vadd.s32 v23, v8  }
0x1c5: {  	v35 =	vadd.f32 $1.570787790e+00, v20;
	v5 =	vmul.u32 $0x11, v8;
	v8 =	vsub.f32 v10, v19  }
0x1c6: {  	[tilespmem:s11+$0xFFFFFF90] =	vst v2;
	v54 =	vld.idx.msk [tilespmem:v4+s22+$0x0], $0xffff;
	v2 =	vmin.f32 v3, $5.000000000e-01;
	v58 =	vadd.f32 v24, v29;
	v10 =	vadd.f32 v57, v50  }
0x1c7: {  	v59 =	vld.idx.msk [tilespmem:v4+s3+$0x0], $0xffff;
	v26 =	vadd.f32 v26, v56;
	v19 =	vmul.f32 v21, v51;
	v14 =	vadd.f32 v16, v14  }
0x1c8: {  	v21 =	vadd.f32 $3.000000000e+00, v39;
	v41 =	vand.u32 $0x7FFFFFFF, v18;
	v60 =	vmul.f32 v58, v7  }
0x1c9: {  	v53 =	vld.idx.msk [tilespmem:v4+s29+$0x0], $0xffff;
	vm13 =	vlt.f32 v18, $0.0e+00;
	v10 =	vmul.f32 v10, v7;
	v33 =	vmul.f32 v26, v7  }
0x1ca: {  	v4 =	vld.idx.msk [tilespmem:v4+s19+$0x0], $0xffff;
	v13 =	vmul.f32 v19, v13;
	v43 =	vsub.f32 $1.000000000e+00, v41;
	v51 =	vmul.f32 $1.375000000e+00, v21  }
0x1cb: {  	v55 =	vmul.f32 $8.648205540e-03, v41;
	v7 =	vmul.f32 v14, v7;
	v17 =	vadd.f32 v60, v54;
	v62 =	vld.idx.msk [tilespmem:v5+s0+$0x0], $0xffff  }
0x1cc: {  	v10 =	vadd.f32 v10, v59;
	v13 =	vmul.f32 v13, v35;
	v47 =	vmax.f32 v43, $9.999999820e-15;
	v63 =	vld.idx.msk [tilespmem:v5+s21+$0x0], $0xffff  }
0x1cd: {  	v49 =	vshrl.u32 v47, $0x1;
	v50 =	vmul.f32 $5.000000000e-01, v47;
	v17 =	vmul.f32 v8, v17;
	v34 =	vld.idx.msk [tilespmem:v5+s28+$0x0], $0xffff  }
0x1ce: {  	v29 =	vadd.f32 $-3.575458750e-02, v55;
	v13 =	vmul.f32 $4.774648190e+00, v13;
	v44 =	vld.idx.msk [tilespmem:v5+s8+$0x0], $0xffff;
	v9 =	vsub.s32 $0x5F3759DF, v49  }
0x1cf: {  	v37 =	vadd.f32 v33, v53;
	v53 =	vmul.f32 v9, v50;
	v10 =	vadd.f32 v17, v10  }
0x1d0: {  	vm12 =	vge.f32 v41, $1.000000000e+00;
	v61 =	vld.idx.msk [tilespmem:v5+s31+$0x0], $0xffff;
	v58 =	vmul.f32 v29, v41;
	v13 =	vsel vm8, $0x0, v13  }
0x1d1: {  	v32 =	vld.idx.msk [tilespmem:v5+s20+$0x0], $0xffff;
	v46 =	vsub.f32 $1.500000000e+01, v13;
	v21 =	vmul.f32 v9, v53;
	v10 =	vmul.f32 v10, v8  }
0x1d2: {  	v4 =	vadd.f32 v7, v4;
	v48 =	vld.idx.msk [tilespmem:v5+s6+$0x0], $0xffff;
	v36 =	vmul.f32 v62, v12;
	v38 =	vmul.f32 v63, v12  }
0x1d3: {  	v42 =	vmul.f32 v12, v34;
	v6 =	vsel vm9, v13, v46;
	v23 =	vmul.f32 v44, v12  }
0x1d4: {  	v59 =	vld.idx.msk [tilespmem:v5+s26+$0x0], $0xffff;
	v13 =	vmax.f32 v51, $0.0e+00;
	v21 =	vsub.f32 $1.500000000e+00, v21;
	v52 =	vtrunc.f32 v6  }
0x1d5: {  	v13 =	vmin.f32 v13, $1.100000000e+01;
	v10 =	vadd.f32 v10, v37;
	v16 =	vadd.f32 v36, v61  }
0x1d6: {  	v45 =	vld.idx.msk [tilespmem:v5+s17+$0x0], $0xffff;
	v40 =	vadd.f32 v38, v32;
	v15 =	vcvt.f32.s32 v52;
	v56 =	vtrunc.f32 v13  }
0x1d7: {  	v54 =	vld.idx.msk [tilespmem:v5+s23+$0x0], $0xffff;
	v23 =	vadd.f32 v23, v48;
	v9 =	vmul.f32 v9, v21;
	v24 =	vcvt.f32.s32 v56  }
0x1d8: {  	v21 =	vadd.f32 $8.466461300e-02, v58;
	v8 =	vmul.f32 v10, v8;
	v16 =	vmul.f32 v16, v12  }
0x1d9: {  	v22 =	vadd.f32 v42, v59;
	v19 =	vmul.f32 v40, v12;
	v23 =	vmul.f32 v23, v12  }
0x1da: {  	v57 =	vadd.s32 $0xFFFFFFFF, v15;
	v28 =	vmul.f32 v9, v50;
	v21 =	vmul.f32 v21, v41  }
0x1db: {  	v30 =	vld.idx.msk [tilespmem:v5+s22+$0x0], $0xffff;
	vm10 =	vgt.s32 v57, $0x0;
	v61 =	vadd.s32 $0xFFFFFFFF, v24;
	v34 =	vcvt.s32.f32 v24  }
0x1dc: {  	v31 =	vld.idx.msk [tilespmem:v5+s30+$0x0], $0xffff;
	v19 =	vadd.f32 v19, v45;
	v27 =	vnsel vm10, $0x0, v57;
	v23 =	vadd.f32 v23, v54  }
0x1dd: {  	v32 =	vld.idx.msk [tilespmem:v5+s3+$0x0], $0xffff;
	vm11 =	vgt.s32 v61, $0x0;
	v28 =	vmul.f32 v28, v9;
	v60 =	vmin.u32 v27, $0xC  }
0x1de: {  	v21 =	vadd.f32 $-2.141239350e-01, v21;
	v27 =	vnsel vm11, $0x0, v61;
	v25 =	vmul.u32 $0x9, v60  }
0x1df: {  	v62 =	vld.idx.msk [tilespmem:v5+s25+$0x0], $0xffff;
	v23 =	vmul.f32 v23, v12;
	v27 =	vmin.u32 v27, $0x8;
	v28 =	vsub.f32 $1.500000000e+00, v28  }
0x1e0: {  	v35 =	vld [tilespmem:s2+$0xFFFFFFE0];
	v19 =	vmul.f32 v19, v12;
	v21 =	vmul.f32 v21, v41;
	v25 =	vadd.s32 v27, v25  }
0x1e1: {  	v63 =	vld.idx.msk [tilespmem:v5+s29+$0x0], $0xffff;
	v23 =	vadd.f32 v23, v30;
	v9 =	vmul.f32 v28, v9;
	v25 =	vmul.u32 $0x11, v25  }
0x1e2: {  	v16 =	vadd.f32 v16, v31;
	v19 =	vadd.f32 v19, v32;
	v28 =	vmul.f32 v22, v12;
	v22 =	vld [tilespmem:s1+$0xFFFFFFF0]  }
0x1e3: {  	v21 =	vadd.f32 $1.570787790e+00, v21;
	v23 =	vmul.f32 v11, v23;
	v9 =	vmul.f32 v9, v47  }
0x1e4: {  	v4 =	vadd.f32 v8, v4;
	v16 =	vmul.f32 v16, v12;
	v29 =	vadd.f32 v28, v62  }
0x1e5: {  	v5 =	vld.idx.msk [tilespmem:v5+s19+$0x0], $0xffff;
	v13 =	vsub.f32 v13, v34;
	v19 =	vadd.f32 v23, v19;
	v9 =	vmul.f32 v9, v21  }
0x1e6: {  	v31 =	vadd.f32 v16, v63;
	v10 =	vmul.f32 v29, v12;
	v12 =	vadd.f32 $3.000000000e+00, v35  }
0x1e7: {  	v32 =	vmul.f32 v19, v11;
	v9 =	vmul.f32 $4.774648190e+00, v9;
	v19 =	vand.u32 $0x7FFFFFFF, v22;
	v33 =	vld.idx.msk [tilespmem:v25+s28+$0x0], $0xffff  }
0x1e8: {  	v3 =	vmax.f32 v4, $-5.000000000e-01;
	v45 =	vmul.f32 $1.375000000e+00, v12;
	v36 =	vld.idx.msk [tilespmem:v25+s26+$0x0], $0xffff;
	v37 =	vsub.f32 $1.000000000e+00, v19  }
0x1e9: {  	v41 =	vld.idx.msk [tilespmem:v25+s0+$0x0], $0xffff;
	v49 =	vmul.f32 $8.648205540e-03, v19;
	v14 =	vadd.f32 v32, v31;
	v9 =	vsel vm12, $0x0, v9  }
0x1ea: {  	v5 =	vadd.f32 v10, v5;
	v50 =	vld.idx.msk [tilespmem:v25+s8+$0x0], $0xffff;
	v39 =	vsub.f32 $1.500000000e+01, v9;
	v40 =	vmax.f32 v37, $9.999999820e-15  }
0x1eb: {  	v52 =	vld.idx.msk [tilespmem:v25+s21+$0x0], $0xffff;
	v17 =	vadd.f32 $-3.575458750e-02, v49;
	v11 =	vmul.f32 v14, v11;
	v7 =	vshrl.u32 v40, $0x1  }
0x1ec: {  	v14 =	vcvt.s32.f32 v15;
	v42 =	vmul.f32 $5.000000000e-01, v40;
	v43 =	vsub.s32 $0x5F3759DF, v7  }
0x1ed: {  	v44 =	vld.idx.msk [tilespmem:v25+s31+$0x0], $0xffff;
	v7 =	vsel vm13, v9, v39;
	v56 =	vmul.f32 v17, v19;
	v38 =	vmul.f32 v13, v33  }
0x1ee: {  	v55 =	vld.idx.msk [tilespmem:v25+s6+$0x0], $0xffff;
	v9 =	vmax.f32 v45, $0.0e+00;
	v46 =	vmul.f32 v43, v42;
	v48 =	vtrunc.f32 v7  }
0x1ef: {  	v60 =	vld.idx.msk [tilespmem:v25+s20+$0x0], $0xffff;
	v21 =	vmul.f32 v41, v13;
	v9 =	vmin.f32 v9, $1.100000000e+01;
	v24 =	vmul.f32 v50, v13  }
0x1f0: {  	v27 =	vmul.f32 v52, v13;
	v5 =	vadd.f32 v11, v5;
	v15 =	vadd.f32 v38, v36  }
0x1f1: {  	v6 =	vsub.f32 v6, v14;
	v51 =	vtrunc.f32 v9;
	v12 =	vmul.f32 v43, v46  }
0x1f2: {  	v16 =	vadd.f32 $8.466461300e-02, v56;
	v47 =	vmul.f32 v15, v13;
	v15 =	vcvt.f32.s32 v48  }
0x1f3: {  	v61 =	vld.idx.msk [tilespmem:v25+s25+$0x0], $0xffff;
	v18 =	vadd.f32 v21, v44;
	v53 =	vcvt.f32.s32 v51;
	v24 =	vadd.f32 v24, v55  }
0x1f4: {  	v63 =	vld.idx.msk [tilespmem:v25+s23+$0x0], $0xffff;
	v27 =	vadd.f32 v27, v60;
	v12 =	vsub.f32 $1.500000000e+00, v12;
	v54 =	vadd.s32 $0xFFFFFFFF, v15  }
0x1f5: {  	v62 =	vld.idx.msk [tilespmem:v25+s30+$0x0], $0xffff;
	v16 =	vmul.f32 v16, v19;
	v57 =	vmul.f32 v18, v13;
	vm14 =	vgt.s32 v54, $0x0  }
0x1f6: {  	v35 =	vld.idx.msk [tilespmem:v25+s17+$0x0], $0xffff;
	v59 =	vadd.s32 $0xFFFFFFFF, v53;
	v12 =	vmul.f32 v43, v12;
	v58 =	vnsel vm14, $0x0, v54  }
0x1f7: {  	v37 =	vld.idx.msk [tilespmem:v25+s29+$0x0], $0xffff;
	v24 =	vmul.f32 v24, v13;
	vm15 =	vgt.s32 v59, $0x0;
	v18 =	vmin.u32 v58, $0xC  }
0x1f8: {  	v38 =	vld.idx.msk [tilespmem:v25+s22+$0x0], $0xffff;
	v26 =	vnsel vm15, $0x0, v59;
	v23 =	vmul.f32 v12, v42;
	v18 =	vmul.u32 $0x9, v18  }
0x1f9: {  	v36 =	vld.idx.msk [tilespmem:v25+s19+$0x0], $0xffff;
	v27 =	vmul.f32 v27, v13;
	v24 =	vadd.f32 v24, v63;
	v26 =	vmin.u32 v26, $0x8  }
0x1fa: {  	v25 =	vld.idx.msk [tilespmem:v25+s3+$0x0], $0xffff;
	v8 =	vadd.f32 v47, v61;
	v23 =	vmul.f32 v23, v12;
	v18 =	vadd.s32 v26, v18  }
0x1fb: {  	v39 =	vadd.f32 v27, v35;
	v41 =	vmul.f32 v24, v13;
	v18 =	vmul.u32 $0x11, v18  }
0x1fc: {  	[tilespmem:s11+$0xFFFFFFA0] =	vst v2;
	v2 =	vmin.f32 v3, $5.000000000e-01;
	v16 =	vadd.f32 $-2.141239350e-01, v16;
	v23 =	vsub.f32 $1.500000000e+00, v23  }
0x1fd: {  	v29 =	vld [tilespmem:s1+$0x10];
	v8 =	vmul.f32 v8, v13;
	v42 =	vmul.f32 v39, v13;
	v11 =	vadd.f32 v41, v38  }
0x1fe: {  	v17 =	vadd.f32 v57, v62;
	v16 =	vmul.f32 v16, v19;
	v12 =	vmul.f32 v23, v12  }
0x1ff: {  	v24 =	vld [tilespmem:s1+$0x0];
	v14 =	vadd.f32 v8, v36;
	v8 =	vadd.f32 v42, v25;
	v11 =	vmul.f32 v6, v11  }
0x200: {  	vm5 =	vlt.f32 v22, $0.0e+00;
	vm4 =	vge.f32 v19, $1.000000000e+00;
	v12 =	vmul.f32 v12, v40;
	v40 =	vld [tilespmem:s2+$0xFFFFFFF0]  }
0x201: {  	v17 =	vmul.f32 v17, v13;
	v16 =	vadd.f32 $1.570787790e+00, v16;
	v11 =	vadd.f32 v11, v8;
	v43 =	vld.idx.msk [tilespmem:v18+s28+$0x0], $0xffff  }
0x202: {  	vm13 =	vlt.f32 v29, $0.0e+00;
	v45 =	vcvt.s32.f32 v53;
	v15 =	vcvt.s32.f32 v15;
	v44 =	vld.idx.msk [tilespmem:v18+s0+$0x0], $0xffff  }
0x203: {  	v10 =	vadd.f32 v17, v37;
	v11 =	vmul.f32 v11, v6;
	v12 =	vmul.f32 v12, v16;
	v46 =	vld.idx.msk [tilespmem:v18+s8+$0x0], $0xffff  }
0x204: {  	v9 =	vsub.f32 v9, v45;
	v7 =	vsub.f32 v7, v15;
	v27 =	vand.u32 $0x7FFFFFFF, v24;
	v47 =	vld.idx.msk [tilespmem:v18+s21+$0x0], $0xffff  }
0x205: {  	v10 =	vadd.f32 v11, v10;
	v49 =	vld.idx.msk [tilespmem:v18+s6+$0x0], $0xffff;
	v12 =	vmul.f32 $4.774648190e+00, v12;
	v48 =	vadd.f32 $3.000000000e+00, v40  }
0x206: {  	vm9 =	vlt.f32 v24, $0.0e+00;
	v59 =	vsub.f32 $1.000000000e+00, v27;
	vm8 =	vge.f32 v27, $1.000000000e+00;
	v51 =	vld.idx.msk [tilespmem:v18+s31+$0x0], $0xffff  }
0x207: {  	v52 =	vld.idx.msk [tilespmem:v18+s20+$0x0], $0xffff;
	v6 =	vmul.f32 v10, v6;
	v12 =	vsel vm4, $0x0, v12;
	v21 =	vmul.f32 $1.375000000e+00, v48  }
0x208: {  	v58 =	vld.idx.msk [tilespmem:v18+s26+$0x0], $0xffff;
	v50 =	vsub.f32 $1.500000000e+01, v12;
	v13 =	vmul.f32 v9, v43;
	v20 =	vmul.f32 v46, v9  }
0x209: {  	v6 =	vadd.f32 v6, v14;
	v16 =	vmul.f32 v44, v9;
	v19 =	vmul.f32 v47, v9  }
0x20a: {  	v43 =	vmul.f32 $8.648205540e-03, v27;
	v12 =	vsel vm5, v12, v50;
	v21 =	vmax.f32 v21, $0.0e+00  }
0x20b: {  	v23 =	vtrunc.f32 v12;
	v21 =	vmin.f32 v21, $1.100000000e+01;
	v17 =	vadd.f32 v20, v49  }
0x20c: {  	v16 =	vadd.f32 v16, v51;
	v19 =	vadd.f32 v19, v52;
	v23 =	vcvt.f32.s32 v23  }
0x20d: {  	v54 =	vld.idx.msk [tilespmem:v18+s23+$0x0], $0xffff;
	v13 =	vadd.f32 v13, v58;
	v44 =	vadd.f32 $-3.575458750e-02, v43;
	v53 =	vtrunc.f32 v21  }
0x20e: {  	v56 =	vld.idx.msk [tilespmem:v18+s17+$0x0], $0xffff;
	v20 =	vcvt.f32.s32 v53;
	v17 =	vmul.f32 v17, v9;
	v55 =	vadd.s32 $0xFFFFFFFF, v23  }
0x20f: {  	v19 =	vmul.f32 v19, v9;
	v16 =	vmul.f32 v16, v9;
	vm6 =	vgt.s32 v55, $0x0  }
0x210: {  	v60 =	vld.idx.msk [tilespmem:v18+s30+$0x0], $0xffff;
	v45 =	vmul.f32 v13, v9;
	v57 =	vadd.s32 $0xFFFFFFFF, v20;
	v8 =	vnsel vm6, $0x0, v55  }
0x211: {  	v41 =	vld.idx.msk [tilespmem:v18+s25+$0x0], $0xffff;
	v49 =	vmul.f32 v44, v27;
	vm7 =	vgt.s32 v57, $0x0;
	v8 =	vmin.u32 v8, $0xC  }
0x212: {  	v17 =	vadd.f32 v17, v54;
	v26 =	vnsel vm7, $0x0, v57;
	v8 =	vmul.u32 $0x9, v8  }
0x213: {  	v61 =	vld.idx.msk [tilespmem:v18+s22+$0x0], $0xffff;
	v19 =	vadd.f32 v19, v56;
	v62 =	vmin.u32 v26, $0x8;
	v26 =	vmax.f32 v59, $9.999999820e-15  }
0x214: {  	v63 =	vld.idx.msk [tilespmem:v18+s3+$0x0], $0xffff;
	v36 =	vshrl.u32 v26, $0x1;
	v37 =	vmul.f32 $5.000000000e-01, v26;
	v8 =	vadd.s32 v62, v8  }
0x215: {  	v42 =	vld.idx.msk [tilespmem:v18+s29+$0x0], $0xffff;
	v16 =	vadd.f32 v16, v60;
	v38 =	vsub.s32 $0x5F3759DF, v36;
	v8 =	vmul.u32 $0x11, v8  }
0x216: {  	v18 =	vld.idx.msk [tilespmem:v18+s19+$0x0], $0xffff;
	v11 =	vadd.f32 v45, v41;
	v20 =	vcvt.s32.f32 v20;
	v40 =	vmul.f32 v38, v37  }
0x217: {  	v22 =	vadd.f32 $8.466461300e-02, v49;
	v39 =	vmul.f32 v17, v9;
	v19 =	vmul.f32 v19, v9  }
0x218: {  	v60 =	vand.u32 $0x7FFFFFFF, v29;
	v46 =	vmul.f32 v16, v9;
	v17 =	vmul.f32 v38, v40  }
0x219: {  	v9 =	vmul.f32 v11, v9;
	v10 =	vsub.f32 v21, v20;
	v15 =	vadd.f32 v39, v61  }
0x21a: {  	v55 =	vmul.f32 v22, v27;
	v19 =	vadd.f32 v19, v63;
	v36 =	vld [tilespmem:s2+$0x0];
	v17 =	vsub.f32 $1.500000000e+00, v17  }
0x21b: {  	v13 =	vadd.f32 v46, v42;
	v9 =	vadd.f32 v9, v18;
	v15 =	vmul.f32 v7, v15;
	v48 =	vld.idx.msk [tilespmem:v8+s0+$0x0], $0xffff  }
0x21c: {  	v58 =	vadd.f32 $-2.141239350e-01, v55;
	v39 =	vmul.f32 $8.648205540e-03, v60;
	v17 =	vmul.f32 v38, v17  }
0x21d: {  	v63 =	vcvt.s32.f32 v23;
	v62 =	vsub.f32 $1.000000000e+00, v60;
	v15 =	vadd.f32 v15, v19;
	v50 =	vld.idx.msk [tilespmem:v8+s31+$0x0], $0xffff  }
0x21e: {  	v61 =	vmul.f32 v58, v27;
	v21 =	vadd.f32 $-3.575458750e-02, v39;
	v47 =	vld.idx.msk [tilespmem:v8+s28+$0x0], $0xffff;
	v51 =	vmul.f32 v17, v37  }
0x21f: {  	v18 =	vmax.f32 v62, $9.999999820e-15;
	v15 =	vmul.f32 v15, v7;
	v22 =	vadd.f32 $3.000000000e+00, v36;
	v59 =	vld.idx.msk [tilespmem:v8+s21+$0x0], $0xffff  }
0x220: {  	v32 =	vshrl.u32 v18, $0x1;
	v31 =	vld.idx.msk [tilespmem:v8+s8+$0x0], $0xffff;
	v54 =	vmul.f32 v51, v17;
	v56 =	vmul.f32 v48, v10  }
0x221: {  	v33 =	vmul.f32 $5.000000000e-01, v18;
	v52 =	vadd.f32 v15, v13;
	v57 =	vld.idx.msk [tilespmem:v8+s30+$0x0], $0xffff;
	v22 =	vmul.f32 $1.375000000e+00, v22  }
0x222: {  	v42 =	vmul.f32 v21, v60;
	v15 =	vsub.f32 $1.500000000e+00, v54;
	v14 =	vadd.f32 v56, v50  }
0x223: {  	v53 =	vld.idx.msk [tilespmem:v8+s26+$0x0], $0xffff;
	v7 =	vmul.f32 v52, v7;
	v22 =	vmax.f32 v22, $0.0e+00;
	v16 =	vmul.f32 v10, v47  }
0x224: {  	v28 =	vld.idx.msk [tilespmem:v8+s20+$0x0], $0xffff;
	v22 =	vmin.f32 v22, $1.100000000e+01;
	v15 =	vmul.f32 v15, v17;
	v14 =	vmul.f32 v14, v10  }
0x225: {  	v34 =	vld.idx.msk [tilespmem:v8+s6+$0x0], $0xffff;
	v19 =	vmul.f32 v59, v10;
	v23 =	vmul.f32 v31, v10;
	v17 =	vadd.f32 $1.570787790e+00, v61  }
0x226: {  	v15 =	vmul.f32 v15, v26;
	v11 =	vadd.f32 v14, v57;
	v14 =	vsub.s32 $0x5F3759DF, v32  }
0x227: {  	vm12 =	vge.f32 v60, $1.000000000e+00;
	v30 =	vld.idx.msk [tilespmem:v8+s25+$0x0], $0xffff;
	v47 =	vtrunc.f32 v22;
	v35 =	vmul.f32 v14, v33  }
0x228: {  	v12 =	vsub.f32 v12, v63;
	v40 =	vld.idx.msk [tilespmem:v8+s23+$0x0], $0xffff;
	v48 =	vcvt.f32.s32 v47;
	v15 =	vmul.f32 v15, v17  }
0x229: {  	v37 =	vld.idx.msk [tilespmem:v8+s17+$0x0], $0xffff;
	v13 =	vadd.f32 v16, v53;
	v19 =	vadd.f32 v19, v28;
	v38 =	vmul.f32 v14, v35  }
0x22a: {  	v52 =	vadd.s32 $0xFFFFFFFF, v48;
	v17 =	vadd.f32 v23, v34;
	v15 =	vmul.f32 $4.774648190e+00, v15  }
0x22b: {  	v13 =	vmul.f32 v13, v10;
	v19 =	vmul.f32 v19, v10;
	v16 =	vsub.f32 $1.500000000e+00, v38  }
0x22c: {  	vm11 =	vgt.s32 v52, $0x0;
	v17 =	vmul.f32 v17, v10;
	v15 =	vsel vm8, $0x0, v15  }
0x22d: {  	v53 =	vld [tilespmem:s2+$0x10];
	v13 =	vadd.f32 v13, v30;
	v41 =	vsub.f32 $1.500000000e+01, v15;
	v14 =	vmul.f32 v14, v16  }
0x22e: {  	v43 =	vld.idx.msk [tilespmem:v8+s22+$0x0], $0xffff;
	v55 =	vnsel vm11, $0x0, v52;
	v19 =	vadd.f32 v19, v37;
	v17 =	vadd.f32 v17, v40  }
0x22f: {  	v46 =	vld.idx.msk [tilespmem:v8+s3+$0x0], $0xffff;
	v11 =	vmul.f32 v11, v10;
	v15 =	vsel vm9, v15, v41;
	v44 =	vmul.f32 v14, v33  }
0x230: {  	v16 =	vadd.f32 $8.466461300e-02, v42;
	v17 =	vmul.f32 v17, v10;
	v45 =	vtrunc.f32 v15  }
0x231: {  	v56 =	vmin.u32 v55, $0x8;
	v24 =	vcvt.f32.s32 v45;
	v23 =	vmul.f32 v44, v14  }
0x232: {  	v58 =	vadd.f32 $3.000000000e+00, v53;
	v19 =	vmul.f32 v19, v10;
	v16 =	vmul.f32 v16, v60  }
0x233: {  	v17 =	vadd.f32 v17, v43;
	v49 =	vadd.s32 $0xFFFFFFFF, v24;
	v23 =	vsub.f32 $1.500000000e+00, v23  }
0x234: {  	v19 =	vadd.f32 v19, v46;
	v16 =	vadd.f32 $-2.141239350e-01, v16;
	vm10 =	vgt.s32 v49, $0x0  }
0x235: {  	v50 =	vld.idx.msk [tilespmem:v8+s29+$0x0], $0xffff;
	v17 =	vmul.f32 v12, v17;
	v51 =	vnsel vm10, $0x0, v49;
	v14 =	vmul.f32 v23, v14  }
0x236: {  	v62 =	vmul.f32 $1.375000000e+00, v58;
	v16 =	vmul.f32 v16, v60;
	v54 =	vmin.u32 v51, $0xC  }
0x237: {  	v8 =	vld.idx.msk [tilespmem:v8+s19+$0x0], $0xffff;
	v17 =	vadd.f32 v17, v19;
	v14 =	vmul.f32 v14, v18;
	v18 =	vmul.u32 $0x9, v54  }
0x238: {  	v13 =	vmul.f32 v13, v10;
	v33 =	vmax.f32 v62, $0.0e+00;
	v16 =	vadd.f32 $1.570787790e+00, v16  }
0x239: {  	v57 =	vmul.f32 v17, v12;
	v17 =	vld [tilespmem:s1+$0x20];
	v10 =	vadd.s32 v56, v18;
	v18 =	vmin.f32 v33, $1.100000000e+01  }
0x23a: {  	v11 =	vadd.f32 v11, v50;
	v10 =	vmul.u32 $0x11, v10;
	v37 =	vtrunc.f32 v18  }
0x23b: {  	v7 =	vadd.f32 v7, v9;
	v14 =	vmul.f32 v14, v16;
	v23 =	vcvt.f32.s32 v37  }
0x23c: {  	v8 =	vadd.f32 v13, v8;
	v38 =	vcvt.s32.f32 v48;
	v59 =	vadd.f32 v57, v11  }
0x23d: {  	v14 =	vmul.f32 $4.774648190e+00, v14;
	v44 =	vadd.s32 $0xFFFFFFFF, v23;
	v23 =	vcvt.s32.f32 v23  }
0x23e: {  	v63 =	vcvt.s32.f32 v24;
	v9 =	vmul.f32 v59, v12;
	vm5 =	vlt.f32 v17, $0.0e+00  }
0x23f: {  	v60 =	vsel vm12, $0x0, v14;
	v14 =	vand.u32 $0x7FFFFFFF, v17;
	v18 =	vsub.f32 v18, v23;
	v23 =	vld [tilespmem:s1+$0x30]  }
0x240: {  	v61 =	vsub.f32 $1.500000000e+01, v60;
	v35 =	vsub.f32 $1.000000000e+00, v14;
	v33 =	vmul.f32 $8.648205540e-03, v14;
	v36 =	vld.idx.msk [tilespmem:v10+s26+$0x0], $0xffff  }
0x241: {  	v8 =	vadd.f32 v9, v8;
	vm15 =	vgt.s32 v44, $0x0;
	vm4 =	vge.f32 v14, $1.000000000e+00;
	v39 =	vld.idx.msk [tilespmem:v10+s28+$0x0], $0xffff  }
0x242: {  	v13 =	vsel vm13, v60, v61;
	v24 =	vmax.f32 v35, $9.999999820e-15;
	v40 =	vld.idx.msk [tilespmem:v10+s8+$0x0], $0xffff;
	v55 =	vadd.f32 $-3.575458750e-02, v33  }
0x243: {  	v46 =	vld.idx.msk [tilespmem:v10+s21+$0x0], $0xffff;
	v34 =	vtrunc.f32 v13;
	v12 =	vshrl.u32 v24, $0x1;
	v42 =	vmul.f32 $5.000000000e-01, v24  }
0x244: {  	v43 =	vld.idx.msk [tilespmem:v10+s0+$0x0], $0xffff;
	v19 =	vcvt.f32.s32 v34;
	v45 =	vsub.s32 $0x5F3759DF, v12;
	v58 =	vmul.f32 v55, v14  }
0x245: {  	v49 =	vnsel vm15, $0x0, v44;
	v48 =	vld.idx.msk [tilespmem:v10+s6+$0x0], $0xffff;
	v12 =	vsub.f32 v22, v38;
	v47 =	vmul.f32 v45, v42  }
0x246: {  	v50 =	vld.idx.msk [tilespmem:v10+s20+$0x0], $0xffff;
	v22 =	vmin.u32 v49, $0x8;
	v41 =	vadd.s32 $0xFFFFFFFF, v19;
	v29 =	vadd.f32 $8.466461300e-02, v58  }
0x247: {  	v54 =	vld.idx.msk [tilespmem:v10+s31+$0x0], $0xffff;
	vm9 =	vlt.f32 v23, $0.0e+00;
	v31 =	vmul.f32 v45, v47;
	v53 =	vmul.f32 v40, v12  }
0x248: {  	vm14 =	vgt.s32 v41, $0x0;
	v21 =	vmul.f32 v12, v39;
	v30 =	vmul.f32 v46, v12  }
0x249: {  	v52 =	vld.idx.msk [tilespmem:v10+s25+$0x0], $0xffff;
	v60 =	vmul.f32 v43, v12;
	v11 =	vnsel vm14, $0x0, v41;
	v29 =	vmul.f32 v29, v14  }
0x24a: {  	v56 =	vld.idx.msk [tilespmem:v10+s23+$0x0], $0xffff;
	v11 =	vmin.u32 v11, $0xC;
	v31 =	vsub.f32 $1.500000000e+00, v31;
	v16 =	vadd.f32 v53, v48  }
0x24b: {  	v34 =	vld.idx.msk [tilespmem:v10+s17+$0x0], $0xffff;
	v9 =	vadd.f32 v21, v36;
	v61 =	vadd.f32 v30, v50;
	v51 =	vmul.u32 $0x9, v11  }
0x24c: {  	v47 =	vcvt.s32.f32 v19;
	v21 =	vadd.f32 v60, v54;
	v50 =	vld [tilespmem:s2+$0x20];
	v29 =	vadd.f32 $-2.141239350e-01, v29  }
0x24d: {  	v62 =	vld.idx.msk [tilespmem:v10+s30+$0x0], $0xffff;
	v57 =	vmul.f32 v45, v31;
	v16 =	vmul.f32 v16, v12;
	v22 =	vadd.s32 v22, v51  }
0x24e: {  	v59 =	vld.idx.msk [tilespmem:v10+s29+$0x0], $0xffff;
	v9 =	vmul.f32 v9, v12;
	v36 =	vmul.f32 v61, v12;
	v22 =	vmul.u32 $0x11, v22  }
0x24f: {  	v11 =	vsub.f32 v15, v63;
	v63 =	vld.idx.msk [tilespmem:v10+s22+$0x0], $0xffff;
	v38 =	vmul.f32 v21, v12;
	v26 =	vmul.f32 v57, v42  }
0x250: {  	v37 =	vld.idx.msk [tilespmem:v10+s3+$0x0], $0xffff;
	v44 =	vmul.f32 v29, v14;
	v16 =	vadd.f32 v16, v56;
	v15 =	vadd.f32 v9, v52  }
0x251: {  	v10 =	vld.idx.msk [tilespmem:v10+s19+$0x0], $0xffff;
	v39 =	vadd.f32 v36, v34;
	v28 =	vadd.f32 $3.000000000e+00, v50;
	v26 =	vmul.f32 v26, v57  }
0x252: {  	v9 =	vadd.f32 v38, v62;
	v46 =	vadd.f32 $1.570787790e+00, v44;
	v16 =	vmul.f32 v16, v12  }
0x253: {  	v21 =	vmul.f32 v39, v12;
	v28 =	vmul.f32 $1.375000000e+00, v28;
	v26 =	vsub.f32 $1.500000000e+00, v26  }
0x254: {  	v9 =	vmul.f32 v9, v12;
	v12 =	vmul.f32 v15, v12;
	v16 =	vadd.f32 v16, v63;
	v41 =	vld.idx.msk [tilespmem:v22+s0+$0x0], $0xffff  }
0x255: {  	v21 =	vadd.f32 v21, v37;
	v28 =	vmax.f32 v28, $0.0e+00;
	v42 =	vld.idx.msk [tilespmem:v22+s21+$0x0], $0xffff;
	v20 =	vmul.f32 v26, v57  }
0x256: {  	v10 =	vadd.f32 v12, v10;
	v16 =	vmul.f32 v11, v16;
	v45 =	vld.idx.msk [tilespmem:v22+s28+$0x0], $0xffff;
	v28 =	vmin.f32 v28, $1.100000000e+01  }
0x257: {  	v26 =	vadd.f32 v9, v59;
	v56 =	vld.idx.msk [tilespmem:v22+s8+$0x0], $0xffff;
	v38 =	vtrunc.f32 v28;
	v20 =	vmul.f32 v20, v24  }
0x258: {  	v40 =	vld.idx.msk [tilespmem:v22+s31+$0x0], $0xffff;
	v16 =	vadd.f32 v16, v21;
	v21 =	vand.u32 $0x7FFFFFFF, v23;
	v29 =	vcvt.f32.s32 v38  }
0x259: {  	v43 =	vld.idx.msk [tilespmem:v22+s20+$0x0], $0xffff;
	v55 =	vsub.f32 $1.000000000e+00, v21;
	v37 =	vmul.f32 $8.648205540e-03, v21;
	v20 =	vmul.f32 v20, v46  }
0x25a: {  	v9 =	vsub.f32 v13, v47;
	v53 =	vld.idx.msk [tilespmem:v22+s26+$0x0], $0xffff;
	v16 =	vmul.f32 v16, v11;
	v48 =	vmul.f32 v41, v18  }
0x25b: {  	v59 =	vld.idx.msk [tilespmem:v22+s6+$0x0], $0xffff;
	v49 =	vmul.f32 v42, v18;
	v54 =	vmul.f32 v18, v45;
	v14 =	vmax.f32 v55, $9.999999820e-15  }
0x25c: {  	v27 =	vmul.f32 v56, v18;
	v34 =	vadd.f32 $-3.575458750e-02, v37;
	v20 =	vmul.f32 $4.774648190e+00, v20  }
0x25d: {  	v41 =	vadd.s32 $0xFFFFFFFF, v29;
	v60 =	vshrl.u32 v14, $0x1;
	v61 =	vmul.f32 $5.000000000e-01, v14  }
0x25e: {  	v51 =	vadd.f32 v48, v40;
	v17 =	vsub.s32 $0x5F3759DF, v60;
	v20 =	vsel vm4, $0x0, v20  }
0x25f: {  	v36 =	vld.idx.msk [tilespmem:v22+s23+$0x0], $0xffff;
	v52 =	vadd.f32 v49, v43;
	v63 =	vmul.f32 v17, v61;
	v58 =	vsub.f32 $1.500000000e+01, v20  }
0x260: {  	vm7 =	vgt.s32 v41, $0x0;
	v24 =	vadd.f32 v54, v53;
	v27 =	vadd.f32 v27, v59  }
0x261: {  	v57 =	vld.idx.msk [tilespmem:v22+s17+$0x0], $0xffff;
	v40 =	vmul.f32 v34, v21;
	v30 =	vmul.f32 v17, v63;
	v20 =	vsel vm5, v20, v58  }
0x262: {  	v33 =	vnsel vm7, $0x0, v41;
	v27 =	vmul.f32 v27, v18;
	v62 =	vtrunc.f32 v20  }
0x263: {  	v35 =	vld.idx.msk [tilespmem:v22+s22+$0x0], $0xffff;
	v33 =	vmin.u32 v33, $0x8;
	v30 =	vsub.f32 $1.500000000e+00, v30;
	v25 =	vcvt.f32.s32 v62  }
0x264: {  	v42 =	vld.idx.msk [tilespmem:v22+s30+$0x0], $0xffff;
	v13 =	vmul.f32 v51, v18;
	v19 =	vmul.f32 v52, v18;
	v27 =	vadd.f32 v27, v36  }
0x265: {  	v24 =	vmul.f32 v24, v18;
	v36 =	vld.idx.msk [tilespmem:v22+s3+$0x0], $0xffff;
	v17 =	vmul.f32 v17, v30;
	v39 =	vadd.s32 $0xFFFFFFFF, v25  }
0x266: {  	v19 =	vadd.f32 v19, v57;
	v27 =	vmul.f32 v27, v18;
	vm6 =	vgt.s32 v39, $0x0  }
0x267: {  	v30 =	vadd.f32 $8.466461300e-02, v40;
	v32 =	vmul.f32 v17, v61;
	v31 =	vnsel vm6, $0x0, v39  }
0x268: {  	v45 =	vld [tilespmem:s2+$0x30];
	v19 =	vmul.f32 v19, v18;
	v27 =	vadd.f32 v27, v35;
	v31 =	vmin.u32 v31, $0xC  }
0x269: {  	v43 =	vld.idx.msk [tilespmem:v22+s29+$0x0], $0xffff;
	v30 =	vmul.f32 v30, v21;
	v32 =	vmul.f32 v32, v17;
	v31 =	vmul.u32 $0x9, v31  }
0x26a: {  	v37 =	vld.idx.msk [tilespmem:v22+s25+$0x0], $0xffff;
	v13 =	vadd.f32 v13, v42;
	v19 =	vadd.f32 v19, v36;
	v27 =	vmul.f32 v9, v27  }
0x26b: {  	v30 =	vadd.f32 $-2.141239350e-01, v30;
	v32 =	vsub.f32 $1.500000000e+00, v32;
	v31 =	vadd.s32 v33, v31  }
0x26c: {  	v44 =	vmul.f32 v13, v18;
	v19 =	vadd.f32 v27, v19;
	v31 =	vmul.u32 $0x11, v31  }
0x26d: {  	v47 =	vadd.f32 v16, v26;
	v30 =	vmul.f32 v30, v21;
	v17 =	vmul.f32 v32, v17  }
0x26e: {  	v54 =	vadd.f32 $3.000000000e+00, v45;
	v22 =	vld.idx.msk [tilespmem:v22+s19+$0x0], $0xffff;
	v49 =	vadd.f32 v44, v43;
	v19 =	vmul.f32 v19, v9  }
0x26f: {  	v24 =	vadd.f32 v24, v37;
	v13 =	vld [tilespmem:s1+$0x40];
	v46 =	vadd.f32 $1.570787790e+00, v30;
	v14 =	vmul.f32 v17, v14  }
0x270: {  	v15 =	vmul.f32 v47, v11;
	v17 =	vadd.f32 v19, v49;
	v19 =	vmul.f32 $1.375000000e+00, v54  }
0x271: {  	vm8 =	vge.f32 v21, $1.000000000e+00;
	v48 =	vmul.f32 v24, v18;
	v14 =	vmul.f32 v14, v46  }
0x272: {  	v52 =	vcvt.s32.f32 v29;
	v53 =	vcvt.s32.f32 v25;
	v60 =	vmax.f32 v19, $0.0e+00;
	v50 =	vld.idx.msk [tilespmem:v31+s28+$0x0], $0xffff  }
0x273: {  	v16 =	vadd.f32 v48, v22;
	v40 =	vmin.f32 v60, $1.100000000e+01;
	v51 =	vld.idx.msk [tilespmem:v31+s0+$0x0], $0xffff;
	v14 =	vmul.f32 $4.774648190e+00, v14  }
0x274: {  	v11 =	vsub.f32 v20, v53;
	vm13 =	vlt.f32 v13, $0.0e+00;
	v58 =	vld.idx.msk [tilespmem:v31+s21+$0x0], $0xffff;
	v42 =	vtrunc.f32 v40  }
0x275: {  	v21 =	vsub.f32 v28, v52;
	v61 =	vld.idx.msk [tilespmem:v31+s8+$0x0], $0xffff;
	v20 =	vcvt.f32.s32 v42;
	v55 =	vsel vm8, $0x0, v14  }
0x276: {  	v17 =	vmul.f32 v17, v9;
	v14 =	vand.u32 $0x7FFFFFFF, v13;
	v56 =	vsub.f32 $1.500000000e+01, v55  }
0x277: {  	v41 =	vld.idx.msk [tilespmem:v31+s6+$0x0], $0xffff;
	v57 =	vsub.f32 $1.000000000e+00, v14;
	v46 =	vmul.f32 $8.648205540e-03, v14;
	v48 =	vadd.s32 $0xFFFFFFFF, v20  }
0x278: {  	v45 =	vld.idx.msk [tilespmem:v31+s20+$0x0], $0xffff;
	vm11 =	vgt.s32 v48, $0x0;
	v24 =	vmul.f32 v21, v50;
	v59 =	vmul.f32 v51, v21  }
0x279: {  	v47 =	vld.idx.msk [tilespmem:v31+s26+$0x0], $0xffff;
	v22 =	vsel vm9, v55, v56;
	v19 =	vmax.f32 v57, $9.999999820e-15;
	v26 =	vmul.f32 v58, v21  }
0x27a: {  	v38 =	vld.idx.msk [tilespmem:v31+s31+$0x0], $0xffff;
	v12 =	vmul.f32 v61, v21;
	v34 =	vadd.f32 $-3.575458750e-02, v46;
	v62 =	vtrunc.f32 v22  }
0x27b: {  	v51 =	vnsel vm11, $0x0, v48;
	v25 =	vshrl.u32 v19, $0x1;
	v23 =	vcvt.f32.s32 v62  }
0x27c: {  	v49 =	vld.idx.msk [tilespmem:v31+s23+$0x0], $0xffff;
	v63 =	vmul.f32 $5.000000000e-01, v19;
	v25 =	vsub.s32 $0x5F3759DF, v25;
	v12 =	vadd.f32 v12, v41  }
0x27d: {  	v53 =	vmul.f32 v34, v14;
	v26 =	vadd.f32 v26, v45;
	v44 =	vadd.s32 $0xFFFFFFFF, v23  }
0x27e: {  	v52 =	vld.idx.msk [tilespmem:v31+s17+$0x0], $0xffff;
	v24 =	vadd.f32 v24, v47;
	v43 =	vmul.f32 v25, v63;
	vm10 =	vgt.s32 v44, $0x0  }
0x27f: {  	v54 =	vld.idx.msk [tilespmem:v31+s25+$0x0], $0xffff;
	v27 =	vadd.f32 v59, v38;
	v12 =	vmul.f32 v12, v21;
	v32 =	vnsel vm10, $0x0, v44  }
0x280: {  	v55 =	vld.idx.msk [tilespmem:v31+s22+$0x0], $0xffff;
	v26 =	vmul.f32 v26, v21;
	v30 =	vmul.f32 v25, v43;
	v50 =	vmin.u32 v32, $0xC  }
0x281: {  	v56 =	vld.idx.msk [tilespmem:v31+s30+$0x0], $0xffff;
	v24 =	vmul.f32 v24, v21;
	v37 =	vadd.f32 v12, v49;
	v18 =	vmul.u32 $0x9, v50  }
0x282: {  	v57 =	vld.idx.msk [tilespmem:v31+s3+$0x0], $0xffff;
	v27 =	vmul.f32 v27, v21;
	v30 =	vsub.f32 $1.500000000e+00, v30;
	v32 =	vmin.u32 v51, $0x8  }
0x283: {  	v26 =	vadd.f32 v26, v52;
	v58 =	vmul.f32 v37, v21;
	v18 =	vadd.s32 v32, v18  }
0x284: {  	v41 =	vcvt.s32.f32 v23;
	v25 =	vmul.f32 v25, v30;
	v12 =	vmul.u32 $0x11, v18  }
0x285: {  	v59 =	vld.idx.msk [tilespmem:v31+s19+$0x0], $0xffff;
	v26 =	vmul.f32 v26, v21;
	v30 =	vadd.f32 $8.466461300e-02, v53;
	v33 =	vadd.f32 v58, v55  }
0x286: {  	v31 =	vld.idx.msk [tilespmem:v31+s29+$0x0], $0xffff;
	v24 =	vadd.f32 v24, v54;
	v27 =	vadd.f32 v27, v56;
	v28 =	vmul.f32 v25, v63  }
0x287: {  	v30 =	vmul.f32 v30, v14;
	v18 =	vadd.f32 v26, v57;
	v61 =	vmul.f32 v11, v33;
	v33 =	vld [tilespmem:s2+$0x40]  }
0x288: {  	v9 =	vadd.f32 v15, v10;
	v24 =	vmul.f32 v24, v21;
	v28 =	vmul.f32 v28, v25  }
0x289: {  	v23 =	vld [tilespmem:s1+$0x50];
	v21 =	vmul.f32 v27, v21;
	v30 =	vadd.f32 $-2.141239350e-01, v30;
	v18 =	vadd.f32 v61, v18  }
0x28a: {  	v10 =	vadd.f32 v17, v16;
	v34 =	vcvt.s32.f32 v20;
	v28 =	vsub.f32 $1.500000000e+00, v28;
	v62 =	vld.idx.msk [tilespmem:v12+s28+$0x0], $0xffff  }
0x28b: {  	v37 =	vadd.f32 v21, v31;
	v60 =	vmul.f32 v30, v14;
	v38 =	vmul.f32 v18, v11;
	v63 =	vld.idx.msk [tilespmem:v12+s0+$0x0], $0xffff  }
0x28c: {  	v15 =	vsub.f32 v40, v34;
	v25 =	vmul.f32 v28, v25;
	v39 =	vld.idx.msk [tilespmem:v12+s21+$0x0], $0xffff;
	v26 =	vadd.f32 $3.000000000e+00, v33  }
0x28d: {  	vm12 =	vge.f32 v14, $1.000000000e+00;
	v28 =	vadd.f32 $1.570787790e+00, v60;
	v40 =	vld.idx.msk [tilespmem:v12+s8+$0x0], $0xffff;
	v17 =	vadd.f32 v38, v37  }
0x28e: {  	v19 =	vmul.f32 v25, v19;
	v47 =	vmul.f32 $1.375000000e+00, v26;
	v26 =	vand.u32 $0x7FFFFFFF, v23  }
0x28f: {  	v22 =	vsub.f32 v22, v41;
	vm5 =	vlt.f32 v23, $0.0e+00;
	v35 =	vld.idx.msk [tilespmem:v12+s31+$0x0], $0xffff;
	v61 =	vmul.f32 $8.648205540e-03, v26  }
0x290: {  	v21 =	vadd.f32 v24, v59;
	v42 =	vld.idx.msk [tilespmem:v12+s20+$0x0], $0xffff;
	v11 =	vmul.f32 v17, v11;
	v19 =	vmul.f32 v19, v28  }
0x291: {  	v44 =	vld.idx.msk [tilespmem:v12+s6+$0x0], $0xffff;
	v49 =	vsub.f32 $1.000000000e+00, v26;
	v43 =	vmul.f32 v63, v15;
	v45 =	vmul.f32 v15, v62  }
0x292: {  	v13 =	vmax.f32 v47, $0.0e+00;
	v18 =	vmul.f32 v39, v15;
	v24 =	vmul.f32 v40, v15  }
0x293: {  	v55 =	vld.idx.msk [tilespmem:v12+s26+$0x0], $0xffff;
	v13 =	vmin.f32 v13, $1.100000000e+01;
	v28 =	vmax.f32 v49, $9.999999820e-15;
	v41 =	vadd.f32 $-3.575458750e-02, v61  }
0x294: {  	v19 =	vmul.f32 $4.774648190e+00, v19;
	v50 =	vtrunc.f32 v13;
	v53 =	vshrl.u32 v28, $0x1  }
0x295: {  	v54 =	vmul.f32 $5.000000000e-01, v28;
	v20 =	vadd.f32 v43, v35;
	v14 =	vadd.f32 v18, v42  }
0x296: {  	v16 =	vadd.f32 v24, v44;
	v18 =	vcvt.f32.s32 v50;
	v19 =	vsel vm12, $0x0, v19  }
0x297: {  	v52 =	vld.idx.msk [tilespmem:v12+s23+$0x0], $0xffff;
	v30 =	vsub.s32 $0x5F3759DF, v53;
	v44 =	vmul.f32 v41, v26;
	v46 =	vsub.f32 $1.500000000e+01, v19  }
0x298: {  	v27 =	vadd.f32 v45, v55;
	v58 =	vmul.f32 v30, v54;
	v16 =	vmul.f32 v16, v15  }
0x299: {  	v57 =	vld.idx.msk [tilespmem:v12+s17+$0x0], $0xffff;
	v14 =	vmul.f32 v14, v15;
	v20 =	vmul.f32 v20, v15;
	v19 =	vsel vm13, v19, v46  }
0x29a: {  	vm4 =	vge.f32 v26, $1.000000000e+00;
	v27 =	vmul.f32 v27, v15;
	v48 =	vtrunc.f32 v19  }
0x29b: {  	v60 =	vld.idx.msk [tilespmem:v12+s22+$0x0], $0xffff;
	v56 =	vadd.s32 $0xFFFFFFFF, v18;
	v35 =	vmul.f32 v30, v58;
	v25 =	vcvt.f32.s32 v48  }
0x29c: {  	v59 =	vld.idx.msk [tilespmem:v12+s30+$0x0], $0xffff;
	v32 =	vadd.f32 $8.466461300e-02, v44;
	v18 =	vcvt.s32.f32 v18;
	v29 =	vadd.f32 v16, v52  }
0x29d: {  	v63 =	vld.idx.msk [tilespmem:v12+s3+$0x0], $0xffff;
	vm15 =	vgt.s32 v56, $0x0;
	v40 =	vsub.f32 $1.500000000e+00, v35;
	v51 =	vadd.s32 $0xFFFFFFFF, v25  }
0x29e: {  	v14 =	vadd.f32 v14, v57;
	v29 =	vmul.f32 v29, v15;
	vm14 =	vgt.s32 v51, $0x0  }
0x29f: {  	v42 =	vld.idx.msk [tilespmem:v12+s25+$0x0], $0xffff;
	v33 =	vnsel vm15, $0x0, v56;
	v30 =	vmul.f32 v30, v40;
	v24 =	vnsel vm14, $0x0, v51  }
0x2a0: {  	v14 =	vmul.f32 v14, v15;
	v29 =	vadd.f32 v29, v60;
	v24 =	vmin.u32 v24, $0xC  }
0x2a1: {  	v43 =	vld.idx.msk [tilespmem:v12+s29+$0x0], $0xffff;
	v20 =	vadd.f32 v20, v59;
	v31 =	vmul.f32 v30, v54;
	v24 =	vmul.u32 $0x9, v24  }
0x2a2: {  	v12 =	vld.idx.msk [tilespmem:v12+s19+$0x0], $0xffff;
	v33 =	vmin.u32 v33, $0x8;
	v14 =	vadd.f32 v14, v63;
	v45 =	vmul.f32 v22, v29  }
0x2a3: {  	v32 =	vmul.f32 v32, v26;
	v59 =	vld [tilespmem:s2+$0x50];
	v31 =	vmul.f32 v31, v30;
	v62 =	vadd.s32 v33, v24  }
0x2a4: {  	v27 =	vadd.f32 v27, v42;
	v14 =	vadd.f32 v45, v14;
	v16 =	vmul.u32 $0x11, v62  }
0x2a5: {  	v20 =	vmul.f32 v20, v15;
	v48 =	vadd.f32 $-2.141239350e-01, v32;
	v47 =	vsub.f32 $1.500000000e+00, v31;
	v33 =	vld [tilespmem:s1+$0x60]  }
0x2a6: {  	v13 =	vsub.f32 v13, v18;
	v15 =	vmul.f32 v27, v15;
	v14 =	vmul.f32 v14, v22  }
0x2a7: {  	v20 =	vadd.f32 v20, v43;
	v24 =	vmul.f32 v48, v26;
	v17 =	vmul.f32 v47, v30  }
0x2a8: {  	v58 =	vcvt.s32.f32 v25;
	v15 =	vadd.f32 v15, v12;
	v25 =	vadd.f32 $3.000000000e+00, v59  }
0x2a9: {  	v14 =	vadd.f32 v14, v20;
	v24 =	vadd.f32 $1.570787790e+00, v24;
	v17 =	vmul.f32 v17, v28  }
0x2aa: {  	v12 =	vadd.f32 v11, v21;
	v25 =	vmul.f32 $1.375000000e+00, v25;
	v31 =	vand.u32 $0x7FFFFFFF, v33;
	v46 =	vld.idx.msk [tilespmem:v16+s0+$0x0], $0xffff  }
0x2ab: {  	v14 =	vmul.f32 v14, v22;
	v17 =	vmul.f32 v17, v24;
	v50 =	vsub.f32 $1.000000000e+00, v31;
	v56 =	vld.idx.msk [tilespmem:v16+s28+$0x0], $0xffff  }
0x2ac: {  	v40 =	vmax.f32 v25, $0.0e+00;
	vm9 =	vlt.f32 v33, $0.0e+00;
	v61 =	vmul.f32 $8.648205540e-03, v31;
	v36 =	vld.idx.msk [tilespmem:v16+s21+$0x0], $0xffff  }
0x2ad: {  	v11 =	vadd.f32 v14, v15;
	v17 =	vmul.f32 $4.774648190e+00, v17;
	v48 =	vld.idx.msk [tilespmem:v16+s8+$0x0], $0xffff;
	v52 =	vmax.f32 v50, $9.999999820e-15  }
0x2ae: {  	v49 =	vld.idx.msk [tilespmem:v16+s31+$0x0], $0xffff;
	v21 =	vadd.f32 $-3.575458750e-02, v61;
	v54 =	vshrl.u32 v52, $0x1;
	v55 =	vmul.f32 $5.000000000e-01, v52  }
0x2af: {  	v14 =	vsub.f32 v19, v58;
	v62 =	vld.idx.msk [tilespmem:v16+s26+$0x0], $0xffff;
	v17 =	vsel vm4, $0x0, v17;
	v57 =	vsub.s32 $0x5F3759DF, v54  }
0x2b0: {  	v35 =	vsub.f32 $1.500000000e+01, v17;
	v37 =	vmul.f32 v21, v31;
	v28 =	vmul.f32 v57, v55  }
0x2b1: {  	vm8 =	vge.f32 v31, $1.000000000e+00;
	v21 =	vld [tilespmem:s1+$0x70];
	v51 =	vmul.f32 v46, v13;
	v34 =	vmul.f32 v13, v56  }
0x2b2: {  	v23 =	vsel vm5, v17, v35;
	v43 =	vmul.f32 v36, v13;
	v27 =	vmul.f32 v48, v13  }
0x2b3: {  	v38 =	vadd.f32 $8.466461300e-02, v37;
	v60 =	vmul.f32 v57, v28;
	v26 =	vtrunc.f32 v23  }
0x2b4: {  	v28 =	vmin.f32 v40, $1.100000000e+01;
	v18 =	vadd.f32 v51, v49;
	v17 =	vadd.f32 v34, v62  }
0x2b5: {  	v53 =	vld.idx.msk [tilespmem:v16+s30+$0x0], $0xffff;
	v22 =	vcvt.f32.s32 v26;
	v45 =	vtrunc.f32 v28;
	v15 =	vsub.f32 $1.500000000e+00, v60  }
0x2b6: {  	v42 =	vmul.f32 v38, v31;
	v30 =	vand.u32 $0x7FFFFFFF, v21;
	v26 =	vcvt.f32.s32 v45  }
0x2b7: {  	v18 =	vmul.f32 v18, v13;
	v44 =	vadd.s32 $0xFFFFFFFF, v22;
	v20 =	vmul.f32 v57, v15  }
0x2b8: {  	v25 =	vadd.f32 $-2.141239350e-01, v42;
	v47 =	vsub.f32 $1.000000000e+00, v30;
	v22 =	vcvt.s32.f32 v22  }
0x2b9: {  	v17 =	vmul.f32 v17, v13;
	vm6 =	vgt.s32 v44, $0x0;
	v29 =	vmul.f32 v20, v55  }
0x2ba: {  	v57 =	vmul.f32 $8.648205540e-03, v30;
	v18 =	vadd.f32 v18, v53;
	v19 =	vnsel vm6, $0x0, v44  }
0x2bb: {  	v63 =	vld.idx.msk [tilespmem:v16+s29+$0x0], $0xffff;
	v46 =	vmul.f32 v25, v31;
	v25 =	vmax.f32 v47, $9.999999820e-15;
	v41 =	vmul.f32 v29, v20  }
0x2bc: {  	v19 =	vmin.u32 v19, $0xC;
	v49 =	vshrl.u32 v25, $0x1;
	v50 =	vmul.f32 $5.000000000e-01, v25  }
0x2bd: {  	v39 =	vld.idx.msk [tilespmem:v16+s20+$0x0], $0xffff;
	v35 =	vadd.f32 $-3.575458750e-02, v57;
	v51 =	vsub.s32 $0x5F3759DF, v49;
	v24 =	vsub.f32 $1.500000000e+00, v41  }
0x2be: {  	v54 =	vld [tilespmem:s2+$0x60];
	v18 =	vmul.f32 v18, v13;
	v29 =	vadd.s32 $0xFFFFFFFF, v26;
	v53 =	vmul.f32 v51, v50  }
0x2bf: {  	v19 =	vmul.u32 $0x9, v19;
	vm7 =	vgt.s32 v29, $0x0;
	v20 =	vmul.f32 v24, v20  }
0x2c0: {  	v15 =	vadd.f32 v18, v63;
	v29 =	vnsel vm7, $0x0, v29;
	v56 =	vmul.f32 v51, v53  }
0x2c1: {  	v29 =	vmin.u32 v29, $0x8;
	v24 =	vadd.f32 $1.570787790e+00, v46;
	v20 =	vmul.f32 v20, v52  }
0x2c2: {  	v55 =	vld.idx.msk [tilespmem:v16+s17+$0x0], $0xffff;
	v18 =	vadd.f32 v43, v39;
	v19 =	vadd.s32 v29, v19;
	v29 =	vsub.f32 $1.500000000e+00, v56  }
0x2c3: {  	v60 =	vadd.f32 $3.000000000e+00, v54;
	v61 =	vmul.f32 v35, v30;
	v52 =	vld.idx.msk [tilespmem:v16+s6+$0x0], $0xffff;
	v20 =	vmul.f32 v20, v24  }
0x2c4: {  	v58 =	vld.idx.msk [tilespmem:v16+s23+$0x0], $0xffff;
	vm13 =	vlt.f32 v21, $0.0e+00;
	v18 =	vmul.f32 v18, v13;
	v24 =	vmul.f32 v51, v29  }
0x2c5: {  	v35 =	vld.idx.msk [tilespmem:v16+s25+$0x0], $0xffff;
	v38 =	vmul.u32 $0x11, v19;
	v29 =	vadd.f32 $8.466461300e-02, v61;
	v20 =	vmul.f32 $4.774648190e+00, v20  }
0x2c6: {  	vm12 =	vge.f32 v30, $1.000000000e+00;
	v44 =	vmul.f32 $1.375000000e+00, v60;
	v63 =	vld.idx.msk [tilespmem:v16+s22+$0x0], $0xffff;
	v45 =	vmul.f32 v24, v50  }
0x2c7: {  	v19 =	vld.idx.msk [tilespmem:v16+s19+$0x0], $0xffff;
	v62 =	vadd.f32 v18, v55;
	v29 =	vmul.f32 v29, v30;
	v20 =	vsel vm8, $0x0, v20  }
0x2c8: {  	v16 =	vld.idx.msk [tilespmem:v16+s3+$0x0], $0xffff;
	v27 =	vadd.f32 v27, v52;
	v33 =	vmul.f32 v45, v24;
	v59 =	vsub.f32 $1.500000000e+01, v20  }
0x2c9: {  	v26 =	vcvt.s32.f32 v26;
	v46 =	vmul.f32 v62, v13;
	v29 =	vadd.f32 $-2.141239350e-01, v29  }
0x2ca: {  	v56 =	vld [tilespmem:s2+$0x70];
	v27 =	vmul.f32 v27, v13;
	v33 =	vsub.f32 $1.500000000e+00, v33;
	v18 =	vsel vm9, v20, v59  }
0x2cb: {  	v36 =	vld.idx.msk [tilespmem:v38+s19+$0x0], $0xffff;
	v29 =	vmul.f32 v29, v30;
	v20 =	vmax.f32 v44, $0.0e+00;
	v47 =	vtrunc.f32 v18  }
0x2cc: {  	v37 =	vld.idx.msk [tilespmem:v38+s25+$0x0], $0xffff;
	v27 =	vadd.f32 v27, v58;
	v39 =	vmin.f32 v20, $1.100000000e+01;
	v20 =	vcvt.f32.s32 v47  }
0x2cd: {  	v31 =	vld.idx.msk [tilespmem:v38+s26+$0x0], $0xffff;
	v16 =	vadd.f32 v46, v16;
	v24 =	vmul.f32 v33, v24;
	v40 =	vtrunc.f32 v39  }
0x2ce: {  	v48 =	vld.idx.msk [tilespmem:v38+s28+$0x0], $0xffff;
	v27 =	vmul.f32 v27, v13;
	v40 =	vcvt.f32.s32 v40;
	v41 =	vadd.s32 $0xFFFFFFFF, v20  }
0x2cf: {  	v42 =	vld.idx.msk [tilespmem:v38+s29+$0x0], $0xffff;
	v54 =	vadd.f32 $1.570787790e+00, v29;
	v24 =	vmul.f32 v24, v25;
	vm10 =	vgt.s32 v41, $0x0  }
0x2d0: {  	v49 =	vld.idx.msk [tilespmem:v38+s30+$0x0], $0xffff;
	v27 =	vadd.f32 v27, v63;
	v43 =	vadd.s32 $0xFFFFFFFF, v40;
	v52 =	vnsel vm10, $0x0, v41  }
0x2d1: {  	v53 =	vld.idx.msk [tilespmem:v38+s0+$0x0], $0xffff;
	v24 =	vmul.f32 v24, v54;
	vm11 =	vgt.s32 v43, $0x0;
	v55 =	vmin.u32 v52, $0xC  }
0x2d2: {  	v59 =	vld.idx.msk [tilespmem:v38+s21+$0x0], $0xffff;
	v27 =	vmul.f32 v14, v27;
	v43 =	vnsel vm11, $0x0, v43;
	v29 =	vmul.u32 $0x9, v55  }
0x2d3: {  	v26 =	vsub.f32 v28, v26;
	v17 =	vadd.f32 v17, v35;
	v57 =	vld.idx.msk [tilespmem:v38+s8+$0x0], $0xffff;
	v58 =	vmin.u32 v43, $0x8  }
0x2d4: {  	v61 =	vld.idx.msk [tilespmem:v38+s20+$0x0], $0xffff;
	v24 =	vmul.f32 $4.774648190e+00, v24;
	v25 =	vadd.f32 v27, v16;
	v16 =	vadd.s32 v58, v29  }
0x2d5: {  	v22 =	vsub.f32 v23, v22;
	v60 =	vld.idx.msk [tilespmem:v38+s6+$0x0], $0xffff;
	v32 =	vmul.f32 v26, v48;
	v16 =	vmul.u32 $0x11, v16  }
0x2d6: {  	v62 =	vadd.f32 $3.000000000e+00, v56;
	v44 =	vld.idx.msk [tilespmem:v38+s31+$0x0], $0xffff;
	v13 =	vmul.f32 v17, v13;
	v24 =	vsel vm12, $0x0, v24  }
0x2d7: {  	v51 =	vld.idx.msk [tilespmem:v38+s17+$0x0], $0xffff;
	v31 =	vadd.f32 v32, v31;
	v28 =	vmul.f32 v59, v26;
	v50 =	vsub.f32 $1.500000000e+01, v24  }
0x2d8: {  	v63 =	vld.idx.msk [tilespmem:v38+s3+$0x0], $0xffff;
	v13 =	vadd.f32 v13, v19;
	v20 =	vcvt.s32.f32 v20;
	v52 =	vmul.f32 $1.375000000e+00, v62  }
0x2d9: {  	v41 =	vmul.f32 v53, v26;
	v53 =	vld.idx.msk [tilespmem:v38+s23+$0x0], $0xffff;
	v23 =	vadd.f32 v28, v61;
	v24 =	vsel vm13, v24, v50  }
0x2da: {  	v38 =	vld.idx.msk [tilespmem:v38+s22+$0x0], $0xffff;
	v27 =	vmul.f32 v57, v26;
	v21 =	vmax.f32 v52, $0.0e+00;
	v54 =	vtrunc.f32 v24  }
0x2db: {  	v41 =	vadd.f32 v41, v44;
	v21 =	vmin.f32 v21, $1.100000000e+01;
	v29 =	vcvt.f32.s32 v54;
	v28 =	vld.idx.msk [tilespmem:v16+s25+$0x0], $0xffff  }
0x2dc: {  	v31 =	vmul.f32 v31, v26;
	v27 =	vadd.f32 v27, v60;
	v56 =	vtrunc.f32 v21;
	v55 =	vld.idx.msk [tilespmem:v16+s26+$0x0], $0xffff  }
0x2dd: {  	v41 =	vmul.f32 v41, v26;
	v43 =	vcvt.f32.s32 v56;
	v46 =	vadd.s32 $0xFFFFFFFF, v29;
	v45 =	vld.idx.msk [tilespmem:v16+s28+$0x0], $0xffff  }
0x2de: {  	v23 =	vmul.f32 v23, v26;
	v27 =	vmul.f32 v27, v26;
	v30 =	vld.idx.msk [tilespmem:v16+s29+$0x0], $0xffff;
	vm14 =	vgt.s32 v46, $0x0  }
0x2df: {  	v33 =	vadd.f32 v41, v49;
	v58 =	vadd.s32 $0xFFFFFFFF, v43;
	v41 =	vld.idx.msk [tilespmem:v16+s30+$0x0], $0xffff;
	v57 =	vnsel vm14, $0x0, v46  }
0x2e0: {  	v23 =	vadd.f32 v23, v51;
	vm15 =	vgt.s32 v58, $0x0;
	v47 =	vld.idx.msk [tilespmem:v16+s31+$0x0], $0xffff;
	v44 =	vmin.u32 v57, $0xC  }
0x2e1: {  	v27 =	vadd.f32 v27, v53;
	v48 =	vld.idx.msk [tilespmem:v16+s0+$0x0], $0xffff;
	v46 =	vnsel vm15, $0x0, v58;
	v44 =	vmul.u32 $0x9, v44  }
0x2e2: {  	v31 =	vadd.f32 v31, v37;
	v25 =	vmul.f32 v25, v14;
	v59 =	vld.idx.msk [tilespmem:v16+s8+$0x0], $0xffff;
	v46 =	vmin.u32 v46, $0x8  }
0x2e3: {  	v23 =	vmul.f32 v23, v26;
	v27 =	vmul.f32 v27, v26;
	v61 =	vld.idx.msk [tilespmem:v16+s21+$0x0], $0xffff;
	v44 =	vadd.s32 v46, v44  }
0x2e4: {  	v60 =	vcvt.s32.f32 v40;
	v15 =	vadd.f32 v25, v15;
	v62 =	vld.idx.msk [tilespmem:v16+s6+$0x0], $0xffff;
	v44 =	vmul.u32 $0x11, v44  }
0x2e5: {  	v33 =	vmul.f32 v33, v26;
	v23 =	vadd.f32 v23, v63;
	v63 =	vld.idx.msk [tilespmem:v16+s20+$0x0], $0xffff;
	v27 =	vadd.f32 v27, v38  }
0x2e6: {  	v18 =	vsub.f32 v18, v20;
	v37 =	vmul.f32 v31, v26;
	v14 =	vmul.f32 v15, v14;
	v40 =	vld.idx.msk [tilespmem:v16+s22+$0x0], $0xffff  }
0x2e7: {  	v15 =	vsub.f32 v39, v60;
	v39 =	vadd.f32 v33, v42;
	v42 =	vld.idx.msk [tilespmem:v16+s23+$0x0], $0xffff;
	v27 =	vmul.f32 v22, v27  }
0x2e8: {  	v25 =	vadd.f32 v37, v36;
	v53 =	vcvt.s32.f32 v43;
	v29 =	vcvt.s32.f32 v29;
	v38 =	vld.idx.msk [tilespmem:v16+s3+$0x0], $0xffff  }
0x2e9: {  	v46 =	vld.idx.msk [tilespmem:v16+s17+$0x0], $0xffff;
	v23 =	vadd.f32 v27, v23;
	v45 =	vmul.f32 v15, v45;
	v49 =	vmul.f32 v61, v15  }
0x2ea: {  	v21 =	vsub.f32 v21, v53;
	v34 =	vmul.f32 v59, v15;
	v51 =	vmul.f32 v48, v15;
	v52 =	vld.idx.msk [tilespmem:v44+s8+$0x0], $0xffff  }
0x2eb: {  	v23 =	vmul.f32 v23, v22;
	v32 =	vadd.f32 v45, v55;
	v17 =	vadd.f32 v49, v63;
	v54 =	vld.idx.msk [tilespmem:v44+s21+$0x0], $0xffff  }
0x2ec: {  	v27 =	vadd.f32 v34, v62;
	v33 =	vadd.f32 v51, v47;
	v51 =	vmax.f32 v6, $-5.000000000e-01;
	v55 =	vld.idx.msk [tilespmem:v44+s6+$0x0], $0xffff  }
0x2ed: {  	[tilespmem:s11+$0xFFFFFFB0] =	vst v2;
	v24 =	vsub.f32 v24, v29;
	v2 =	vmin.f32 v51, $5.000000000e-01;
	v17 =	vmul.f32 v17, v15;
	v50 =	vld.idx.msk [tilespmem:v44+s28+$0x0], $0xffff  }
0x2ee: {  	v23 =	vadd.f32 v23, v39;
	v32 =	vmul.f32 v32, v15;
	v27 =	vmul.f32 v27, v15;
	v58 =	vld.idx.msk [tilespmem:v44+s20+$0x0], $0xffff  }
0x2ef: {  	v57 =	vmul.f32 v33, v15;
	v17 =	vadd.f32 v17, v46;
	v56 =	vld.idx.msk [tilespmem:v44+s0+$0x0], $0xffff;
	v60 =	vmul.f32 v52, v21  }
0x2f0: {  	[tilespmem:s11+$0xFFFFFFD0] =	vst v2;
	v2 =	vmax.f32 v10, $-5.000000000e-01;
	v22 =	vmul.f32 v23, v22;
	v28 =	vadd.f32 v32, v28;
	v61 =	vld.idx.msk [tilespmem:v44+s23+$0x0], $0xffff  }
0x2f1: {  	v59 =	vld.idx.msk [tilespmem:v44+s31+$0x0], $0xffff;
	v17 =	vmul.f32 v17, v15;
	v26 =	vmul.f32 v54, v21;
	v33 =	vadd.f32 v60, v55  }
0x2f2: {  	v19 =	vadd.f32 v27, v42;
	v32 =	vadd.f32 v57, v41;
	v63 =	vld.idx.msk [tilespmem:v44+s17+$0x0], $0xffff;
	v28 =	vmul.f32 v28, v15  }
0x2f3: {  	v62 =	vld.idx.msk [tilespmem:v44+s26+$0x0], $0xffff;
	v17 =	vadd.f32 v17, v38;
	v26 =	vadd.f32 v26, v58;
	v38 =	vmul.f32 v33, v21  }
0x2f4: {  	v2 =	vmin.f32 v2, $5.000000000e-01;
	v39 =	vld.idx.msk [tilespmem:v44+s22+$0x0], $0xffff;
	v19 =	vmul.f32 v19, v15;
	v15 =	vmul.f32 v32, v15  }
0x2f5: {  	v37 =	vld.idx.msk [tilespmem:v44+s30+$0x0], $0xffff;
	v23 =	vmul.f32 v56, v21;
	v26 =	vmul.f32 v26, v21;
	v41 =	vadd.f32 v38, v61  }
0x2f6: {  	v53 =	vmax.f32 v8, $-5.000000000e-01;
	[tilespmem:s11+$0x10] =	vst v2;
	v45 =	vld.idx.msk [tilespmem:v44+s3+$0x0], $0xffff;
	v2 =	vadd.f32 v22, v25;
	v15 =	vadd.f32 v15, v30  }
0x2f7: {  	v20 =	vadd.f32 v23, v59;
	v26 =	vadd.f32 v26, v63;
	v30 =	vmul.f32 v41, v21  }
0x2f8: {  	v19 =	vadd.f32 v19, v40;
	v2 =	vmax.f32 v2, $-5.000000000e-01;
	v40 =	vmul.f32 v21, v50  }
0x2f9: {  	v42 =	vld.idx.msk [tilespmem:v44+s25+$0x0], $0xffff;
	v20 =	vmul.f32 v20, v21;
	v26 =	vmul.f32 v26, v21;
	v23 =	vadd.f32 v30, v39  }
0x2fa: {  	v46 =	vld.idx.msk [tilespmem:v44+s29+$0x0], $0xffff;
	v2 =	vmin.f32 v2, $5.000000000e-01;
	v19 =	vmul.f32 v18, v19;
	v43 =	vadd.f32 v40, v62  }
0x2fb: {  	v20 =	vadd.f32 v20, v37;
	v49 =	vadd.f32 v26, v45;
	v23 =	vmul.f32 v24, v23  }
0x2fc: {  	[tilespmem:s11+$0xFFFFFF80] =	vst v1;
	v50 =	vmax.f32 v5, $-5.000000000e-01;
	v52 =	vmax.f32 v7, $-5.000000000e-01;
	v17 =	vadd.f32 v19, v17  }
0x2fd: {  	v54 =	vld.idx.msk [tilespmem:v16+s19+$0x0], $0xffff;
	v19 =	vmul.f32 v43, v21;
	v48 =	vmul.f32 v20, v21;
	v1 =	vadd.f32 v23, v49  }
0x2fe: {  	v57 =	vld.idx.msk [tilespmem:v44+s19+$0x0], $0xffff;
	v56 =	vmax.f32 v9, $-5.000000000e-01;
	v3 =	vmin.f32 v50, $5.000000000e-01;
	v17 =	vmul.f32 v17, v18  }
0x2ff: {  	v47 =	vadd.f32 v19, v42;
	v19 =	vadd.f32 v48, v46;
	v1 =	vmul.f32 v1, v24  }
0x300: {  	[tilespmem:s11+$0xFFFFFFC0] =	vst v3;
	v3 =	vmin.f32 v52, $5.000000000e-01;
	v55 =	vmin.f32 v53, $5.000000000e-01;
	v15 =	vadd.f32 v17, v15  }
0x301: {  	[tilespmem:s11+$0xFFFFFFE0] =	vst v3;
	v3 =	vmin.f32 v56, $5.000000000e-01;
	v61 =	vmul.f32 v47, v21;
	v1 =	vadd.f32 v1, v19  }
0x302: {  	[tilespmem:s11+$0x0] =	vst v3;
	v3 =	vadd.f32 v14, v13;
	v6 =	vadd.f32 v28, v54;
	v62 =	vmul.f32 v15, v18  }
0x303: {  	s9 =	sadd.s32 $0x10, s9;
	[tilespmem:s11+$0x50] =	vst v2;
	v58 =	vmax.f32 v12, $-5.000000000e-01;
	v7 =	vadd.f32 v61, v57;
	v1 =	vmul.f32 v1, v24  }
0x304: {  	p0 =	slt.u32 s9, $0x1F0;
	v59 =	vmin.f32 v58, $5.000000000e-01;
	[tilespmem:s11+$0xFFFFFFF0] =	vst v55;
	v3 =	vmax.f32 v3, $-5.000000000e-01;
	v63 =	vadd.f32 v62, v6  }
.Ltmp4:
0x305: {  	v60 =	vmax.f32 v11, $-5.000000000e-01;
	[tilespmem:s11+$0x20] =	vst v59;
	v3 =	vmin.f32 v3, $5.000000000e-01;
	v1 =	vadd.f32 v1, v7;
	(pc) =	sbr.rel @p0 .LBB2_11-.Ltmp4, $4  }
0x306: {  	v4 =	vmin.f32 v60, $5.000000000e-01;
	[tilespmem:s11+$0x40] =	vst v3;
	v3 =	vmax.f32 v63, $-5.000000000e-01  }
0x307: {  	[tilespmem:s11+$0x30] =	vst v4;
	v2 =	vmin.f32 v3, $5.000000000e-01;
	v1 =	vmax.f32 v1, $-5.000000000e-01  }
0x308: {  	[tilespmem:s11+$0x60] =	vst v2;
	v1 =	vmin.f32 v1, $5.000000000e-01  }
0x309: {  	s1 =	sadd.s32 $0x100, s1;
	s2 =	sadd.s32 $0x100, s2;
	[tilespmem:s11+$0x70] =	vst v1;
	s11 =	sadd.s32 $0x100, s11  }
0x30a: {  	p0 =	seq.s32 s15, $0x7;
	s1 =	rddreg [dreg:$0xa]  }
0x30b: {  	s1 =	sadd.s32 @!p0 s16, s1  }
0x30c: {  	s1 =	sshrl.u32 @!p0 s1, $0x3  }
0x30d: {  	s9 =	simm.s32 @!p0 $0x0;
	s11 =	simm.s32 @!p0 $0x4900;
	s2 =	sadd.s32 @!p0 s5, s1  }
0x30e: {  	[tilespmem:s11], [sflag:$0x1] =	stream.linear.gather @!p0 [hbm4b:s2+s9], $0x2000, $0x38;
	[tilespmem:$0x10900] =	vst v63  }
0x30f: {  	s1 =	sadd.s32 @!p0 s13, s1;
	s2 =	simm.s32 @!p0 $0x8900  }
0x310: {  	[tilespmem:s2], [sflag:$0x1] =	stream.linear.gather @!p0 [hbm4b:s1+s9], $0x2000, $0x38;
	[tilespmem:$0x10900] =	vst v63  }
0x311: {  	s12 =	sshrl.u32 s12, $0x3;
	s9 =	rddreg [dreg:$0x2]  }
0x312: {  	s11 =	simm.s32 $0xC900;
	s1 =	sadd.s32 s9, s12  }
0x313: {  	[hbm4b:s1+s4] =	stream.linear.scatter [tilespmem:s11], [sflag:$0x3], $0x2000, $0x38;
	[tilespmem:$0x10900] =	vst v63  }
0x314: {  	_ =	swait.ge [sflag:s10], $0x2000  }
0x315: {  	[sflag:s10] =	ssyncset.done $0x0  }
0x316: {  	[sflag:s10] =	ssyncadd.s32 $0xFFFFE000  }
0x317: {  	_ =	swait.ge [sflag:s10], $0x2000  }
0x318: {  	[sflag:s10] =	ssyncset.done $0x0  }
0x319: {  	s1 =	simm.s32 @!p1 $0x4;
	[sflag:s10] =	ssyncadd.s32 $0xFFFFE000  }
0x31a: {  	_ =	swait.ge @!p1 [sflag:s1], $0x2000  }
0x31b: {  	s2 =	simm.s32 $0xA9F0;
	s9 =	simm.s32 $0xFFFFFFF0;
	[sflag:s1] =	ssyncset.done @!p1 $0x0  }
0x31c: {  	s11 =	simm.s32 $0x69F0;
	[sflag:s1] =	ssyncadd.s32 @!p1 $0xFFFFE000;
	s1 =	simm.s32 $0xE9F0  }
.LBB2_13:
0x31d: {  	v1 =	vld [tilespmem:s11+$0xFFFFFF10];
	_ =	sdelay $0x4  }
0x31e: {  	v2 =	vand.u32 $0x7FFFFFFF, v1  }
0x31f: {  	v3 =	vsub.f32 $1.000000000e+00, v2;
	_ =	sdelay $0x1  }
0x320: {  	v3 =	vmax.f32 v3, $9.999999820e-15  }
0x321: {  	v4 =	vshrl.u32 v3, $0x1;
	v5 =	vmul.f32 $5.000000000e-01, v3  }
0x322: {  	v4 =	vsub.s32 $0x5F3759DF, v4  }
0x323: {  	v6 =	vmul.f32 v4, v5;
	_ =	sdelay $0x1  }
0x324: {  	v7 =	vmul.f32 $8.648205540e-03, v2;
	v6 =	vmul.f32 v4, v6;
	_ =	sdelay $0x1  }
0x325: {  	v7 =	vadd.f32 $-3.575458750e-02, v7;
	v6 =	vsub.f32 $1.500000000e+00, v6;
	_ =	sdelay $0x1  }
0x326: {  	v27 =	vmul.f32 v7, v2;
	v4 =	vmul.f32 v4, v6;
	_ =	sdelay $0x1  }
0x327: {  	v6 =	vadd.f32 $8.466461300e-02, v27;
	v5 =	vmul.f32 v4, v5;
	_ =	sdelay $0x1  }
0x328: {  	v6 =	vmul.f32 v6, v2;
	v5 =	vmul.f32 v5, v4;
	_ =	sdelay $0x1  }
0x329: {  	v6 =	vadd.f32 $-2.141239350e-01, v6;
	v5 =	vsub.f32 $1.500000000e+00, v5;
	_ =	sdelay $0x1  }
0x32a: {  	v29 =	vld [tilespmem:s11+$0xFFFFFF20];
	v28 =	vmul.f32 v6, v2;
	v4 =	vmul.f32 v5, v4;
	_ =	sdelay $0x1  }
0x32b: {  	v30 =	vadd.f32 $1.570787790e+00, v28;
	v3 =	vmul.f32 v4, v3  }
0x32c: {  	v31 =	vld [tilespmem:s2+$0xFFFFFF10]  }
0x32d: {  	v3 =	vmul.f32 v3, v30  }
0x32e: {  	v32 =	vand.u32 $0x7FFFFFFF, v29  }
0x32f: {  	vm0 =	vge.f32 v2, $1.000000000e+00;
	v2 =	vsub.f32 $1.000000000e+00, v32;
	v3 =	vmul.f32 $4.774648190e+00, v3;
	_ =	sdelay $0x1  }
0x330: {  	v8 =	vmax.f32 v2, $9.999999820e-15;
	v2 =	vadd.f32 $3.000000000e+00, v31;
	v3 =	vsel vm0, $0x0, v3  }
0x331: {  	vm13 =	vlt.f32 v1, $0.0e+00;
	v33 =	vsub.f32 $1.500000000e+01, v3  }
0x332: {  	v34 =	vshrl.u32 v8, $0x1;
	v9 =	vmul.f32 $5.000000000e-01, v8;
	v2 =	vmul.f32 $1.375000000e+00, v2  }
0x333: {  	v1 =	vsub.s32 $0x5F3759DF, v34;
	v35 =	vsel vm13, v3, v33  }
0x334: {  	v2 =	vmax.f32 v2, $0.0e+00;
	v3 =	vmul.f32 v1, v9;
	v7 =	vtrunc.f32 v35  }
0x335: {  	v11 =	vmin.f32 v2, $1.100000000e+01;
	v7 =	vcvt.f32.s32 v7  }
0x336: {  	v2 =	vtrunc.f32 v11;
	v3 =	vmul.f32 v1, v3  }
0x337: {  	v10 =	vmul.f32 $8.648205540e-03, v32;
	v12 =	vcvt.f32.s32 v2;
	v2 =	vadd.s32 $0xFFFFFFFF, v7  }
0x338: {  	v3 =	vsub.f32 $1.500000000e+00, v3;
	vm14 =	vgt.s32 v2, $0x0  }
0x339: {  	v10 =	vadd.f32 $-3.575458750e-02, v10;
	v36 =	vadd.s32 $0xFFFFFFFF, v12;
	v2 =	vnsel vm14, $0x0, v2  }
0x33a: {  	v37 =	vld [tilespmem:s11+$0xFFFFFF30];
	vm15 =	vgt.s32 v36, $0x0;
	v1 =	vmul.f32 v1, v3;
	v2 =	vmin.u32 v2, $0xC  }
0x33b: {  	v3 =	vmul.f32 v10, v32;
	v10 =	vnsel vm15, $0x0, v36;
	v2 =	vmul.u32 $0x9, v2  }
0x33c: {  	v10 =	vmin.u32 v10, $0x8  }
0x33d: {  	v9 =	vmul.f32 v1, v9;
	v3 =	vadd.f32 $8.466461300e-02, v3;
	v2 =	vadd.s32 v10, v2  }
0x33e: {  	v2 =	vmul.u32 $0x11, v2  }
0x33f: {  	v39 =	vand.u32 $0x7FFFFFFF, v37;
	v9 =	vmul.f32 v9, v1;
	v3 =	vmul.f32 v3, v32  }
0x340: {  	v13 =	vsub.f32 $1.000000000e+00, v39  }
0x341: {  	v38 =	vld [tilespmem:s2+$0xFFFFFF20];
	v9 =	vsub.f32 $1.500000000e+00, v9;
	v3 =	vadd.f32 $-2.141239350e-01, v3  }
0x342: {  	vm5 =	vlt.f32 v29, $0.0e+00  }
0x343: {  	v41 =	vmax.f32 v13, $9.999999820e-15;
	v1 =	vmul.f32 v9, v1;
	v3 =	vmul.f32 v3, v32  }
0x344: {  	v46 =	vmul.f32 $8.648205540e-03, v39;
	v42 =	vshrl.u32 v41, $0x1;
	v12 =	vcvt.s32.f32 v12;
	v14 =	vld.idx.msk [tilespmem:v2+s26+$0x0], $0xffff  }
0x345: {  	v13 =	vmul.f32 $5.000000000e-01, v41;
	v1 =	vmul.f32 v1, v8;
	v3 =	vadd.f32 $1.570787790e+00, v3;
	v16 =	vld.idx.msk [tilespmem:v2+s0+$0x0], $0xffff  }
0x346: {  	v40 =	vsub.f32 v11, v12;
	v12 =	vsub.s32 $0x5F3759DF, v42;
	v8 =	vadd.f32 $3.000000000e+00, v38;
	v18 =	vld.idx.msk [tilespmem:v2+s8+$0x0], $0xffff  }
0x347: {  	vm9 =	vlt.f32 v37, $0.0e+00;
	v44 =	vmul.f32 v12, v13;
	v1 =	vmul.f32 v1, v3;
	v3 =	vld.idx.msk [tilespmem:v2+s28+$0x0], $0xffff  }
0x348: {  	vm4 =	vge.f32 v32, $1.000000000e+00;
	v7 =	vcvt.s32.f32 v7;
	v20 =	vld.idx.msk [tilespmem:v2+s6+$0x0], $0xffff;
	v43 =	vmul.f32 $1.375000000e+00, v8  }
0x349: {  	vm8 =	vge.f32 v39, $1.000000000e+00;
	v47 =	vadd.f32 $-3.575458750e-02, v46;
	v45 =	vld.idx.msk [tilespmem:v2+s21+$0x0], $0xffff;
	v1 =	vmul.f32 $4.774648190e+00, v1  }
0x34a: {  	v4 =	vsub.f32 v35, v7;
	v25 =	vld.idx.msk [tilespmem:v2+s31+$0x0], $0xffff;
	v8 =	vmul.f32 v12, v44;
	v6 =	vmax.f32 v43, $0.0e+00  }
0x34b: {  	v6 =	vmin.f32 v6, $1.100000000e+01;
	v1 =	vsel vm4, $0x0, v1;
	v18 =	vmul.f32 v18, v40  }
0x34c: {  	v52 =	vld.idx.msk [tilespmem:v2+s20+$0x0], $0xffff;
	v49 =	vtrunc.f32 v6;
	v3 =	vmul.f32 v40, v3;
	v15 =	vsub.f32 $1.500000000e+01, v1  }
0x34d: {  	v22 =	vld.idx.msk [tilespmem:v2+s25+$0x0], $0xffff;
	v48 =	vmul.f32 v16, v40;
	v51 =	vcvt.f32.s32 v49;
	v18 =	vadd.f32 v18, v20  }
0x34e: {  	v24 =	vld.idx.msk [tilespmem:v2+s23+$0x0], $0xffff;
	v50 =	vmul.f32 v45, v40;
	v3 =	vadd.f32 v3, v14;
	v1 =	vsel vm5, v1, v15  }
0x34f: {  	v58 =	vld.idx.msk [tilespmem:v2+s30+$0x0], $0xffff;
	v23 =	vadd.s32 $0xFFFFFFFF, v51;
	v15 =	vadd.f32 v48, v25;
	v55 =	vmul.f32 v18, v40  }
0x350: {  	vm7 =	vgt.s32 v23, $0x0;
	v17 =	vmul.f32 v3, v40;
	v3 =	vtrunc.f32 v1  }
0x351: {  	v53 =	vnsel vm7, $0x0, v23;
	v19 =	vcvt.f32.s32 v3;
	v3 =	vsub.f32 $1.500000000e+00, v8  }
0x352: {  	v62 =	vld [tilespmem:s2+$0xFFFFFF30];
	v15 =	vmul.f32 v15, v40;
	v20 =	vmin.u32 v53, $0x8;
	v8 =	vadd.f32 v50, v52  }
0x353: {  	v54 =	vld.idx.msk [tilespmem:v2+s17+$0x0], $0xffff;
	v16 =	vadd.f32 v55, v24;
	v17 =	vadd.f32 v17, v22;
	v12 =	vmul.f32 v12, v3  }
0x354: {  	v56 =	vld.idx.msk [tilespmem:v2+s22+$0x0], $0xffff;
	v23 =	vadd.f32 v15, v58;
	v3 =	vmul.f32 v47, v39;
	v8 =	vmul.f32 v8, v40  }
0x355: {  	v21 =	vadd.s32 $0xFFFFFFFF, v19;
	v16 =	vmul.f32 v16, v40;
	v32 =	vcvt.s32.f32 v19  }
0x356: {  	vm6 =	vgt.s32 v21, $0x0;
	v13 =	vmul.f32 v12, v13;
	v3 =	vadd.f32 $8.466461300e-02, v3  }
0x357: {  	v61 =	vmul.f32 v17, v40;
	v17 =	vadd.f32 $3.000000000e+00, v62;
	v21 =	vnsel vm6, $0x0, v21  }
0x358: {  	v21 =	vmin.u32 v21, $0xC;
	v13 =	vmul.f32 v13, v12;
	v3 =	vmul.f32 v3, v39  }
0x359: {  	v19 =	vld [tilespmem:s11+$0xFFFFFF40];
	v8 =	vadd.f32 v8, v54;
	v22 =	vadd.f32 v16, v56;
	v21 =	vmul.u32 $0x9, v21  }
0x35a: {  	v59 =	vld.idx.msk [tilespmem:v2+s3+$0x0], $0xffff;
	v5 =	vmul.f32 v23, v40;
	v13 =	vsub.f32 $1.500000000e+00, v13;
	v26 =	vadd.f32 $-2.141239350e-01, v3  }
0x35b: {  	v31 =	vmul.f32 $1.375000000e+00, v17;
	v17 =	vsub.f32 v1, v32;
	v3 =	vadd.s32 v20, v21  }
0x35c: {  	v3 =	vmul.u32 $0x11, v3;
	v12 =	vmul.f32 v13, v12;
	v57 =	vmul.f32 v26, v39  }
0x35d: {  	v63 =	vmul.f32 v8, v40;
	v8 =	vmul.f32 v4, v22;
	v9 =	vmax.f32 v31, $0.0e+00  }
0x35e: {  	v22 =	vand.u32 $0x7FFFFFFF, v19;
	v11 =	vmul.f32 v12, v41;
	v60 =	vadd.f32 $1.570787790e+00, v57  }
0x35f: {  	v27 =	vld.idx.msk [tilespmem:v2+s19+$0x0], $0xffff;
	vm13 =	vlt.f32 v19, $0.0e+00;
	v7 =	vadd.f32 v63, v59;
	v9 =	vmin.f32 v9, $1.100000000e+01  }
0x360: {  	v43 =	vsub.f32 $1.000000000e+00, v22;
	v55 =	vmul.f32 $8.648205540e-03, v22;
	v11 =	vmul.f32 v11, v60  }
0x361: {  	vm12 =	vge.f32 v22, $1.000000000e+00;
	v36 =	vtrunc.f32 v9;
	v26 =	vcvt.s32.f32 v51;
	v39 =	vld.idx.msk [tilespmem:v2+s29+$0x0], $0xffff  }
0x362: {  	v7 =	vadd.f32 v8, v7;
	v46 =	vmax.f32 v43, $9.999999820e-15;
	v24 =	vld.idx.msk [tilespmem:v3+s0+$0x0], $0xffff;
	v11 =	vmul.f32 $4.774648190e+00, v11  }
0x363: {  	v13 =	vcvt.f32.s32 v36;
	v48 =	vshrl.u32 v46, $0x1;
	v49 =	vmul.f32 $5.000000000e-01, v46;
	v25 =	vld.idx.msk [tilespmem:v3+s8+$0x0], $0xffff  }
0x364: {  	v12 =	vadd.f32 v61, v27;
	v6 =	vsub.f32 v6, v26;
	v27 =	vld.idx.msk [tilespmem:v3+s21+$0x0], $0xffff;
	v11 =	vsel vm8, $0x0, v11  }
0x365: {  	v7 =	vmul.f32 v7, v4;
	v50 =	vsub.s32 $0x5F3759DF, v48;
	v28 =	vld.idx.msk [tilespmem:v3+s6+$0x0], $0xffff;
	v29 =	vsub.f32 $1.500000000e+01, v11  }
0x366: {  	v41 =	vadd.s32 $0xFFFFFFFF, v13;
	v57 =	vadd.f32 $-3.575458750e-02, v55;
	v52 =	vmul.f32 v50, v49;
	v30 =	vld.idx.msk [tilespmem:v3+s31+$0x0], $0xffff  }
0x367: {  	v13 =	vcvt.s32.f32 v13;
	vm11 =	vgt.s32 v41, $0x0;
	v33 =	vld.idx.msk [tilespmem:v3+s20+$0x0], $0xffff;
	v11 =	vsel vm9, v11, v29  }
0x368: {  	v18 =	vnsel vm11, $0x0, v41;
	v42 =	vld.idx.msk [tilespmem:v3+s28+$0x0], $0xffff;
	v21 =	vmul.f32 v50, v52;
	v35 =	vtrunc.f32 v11  }
0x369: {  	v61 =	vmul.f32 v57, v22;
	v37 =	vld.idx.msk [tilespmem:v3+s23+$0x0], $0xffff;
	v5 =	vadd.f32 v5, v39;
	v16 =	vcvt.f32.s32 v35  }
0x36a: {  	v18 =	vmin.u32 v18, $0x8;
	v51 =	vld.idx.msk [tilespmem:v3+s26+$0x0], $0xffff;
	v21 =	vsub.f32 $1.500000000e+00, v21;
	v34 =	vmul.f32 v25, v6  }
0x36b: {  	v40 =	vld.idx.msk [tilespmem:v3+s17+$0x0], $0xffff;
	v5 =	vadd.f32 v7, v5;
	v15 =	vmul.f32 v24, v6;
	v38 =	vadd.s32 $0xFFFFFFFF, v16  }
0x36c: {  	v44 =	vld.idx.msk [tilespmem:v3+s30+$0x0], $0xffff;
	v14 =	vmul.f32 v27, v6;
	v8 =	vadd.f32 v34, v28;
	vm10 =	vgt.s32 v38, $0x0  }
0x36d: {  	v56 =	vld.idx.msk [tilespmem:v3+s25+$0x0], $0xffff;
	v23 =	vmul.f32 v6, v42;
	v10 =	vadd.f32 v15, v30;
	v15 =	vnsel vm10, $0x0, v38  }
0x36e: {  	v25 =	vld [tilespmem:s11+$0xFFFFFF50];
	v2 =	vadd.f32 v14, v33;
	v8 =	vmul.f32 v8, v6;
	v15 =	vmin.u32 v15, $0xC  }
0x36f: {  	v45 =	vld.idx.msk [tilespmem:v3+s22+$0x0], $0xffff;
	v4 =	vmul.f32 v5, v4;
	v58 =	vadd.f32 v23, v51;
	v15 =	vmul.u32 $0x9, v15  }
0x370: {  	v2 =	vmul.f32 v2, v6;
	v1 =	vmul.f32 v10, v6;
	v8 =	vadd.f32 v8, v37  }
0x371: {  	v47 =	vld.idx.msk [tilespmem:v3+s3+$0x0], $0xffff;
	v7 =	vmul.f32 v58, v6;
	v16 =	vcvt.s32.f32 v16;
	v15 =	vadd.s32 v18, v15  }
0x372: {  	v14 =	vadd.f32 v2, v40;
	v8 =	vmul.f32 v8, v6;
	v2 =	vmul.u32 $0x11, v15  }
0x373: {  	v54 =	vld.idx.msk [tilespmem:v3+s29+$0x0], $0xffff;
	vm5 =	vlt.f32 v25, $0.0e+00;
	v1 =	vadd.f32 v1, v44;
	v26 =	vadd.f32 v7, v56  }
0x374: {  	v3 =	vld.idx.msk [tilespmem:v3+s19+$0x0], $0xffff;
	v37 =	vand.u32 $0x7FFFFFFF, v25;
	v53 =	vmul.f32 v14, v6;
	v8 =	vadd.f32 v8, v45  }
0x375: {  	v7 =	vsub.f32 v9, v13;
	v38 =	vsub.f32 $1.000000000e+00, v37;
	v1 =	vmul.f32 v1, v6;
	v45 =	vld [tilespmem:s2+$0xFFFFFF40]  }
0x376: {  	v10 =	vadd.f32 v53, v47;
	v8 =	vmul.f32 v17, v8;
	v15 =	vmul.f32 v50, v21  }
0x377: {  	v11 =	vsub.f32 v11, v16;
	v29 =	vmul.f32 v26, v6;
	v21 =	vadd.f32 $8.466461300e-02, v61  }
0x378: {  	v1 =	vadd.f32 v1, v54;
	v8 =	vadd.f32 v8, v10;
	v63 =	vmul.f32 v15, v49;
	v59 =	vld.idx.msk [tilespmem:v2+s28+$0x0], $0xffff  }
0x379: {  	v3 =	vadd.f32 v29, v3;
	v47 =	vmul.f32 $8.648205540e-03, v37;
	v21 =	vmul.f32 v21, v22;
	v60 =	vld.idx.msk [tilespmem:v2+s0+$0x0], $0xffff  }
0x37a: {  	v18 =	vadd.f32 $3.000000000e+00, v45;
	v8 =	vmul.f32 v8, v17;
	v28 =	vmul.f32 v63, v15;
	v62 =	vld.idx.msk [tilespmem:v2+s31+$0x0], $0xffff  }
0x37b: {  	vm4 =	vge.f32 v37, $1.000000000e+00;
	v34 =	vadd.f32 $-2.141239350e-01, v21;
	v21 =	vadd.f32 $-3.575458750e-02, v47;
	v27 =	vld.idx.msk [tilespmem:v2+s26+$0x0], $0xffff  }
0x37c: {  	v52 =	vmul.f32 $1.375000000e+00, v18;
	v8 =	vadd.f32 v8, v1;
	v33 =	vsub.f32 $1.500000000e+00, v28;
	v35 =	vld.idx.msk [tilespmem:v2+s21+$0x0], $0xffff  }
0x37d: {  	v1 =	vadd.f32 v4, v12;
	v12 =	vmul.f32 v34, v22;
	v40 =	vld.idx.msk [tilespmem:v2+s8+$0x0], $0xffff;
	v50 =	vmul.f32 v21, v37  }
0x37e: {  	v39 =	vld.idx.msk [tilespmem:v2+s20+$0x0], $0xffff;
	v31 =	vmul.f32 v8, v17;
	v10 =	vmul.f32 v33, v15;
	v15 =	vmax.f32 v38, $9.999999820e-15  }
0x37f: {  	v43 =	vld.idx.msk [tilespmem:v2+s6+$0x0], $0xffff;
	v12 =	vadd.f32 $1.570787790e+00, v12;
	v1 =	vmax.f32 v1, $-5.000000000e-01;
	v42 =	vmul.f32 $5.000000000e-01, v15  }
0x380: {  	v63 =	vld [tilespmem:s2+$0xFFFFFF50];
	v41 =	vshrl.u32 v15, $0x1;
	v10 =	vmul.f32 v10, v46;
	v30 =	vmul.f32 v60, v7  }
0x381: {  	v8 =	vsub.s32 $0x5F3759DF, v41;
	v36 =	vmul.f32 v7, v59;
	v13 =	vmul.f32 v35, v7  }
0x382: {  	v1 =	vmin.f32 v1, $5.000000000e-01;
	v44 =	vmul.f32 v8, v42;
	v17 =	vmul.f32 v40, v7  }
0x383: {  	v32 =	vld.idx.msk [tilespmem:v2+s30+$0x0], $0xffff;
	v10 =	vmul.f32 v10, v12;
	v5 =	vadd.f32 v30, v62;
	v9 =	vadd.f32 v36, v27  }
0x384: {  	v46 =	vld.idx.msk [tilespmem:v2+s17+$0x0], $0xffff;
	v13 =	vadd.f32 v13, v39;
	v12 =	vmul.f32 v8, v44;
	v4 =	vadd.f32 v17, v43  }
0x385: {  	v48 =	vld.idx.msk [tilespmem:v2+s23+$0x0], $0xffff;
	v17 =	vmax.f32 v52, $0.0e+00;
	v30 =	vadd.f32 $3.000000000e+00, v63;
	v10 =	vmul.f32 $4.774648190e+00, v10  }
0x386: {  	v57 =	vld.idx.msk [tilespmem:v2+s25+$0x0], $0xffff;
	v17 =	vmin.f32 v17, $1.100000000e+01;
	v5 =	vmul.f32 v5, v7;
	v9 =	vmul.f32 v9, v7  }
0x387: {  	v13 =	vmul.f32 v13, v7;
	v12 =	vsub.f32 $1.500000000e+00, v12;
	v4 =	vmul.f32 v4, v7  }
0x388: {  	v51 =	vld.idx.msk [tilespmem:v2+s22+$0x0], $0xffff;
	v56 =	vtrunc.f32 v17;
	v10 =	vsel vm12, $0x0, v10;
	v5 =	vadd.f32 v5, v32  }
0x389: {  	v55 =	vld.idx.msk [tilespmem:v2+s3+$0x0], $0xffff;
	v58 =	vcvt.f32.s32 v56;
	v49 =	vsub.f32 $1.500000000e+01, v10;
	v13 =	vadd.f32 v13, v46  }
0x38a: {  	v26 =	vld.idx.msk [tilespmem:v2+s19+$0x0], $0xffff;
	v8 =	vmul.f32 v8, v12;
	v12 =	vadd.f32 $8.466461300e-02, v50;
	v4 =	vadd.f32 v4, v48  }
0x38b: {  	v60 =	vld.idx.msk [tilespmem:v2+s29+$0x0], $0xffff;
	v2 =	vadd.f32 v9, v57;
	v34 =	vcvt.s32.f32 v58;
	v5 =	vmul.f32 v5, v7  }
0x38c: {  	v62 =	vadd.s32 $0xFFFFFFFF, v58;
	v53 =	vmul.f32 v8, v42;
	v13 =	vmul.f32 v13, v7  }
0x38d: {  	v10 =	vsel vm13, v10, v49;
	v12 =	vmul.f32 v12, v37;
	v4 =	vmul.f32 v4, v7  }
0x38e: {  	vm15 =	vgt.s32 v62, $0x0;
	v7 =	vmul.f32 v2, v7;
	v54 =	vtrunc.f32 v10  }
0x38f: {  	v2 =	vadd.f32 v31, v3;
	v31 =	vmul.f32 $1.375000000e+00, v30;
	v19 =	vcvt.f32.s32 v54  }
0x390: {  	v9 =	vld [tilespmem:s11+$0xFFFFFF60];
	v24 =	vnsel vm15, $0x0, v62;
	v18 =	vmul.f32 v53, v8;
	v12 =	vadd.f32 $-2.141239350e-01, v12  }
0x391: {  	v4 =	vadd.f32 v4, v51;
	v13 =	vadd.f32 v13, v55;
	v59 =	vadd.s32 $0xFFFFFFFF, v19  }
0x392: {  	v5 =	vadd.f32 v5, v60;
	v18 =	vsub.f32 $1.500000000e+00, v18;
	vm14 =	vgt.s32 v59, $0x0  }
0x393: {  	v27 =	vmin.u32 v24, $0x8;
	v4 =	vmul.f32 v11, v4;
	v61 =	vnsel vm14, $0x0, v59  }
0x394: {  	v12 =	vmul.f32 v12, v37;
	v8 =	vmul.f32 v18, v8;
	v18 =	vmin.u32 v61, $0xC  }
0x395: {  	v6 =	vand.u32 $0x7FFFFFFF, v9;
	v4 =	vadd.f32 v4, v13;
	v13 =	vmul.u32 $0x9, v18  }
0x396: {  	v32 =	vsub.f32 $1.000000000e+00, v6;
	v12 =	vadd.f32 $1.570787790e+00, v12;
	v8 =	vmul.f32 v8, v15  }
0x397: {  	v7 =	vadd.f32 v7, v26;
	v28 =	vmul.f32 v4, v11;
	v29 =	vadd.s32 v27, v13  }
0x398: {  	v8 =	vmul.f32 v8, v12;
	v13 =	vmax.f32 v32, $9.999999820e-15;
	v4 =	vmul.u32 $0x11, v29  }
0x399: {  	v2 =	vmax.f32 v2, $-5.000000000e-01;
	v38 =	vshrl.u32 v13, $0x1;
	v39 =	vmul.f32 $5.000000000e-01, v13  }
0x39a: {  	v46 =	vmul.f32 $8.648205540e-03, v6;
	v8 =	vmul.f32 $4.774648190e+00, v8;
	v20 =	vsub.s32 $0x5F3759DF, v38  }
0x39b: {  	vm9 =	vlt.f32 v9, $0.0e+00;
	v2 =	vmin.f32 v2, $5.000000000e-01;
	v43 =	vmul.f32 v20, v39  }
0x39c: {  	v48 =	vadd.f32 $-3.575458750e-02, v46;
	v5 =	vadd.f32 v28, v5;
	v8 =	vsel vm4, $0x0, v8  }
0x39d: {  	v19 =	vcvt.s32.f32 v19;
	v3 =	vsub.f32 $1.500000000e+01, v8;
	v25 =	vmul.f32 v20, v43  }
0x39e: {  	vm8 =	vge.f32 v6, $1.000000000e+00;
	v52 =	vmul.f32 v48, v6;
	v5 =	vmul.f32 v5, v11;
	v37 =	vld.idx.msk [tilespmem:v4+s8+$0x0], $0xffff  }
0x39f: {  	v11 =	vsel vm5, v8, v3;
	v3 =	vmax.f32 v31, $0.0e+00;
	v40 =	vld.idx.msk [tilespmem:v4+s21+$0x0], $0xffff;
	v47 =	vsub.f32 $1.500000000e+00, v25  }
0x3a0: {  	v44 =	vld.idx.msk [tilespmem:v4+s28+$0x0], $0xffff;
	v12 =	vmin.f32 v3, $1.100000000e+01;
	v8 =	vtrunc.f32 v11;
	v3 =	vadd.f32 v5, v7  }
0x3a1: {  	v28 =	vld.idx.msk [tilespmem:v4+s0+$0x0], $0xffff;
	v33 =	vtrunc.f32 v12;
	v51 =	vmul.f32 v20, v47;
	v20 =	vadd.f32 $8.466461300e-02, v52  }
0x3a2: {  	v35 =	vld.idx.msk [tilespmem:v4+s26+$0x0], $0xffff;
	v7 =	vsub.f32 v17, v34;
	v15 =	vcvt.f32.s32 v8;
	v36 =	vcvt.f32.s32 v33  }
0x3a3: {  	v42 =	vld.idx.msk [tilespmem:v4+s6+$0x0], $0xffff;
	v3 =	vmax.f32 v3, $-5.000000000e-01;
	v21 =	vmul.f32 v51, v39;
	v20 =	vmul.f32 v20, v6  }
0x3a4: {  	v45 =	vld.idx.msk [tilespmem:v4+s20+$0x0], $0xffff;
	v8 =	vadd.s32 $0xFFFFFFFF, v15;
	v15 =	vcvt.s32.f32 v15;
	v5 =	vmul.f32 v37, v7  }
0x3a5: {  	v49 =	vld.idx.msk [tilespmem:v4+s31+$0x0], $0xffff;
	vm6 =	vgt.s32 v8, $0x0;
	v22 =	vmul.f32 v40, v7;
	v17 =	vmul.f32 v7, v44  }
0x3a6: {  	v41 =	vadd.s32 $0xFFFFFFFF, v36;
	v55 =	vmul.f32 v28, v7;
	v18 =	vcvt.s32.f32 v36  }
0x3a7: {  	v14 =	vld.idx.msk [tilespmem:v4+s25+$0x0], $0xffff;
	v8 =	vnsel vm6, $0x0, v8;
	vm7 =	vgt.s32 v41, $0x0;
	v20 =	vadd.f32 $-2.141239350e-01, v20  }
0x3a8: {  	v29 =	vld.idx.msk [tilespmem:v4+s23+$0x0], $0xffff;
	v21 =	vmul.f32 v21, v51;
	v11 =	vsub.f32 v11, v15;
	v24 =	vadd.f32 v5, v42  }
0x3a9: {  	v50 =	vld.idx.msk [tilespmem:v4+s17+$0x0], $0xffff;
	v8 =	vmin.u32 v8, $0xC;
	v22 =	vadd.f32 v22, v45;
	v16 =	vadd.f32 v17, v35  }
0x3aa: {  	v56 =	vld.idx.msk [tilespmem:v4+s30+$0x0], $0xffff;
	v23 =	vnsel vm7, $0x0, v41;
	v26 =	vadd.f32 v55, v49;
	v12 =	vsub.f32 v12, v18  }
0x3ab: {  	v39 =	vld [tilespmem:s2+$0xFFFFFF60];
	v8 =	vmul.u32 $0x9, v8;
	v23 =	vmin.u32 v23, $0x8;
	v20 =	vmul.f32 v20, v6  }
0x3ac: {  	v18 =	vld [tilespmem:s11+$0xFFFFFF70];
	v21 =	vsub.f32 $1.500000000e+00, v21;
	v24 =	vmul.f32 v24, v7;
	v57 =	vmul.f32 v22, v7  }
0x3ad: {  	v16 =	vmul.f32 v16, v7;
	v26 =	vmul.f32 v26, v7;
	v8 =	vadd.s32 v23, v8  }
0x3ae: {  	v35 =	vadd.f32 $1.570787790e+00, v20;
	v5 =	vmul.u32 $0x11, v8;
	v8 =	vsub.f32 v10, v19  }
0x3af: {  	[tilespmem:s1+$0xFFFFFF20] =	vst v2;
	v54 =	vld.idx.msk [tilespmem:v4+s22+$0x0], $0xffff;
	v2 =	vmin.f32 v3, $5.000000000e-01;
	v58 =	vadd.f32 v24, v29;
	v10 =	vadd.f32 v57, v50  }
0x3b0: {  	v59 =	vld.idx.msk [tilespmem:v4+s3+$0x0], $0xffff;
	v26 =	vadd.f32 v26, v56;
	v19 =	vmul.f32 v21, v51;
	v14 =	vadd.f32 v16, v14  }
0x3b1: {  	v21 =	vadd.f32 $3.000000000e+00, v39;
	v41 =	vand.u32 $0x7FFFFFFF, v18;
	v60 =	vmul.f32 v58, v7  }
0x3b2: {  	v53 =	vld.idx.msk [tilespmem:v4+s29+$0x0], $0xffff;
	vm13 =	vlt.f32 v18, $0.0e+00;
	v10 =	vmul.f32 v10, v7;
	v33 =	vmul.f32 v26, v7  }
0x3b3: {  	v4 =	vld.idx.msk [tilespmem:v4+s19+$0x0], $0xffff;
	v13 =	vmul.f32 v19, v13;
	v43 =	vsub.f32 $1.000000000e+00, v41;
	v51 =	vmul.f32 $1.375000000e+00, v21  }
0x3b4: {  	v55 =	vmul.f32 $8.648205540e-03, v41;
	v7 =	vmul.f32 v14, v7;
	v17 =	vadd.f32 v60, v54;
	v62 =	vld.idx.msk [tilespmem:v5+s0+$0x0], $0xffff  }
0x3b5: {  	v10 =	vadd.f32 v10, v59;
	v13 =	vmul.f32 v13, v35;
	v47 =	vmax.f32 v43, $9.999999820e-15;
	v63 =	vld.idx.msk [tilespmem:v5+s21+$0x0], $0xffff  }
0x3b6: {  	v49 =	vshrl.u32 v47, $0x1;
	v50 =	vmul.f32 $5.000000000e-01, v47;
	v17 =	vmul.f32 v8, v17;
	v34 =	vld.idx.msk [tilespmem:v5+s28+$0x0], $0xffff  }
0x3b7: {  	v29 =	vadd.f32 $-3.575458750e-02, v55;
	v13 =	vmul.f32 $4.774648190e+00, v13;
	v44 =	vld.idx.msk [tilespmem:v5+s8+$0x0], $0xffff;
	v9 =	vsub.s32 $0x5F3759DF, v49  }
0x3b8: {  	v37 =	vadd.f32 v33, v53;
	v53 =	vmul.f32 v9, v50;
	v10 =	vadd.f32 v17, v10  }
0x3b9: {  	vm12 =	vge.f32 v41, $1.000000000e+00;
	v61 =	vld.idx.msk [tilespmem:v5+s31+$0x0], $0xffff;
	v58 =	vmul.f32 v29, v41;
	v13 =	vsel vm8, $0x0, v13  }
0x3ba: {  	v32 =	vld.idx.msk [tilespmem:v5+s20+$0x0], $0xffff;
	v46 =	vsub.f32 $1.500000000e+01, v13;
	v21 =	vmul.f32 v9, v53;
	v10 =	vmul.f32 v10, v8  }
0x3bb: {  	v4 =	vadd.f32 v7, v4;
	v48 =	vld.idx.msk [tilespmem:v5+s6+$0x0], $0xffff;
	v36 =	vmul.f32 v62, v12;
	v38 =	vmul.f32 v63, v12  }
0x3bc: {  	v42 =	vmul.f32 v12, v34;
	v6 =	vsel vm9, v13, v46;
	v23 =	vmul.f32 v44, v12  }
0x3bd: {  	v59 =	vld.idx.msk [tilespmem:v5+s26+$0x0], $0xffff;
	v13 =	vmax.f32 v51, $0.0e+00;
	v21 =	vsub.f32 $1.500000000e+00, v21;
	v52 =	vtrunc.f32 v6  }
0x3be: {  	v13 =	vmin.f32 v13, $1.100000000e+01;
	v10 =	vadd.f32 v10, v37;
	v16 =	vadd.f32 v36, v61  }
0x3bf: {  	v45 =	vld.idx.msk [tilespmem:v5+s17+$0x0], $0xffff;
	v40 =	vadd.f32 v38, v32;
	v15 =	vcvt.f32.s32 v52;
	v56 =	vtrunc.f32 v13  }
0x3c0: {  	v54 =	vld.idx.msk [tilespmem:v5+s23+$0x0], $0xffff;
	v23 =	vadd.f32 v23, v48;
	v9 =	vmul.f32 v9, v21;
	v24 =	vcvt.f32.s32 v56  }
0x3c1: {  	v21 =	vadd.f32 $8.466461300e-02, v58;
	v8 =	vmul.f32 v10, v8;
	v16 =	vmul.f32 v16, v12  }
0x3c2: {  	v22 =	vadd.f32 v42, v59;
	v19 =	vmul.f32 v40, v12;
	v23 =	vmul.f32 v23, v12  }
0x3c3: {  	v57 =	vadd.s32 $0xFFFFFFFF, v15;
	v28 =	vmul.f32 v9, v50;
	v21 =	vmul.f32 v21, v41  }
0x3c4: {  	v30 =	vld.idx.msk [tilespmem:v5+s22+$0x0], $0xffff;
	vm10 =	vgt.s32 v57, $0x0;
	v61 =	vadd.s32 $0xFFFFFFFF, v24;
	v34 =	vcvt.s32.f32 v24  }
0x3c5: {  	v31 =	vld.idx.msk [tilespmem:v5+s30+$0x0], $0xffff;
	v19 =	vadd.f32 v19, v45;
	v27 =	vnsel vm10, $0x0, v57;
	v23 =	vadd.f32 v23, v54  }
0x3c6: {  	v32 =	vld.idx.msk [tilespmem:v5+s3+$0x0], $0xffff;
	vm11 =	vgt.s32 v61, $0x0;
	v28 =	vmul.f32 v28, v9;
	v60 =	vmin.u32 v27, $0xC  }
0x3c7: {  	v21 =	vadd.f32 $-2.141239350e-01, v21;
	v27 =	vnsel vm11, $0x0, v61;
	v25 =	vmul.u32 $0x9, v60  }
0x3c8: {  	v62 =	vld.idx.msk [tilespmem:v5+s25+$0x0], $0xffff;
	v23 =	vmul.f32 v23, v12;
	v27 =	vmin.u32 v27, $0x8;
	v28 =	vsub.f32 $1.500000000e+00, v28  }
0x3c9: {  	v35 =	vld [tilespmem:s2+$0xFFFFFF70];
	v19 =	vmul.f32 v19, v12;
	v21 =	vmul.f32 v21, v41;
	v25 =	vadd.s32 v27, v25  }
0x3ca: {  	v63 =	vld.idx.msk [tilespmem:v5+s29+$0x0], $0xffff;
	v23 =	vadd.f32 v23, v30;
	v9 =	vmul.f32 v28, v9;
	v25 =	vmul.u32 $0x11, v25  }
0x3cb: {  	v16 =	vadd.f32 v16, v31;
	v19 =	vadd.f32 v19, v32;
	v28 =	vmul.f32 v22, v12;
	v22 =	vld [tilespmem:s11+$0xFFFFFF80]  }
0x3cc: {  	v21 =	vadd.f32 $1.570787790e+00, v21;
	v23 =	vmul.f32 v11, v23;
	v9 =	vmul.f32 v9, v47  }
0x3cd: {  	v4 =	vadd.f32 v8, v4;
	v16 =	vmul.f32 v16, v12;
	v29 =	vadd.f32 v28, v62  }
0x3ce: {  	v5 =	vld.idx.msk [tilespmem:v5+s19+$0x0], $0xffff;
	v13 =	vsub.f32 v13, v34;
	v19 =	vadd.f32 v23, v19;
	v9 =	vmul.f32 v9, v21  }
0x3cf: {  	v31 =	vadd.f32 v16, v63;
	v10 =	vmul.f32 v29, v12;
	v12 =	vadd.f32 $3.000000000e+00, v35  }
0x3d0: {  	v32 =	vmul.f32 v19, v11;
	v9 =	vmul.f32 $4.774648190e+00, v9;
	v19 =	vand.u32 $0x7FFFFFFF, v22;
	v33 =	vld.idx.msk [tilespmem:v25+s28+$0x0], $0xffff  }
0x3d1: {  	v3 =	vmax.f32 v4, $-5.000000000e-01;
	v45 =	vmul.f32 $1.375000000e+00, v12;
	v36 =	vld.idx.msk [tilespmem:v25+s26+$0x0], $0xffff;
	v37 =	vsub.f32 $1.000000000e+00, v19  }
0x3d2: {  	v41 =	vld.idx.msk [tilespmem:v25+s0+$0x0], $0xffff;
	v49 =	vmul.f32 $8.648205540e-03, v19;
	v14 =	vadd.f32 v32, v31;
	v9 =	vsel vm12, $0x0, v9  }
0x3d3: {  	v5 =	vadd.f32 v10, v5;
	v50 =	vld.idx.msk [tilespmem:v25+s8+$0x0], $0xffff;
	v39 =	vsub.f32 $1.500000000e+01, v9;
	v40 =	vmax.f32 v37, $9.999999820e-15  }
0x3d4: {  	v52 =	vld.idx.msk [tilespmem:v25+s21+$0x0], $0xffff;
	v17 =	vadd.f32 $-3.575458750e-02, v49;
	v11 =	vmul.f32 v14, v11;
	v7 =	vshrl.u32 v40, $0x1  }
0x3d5: {  	v14 =	vcvt.s32.f32 v15;
	v42 =	vmul.f32 $5.000000000e-01, v40;
	v43 =	vsub.s32 $0x5F3759DF, v7  }
0x3d6: {  	v44 =	vld.idx.msk [tilespmem:v25+s31+$0x0], $0xffff;
	v7 =	vsel vm13, v9, v39;
	v56 =	vmul.f32 v17, v19;
	v38 =	vmul.f32 v13, v33  }
0x3d7: {  	v55 =	vld.idx.msk [tilespmem:v25+s6+$0x0], $0xffff;
	v9 =	vmax.f32 v45, $0.0e+00;
	v46 =	vmul.f32 v43, v42;
	v48 =	vtrunc.f32 v7  }
0x3d8: {  	v60 =	vld.idx.msk [tilespmem:v25+s20+$0x0], $0xffff;
	v21 =	vmul.f32 v41, v13;
	v9 =	vmin.f32 v9, $1.100000000e+01;
	v24 =	vmul.f32 v50, v13  }
0x3d9: {  	v27 =	vmul.f32 v52, v13;
	v5 =	vadd.f32 v11, v5;
	v15 =	vadd.f32 v38, v36  }
0x3da: {  	v6 =	vsub.f32 v6, v14;
	v51 =	vtrunc.f32 v9;
	v12 =	vmul.f32 v43, v46  }
0x3db: {  	v16 =	vadd.f32 $8.466461300e-02, v56;
	v47 =	vmul.f32 v15, v13;
	v15 =	vcvt.f32.s32 v48  }
0x3dc: {  	v61 =	vld.idx.msk [tilespmem:v25+s25+$0x0], $0xffff;
	v18 =	vadd.f32 v21, v44;
	v53 =	vcvt.f32.s32 v51;
	v24 =	vadd.f32 v24, v55  }
0x3dd: {  	v63 =	vld.idx.msk [tilespmem:v25+s23+$0x0], $0xffff;
	v27 =	vadd.f32 v27, v60;
	v12 =	vsub.f32 $1.500000000e+00, v12;
	v54 =	vadd.s32 $0xFFFFFFFF, v15  }
0x3de: {  	v62 =	vld.idx.msk [tilespmem:v25+s30+$0x0], $0xffff;
	v16 =	vmul.f32 v16, v19;
	v57 =	vmul.f32 v18, v13;
	vm14 =	vgt.s32 v54, $0x0  }
0x3df: {  	v35 =	vld.idx.msk [tilespmem:v25+s17+$0x0], $0xffff;
	v59 =	vadd.s32 $0xFFFFFFFF, v53;
	v12 =	vmul.f32 v43, v12;
	v58 =	vnsel vm14, $0x0, v54  }
0x3e0: {  	v37 =	vld.idx.msk [tilespmem:v25+s29+$0x0], $0xffff;
	v24 =	vmul.f32 v24, v13;
	vm15 =	vgt.s32 v59, $0x0;
	v18 =	vmin.u32 v58, $0xC  }
0x3e1: {  	v38 =	vld.idx.msk [tilespmem:v25+s22+$0x0], $0xffff;
	v26 =	vnsel vm15, $0x0, v59;
	v23 =	vmul.f32 v12, v42;
	v18 =	vmul.u32 $0x9, v18  }
0x3e2: {  	v36 =	vld.idx.msk [tilespmem:v25+s19+$0x0], $0xffff;
	v27 =	vmul.f32 v27, v13;
	v24 =	vadd.f32 v24, v63;
	v26 =	vmin.u32 v26, $0x8  }
0x3e3: {  	v25 =	vld.idx.msk [tilespmem:v25+s3+$0x0], $0xffff;
	v8 =	vadd.f32 v47, v61;
	v23 =	vmul.f32 v23, v12;
	v18 =	vadd.s32 v26, v18  }
0x3e4: {  	v39 =	vadd.f32 v27, v35;
	v41 =	vmul.f32 v24, v13;
	v18 =	vmul.u32 $0x11, v18  }
0x3e5: {  	[tilespmem:s1+$0xFFFFFF30] =	vst v2;
	v2 =	vmin.f32 v3, $5.000000000e-01;
	v16 =	vadd.f32 $-2.141239350e-01, v16;
	v23 =	vsub.f32 $1.500000000e+00, v23  }
0x3e6: {  	v29 =	vld [tilespmem:s11+$0xFFFFFFA0];
	v8 =	vmul.f32 v8, v13;
	v42 =	vmul.f32 v39, v13;
	v11 =	vadd.f32 v41, v38  }
0x3e7: {  	v17 =	vadd.f32 v57, v62;
	v16 =	vmul.f32 v16, v19;
	v12 =	vmul.f32 v23, v12  }
0x3e8: {  	v24 =	vld [tilespmem:s11+$0xFFFFFF90];
	v14 =	vadd.f32 v8, v36;
	v8 =	vadd.f32 v42, v25;
	v11 =	vmul.f32 v6, v11  }
0x3e9: {  	vm5 =	vlt.f32 v22, $0.0e+00;
	vm4 =	vge.f32 v19, $1.000000000e+00;
	v12 =	vmul.f32 v12, v40;
	v40 =	vld [tilespmem:s2+$0xFFFFFF80]  }
0x3ea: {  	v17 =	vmul.f32 v17, v13;
	v16 =	vadd.f32 $1.570787790e+00, v16;
	v11 =	vadd.f32 v11, v8;
	v43 =	vld.idx.msk [tilespmem:v18+s28+$0x0], $0xffff  }
0x3eb: {  	vm13 =	vlt.f32 v29, $0.0e+00;
	v45 =	vcvt.s32.f32 v53;
	v15 =	vcvt.s32.f32 v15;
	v44 =	vld.idx.msk [tilespmem:v18+s0+$0x0], $0xffff  }
0x3ec: {  	v10 =	vadd.f32 v17, v37;
	v11 =	vmul.f32 v11, v6;
	v12 =	vmul.f32 v12, v16;
	v46 =	vld.idx.msk [tilespmem:v18+s8+$0x0], $0xffff  }
0x3ed: {  	v9 =	vsub.f32 v9, v45;
	v7 =	vsub.f32 v7, v15;
	v27 =	vand.u32 $0x7FFFFFFF, v24;
	v47 =	vld.idx.msk [tilespmem:v18+s21+$0x0], $0xffff  }
0x3ee: {  	v10 =	vadd.f32 v11, v10;
	v49 =	vld.idx.msk [tilespmem:v18+s6+$0x0], $0xffff;
	v12 =	vmul.f32 $4.774648190e+00, v12;
	v48 =	vadd.f32 $3.000000000e+00, v40  }
0x3ef: {  	vm9 =	vlt.f32 v24, $0.0e+00;
	v59 =	vsub.f32 $1.000000000e+00, v27;
	vm8 =	vge.f32 v27, $1.000000000e+00;
	v51 =	vld.idx.msk [tilespmem:v18+s31+$0x0], $0xffff  }
0x3f0: {  	v52 =	vld.idx.msk [tilespmem:v18+s20+$0x0], $0xffff;
	v6 =	vmul.f32 v10, v6;
	v12 =	vsel vm4, $0x0, v12;
	v21 =	vmul.f32 $1.375000000e+00, v48  }
0x3f1: {  	v58 =	vld.idx.msk [tilespmem:v18+s26+$0x0], $0xffff;
	v50 =	vsub.f32 $1.500000000e+01, v12;
	v13 =	vmul.f32 v9, v43;
	v20 =	vmul.f32 v46, v9  }
0x3f2: {  	v6 =	vadd.f32 v6, v14;
	v16 =	vmul.f32 v44, v9;
	v19 =	vmul.f32 v47, v9  }
0x3f3: {  	v43 =	vmul.f32 $8.648205540e-03, v27;
	v12 =	vsel vm5, v12, v50;
	v21 =	vmax.f32 v21, $0.0e+00  }
0x3f4: {  	v23 =	vtrunc.f32 v12;
	v21 =	vmin.f32 v21, $1.100000000e+01;
	v17 =	vadd.f32 v20, v49  }
0x3f5: {  	v16 =	vadd.f32 v16, v51;
	v19 =	vadd.f32 v19, v52;
	v23 =	vcvt.f32.s32 v23  }
0x3f6: {  	v54 =	vld.idx.msk [tilespmem:v18+s23+$0x0], $0xffff;
	v13 =	vadd.f32 v13, v58;
	v44 =	vadd.f32 $-3.575458750e-02, v43;
	v53 =	vtrunc.f32 v21  }
0x3f7: {  	v56 =	vld.idx.msk [tilespmem:v18+s17+$0x0], $0xffff;
	v20 =	vcvt.f32.s32 v53;
	v17 =	vmul.f32 v17, v9;
	v55 =	vadd.s32 $0xFFFFFFFF, v23  }
0x3f8: {  	v19 =	vmul.f32 v19, v9;
	v16 =	vmul.f32 v16, v9;
	vm6 =	vgt.s32 v55, $0x0  }
0x3f9: {  	v60 =	vld.idx.msk [tilespmem:v18+s30+$0x0], $0xffff;
	v45 =	vmul.f32 v13, v9;
	v57 =	vadd.s32 $0xFFFFFFFF, v20;
	v8 =	vnsel vm6, $0x0, v55  }
0x3fa: {  	v41 =	vld.idx.msk [tilespmem:v18+s25+$0x0], $0xffff;
	v49 =	vmul.f32 v44, v27;
	vm7 =	vgt.s32 v57, $0x0;
	v8 =	vmin.u32 v8, $0xC  }
0x3fb: {  	v17 =	vadd.f32 v17, v54;
	v26 =	vnsel vm7, $0x0, v57;
	v8 =	vmul.u32 $0x9, v8  }
0x3fc: {  	v61 =	vld.idx.msk [tilespmem:v18+s22+$0x0], $0xffff;
	v19 =	vadd.f32 v19, v56;
	v62 =	vmin.u32 v26, $0x8;
	v26 =	vmax.f32 v59, $9.999999820e-15  }
0x3fd: {  	v63 =	vld.idx.msk [tilespmem:v18+s3+$0x0], $0xffff;
	v36 =	vshrl.u32 v26, $0x1;
	v37 =	vmul.f32 $5.000000000e-01, v26;
	v8 =	vadd.s32 v62, v8  }
0x3fe: {  	v42 =	vld.idx.msk [tilespmem:v18+s29+$0x0], $0xffff;
	v16 =	vadd.f32 v16, v60;
	v38 =	vsub.s32 $0x5F3759DF, v36;
	v8 =	vmul.u32 $0x11, v8  }
0x3ff: {  	v18 =	vld.idx.msk [tilespmem:v18+s19+$0x0], $0xffff;
	v11 =	vadd.f32 v45, v41;
	v20 =	vcvt.s32.f32 v20;
	v40 =	vmul.f32 v38, v37  }
0x400: {  	v22 =	vadd.f32 $8.466461300e-02, v49;
	v39 =	vmul.f32 v17, v9;
	v19 =	vmul.f32 v19, v9  }
0x401: {  	v60 =	vand.u32 $0x7FFFFFFF, v29;
	v46 =	vmul.f32 v16, v9;
	v17 =	vmul.f32 v38, v40  }
0x402: {  	v9 =	vmul.f32 v11, v9;
	v10 =	vsub.f32 v21, v20;
	v15 =	vadd.f32 v39, v61  }
0x403: {  	v55 =	vmul.f32 v22, v27;
	v19 =	vadd.f32 v19, v63;
	v36 =	vld [tilespmem:s2+$0xFFFFFF90];
	v17 =	vsub.f32 $1.500000000e+00, v17  }
0x404: {  	v13 =	vadd.f32 v46, v42;
	v9 =	vadd.f32 v9, v18;
	v15 =	vmul.f32 v7, v15;
	v48 =	vld.idx.msk [tilespmem:v8+s0+$0x0], $0xffff  }
0x405: {  	v58 =	vadd.f32 $-2.141239350e-01, v55;
	v39 =	vmul.f32 $8.648205540e-03, v60;
	v17 =	vmul.f32 v38, v17  }
0x406: {  	v63 =	vcvt.s32.f32 v23;
	v62 =	vsub.f32 $1.000000000e+00, v60;
	v15 =	vadd.f32 v15, v19;
	v50 =	vld.idx.msk [tilespmem:v8+s31+$0x0], $0xffff  }
0x407: {  	v61 =	vmul.f32 v58, v27;
	v21 =	vadd.f32 $-3.575458750e-02, v39;
	v47 =	vld.idx.msk [tilespmem:v8+s28+$0x0], $0xffff;
	v51 =	vmul.f32 v17, v37  }
0x408: {  	v18 =	vmax.f32 v62, $9.999999820e-15;
	v15 =	vmul.f32 v15, v7;
	v22 =	vadd.f32 $3.000000000e+00, v36;
	v59 =	vld.idx.msk [tilespmem:v8+s21+$0x0], $0xffff  }
0x409: {  	v32 =	vshrl.u32 v18, $0x1;
	v31 =	vld.idx.msk [tilespmem:v8+s8+$0x0], $0xffff;
	v54 =	vmul.f32 v51, v17;
	v56 =	vmul.f32 v48, v10  }
0x40a: {  	v33 =	vmul.f32 $5.000000000e-01, v18;
	v52 =	vadd.f32 v15, v13;
	v57 =	vld.idx.msk [tilespmem:v8+s30+$0x0], $0xffff;
	v22 =	vmul.f32 $1.375000000e+00, v22  }
0x40b: {  	v42 =	vmul.f32 v21, v60;
	v15 =	vsub.f32 $1.500000000e+00, v54;
	v14 =	vadd.f32 v56, v50  }
0x40c: {  	v53 =	vld.idx.msk [tilespmem:v8+s26+$0x0], $0xffff;
	v7 =	vmul.f32 v52, v7;
	v22 =	vmax.f32 v22, $0.0e+00;
	v16 =	vmul.f32 v10, v47  }
0x40d: {  	v28 =	vld.idx.msk [tilespmem:v8+s20+$0x0], $0xffff;
	v22 =	vmin.f32 v22, $1.100000000e+01;
	v15 =	vmul.f32 v15, v17;
	v14 =	vmul.f32 v14, v10  }
0x40e: {  	v34 =	vld.idx.msk [tilespmem:v8+s6+$0x0], $0xffff;
	v19 =	vmul.f32 v59, v10;
	v23 =	vmul.f32 v31, v10;
	v17 =	vadd.f32 $1.570787790e+00, v61  }
0x40f: {  	v15 =	vmul.f32 v15, v26;
	v11 =	vadd.f32 v14, v57;
	v14 =	vsub.s32 $0x5F3759DF, v32  }
0x410: {  	vm12 =	vge.f32 v60, $1.000000000e+00;
	v30 =	vld.idx.msk [tilespmem:v8+s25+$0x0], $0xffff;
	v47 =	vtrunc.f32 v22;
	v35 =	vmul.f32 v14, v33  }
0x411: {  	v12 =	vsub.f32 v12, v63;
	v40 =	vld.idx.msk [tilespmem:v8+s23+$0x0], $0xffff;
	v48 =	vcvt.f32.s32 v47;
	v15 =	vmul.f32 v15, v17  }
0x412: {  	v37 =	vld.idx.msk [tilespmem:v8+s17+$0x0], $0xffff;
	v13 =	vadd.f32 v16, v53;
	v19 =	vadd.f32 v19, v28;
	v38 =	vmul.f32 v14, v35  }
0x413: {  	v52 =	vadd.s32 $0xFFFFFFFF, v48;
	v17 =	vadd.f32 v23, v34;
	v15 =	vmul.f32 $4.774648190e+00, v15  }
0x414: {  	v13 =	vmul.f32 v13, v10;
	v19 =	vmul.f32 v19, v10;
	v16 =	vsub.f32 $1.500000000e+00, v38  }
0x415: {  	vm11 =	vgt.s32 v52, $0x0;
	v17 =	vmul.f32 v17, v10;
	v15 =	vsel vm8, $0x0, v15  }
0x416: {  	v53 =	vld [tilespmem:s2+$0xFFFFFFA0];
	v13 =	vadd.f32 v13, v30;
	v41 =	vsub.f32 $1.500000000e+01, v15;
	v14 =	vmul.f32 v14, v16  }
0x417: {  	v43 =	vld.idx.msk [tilespmem:v8+s22+$0x0], $0xffff;
	v55 =	vnsel vm11, $0x0, v52;
	v19 =	vadd.f32 v19, v37;
	v17 =	vadd.f32 v17, v40  }
0x418: {  	v46 =	vld.idx.msk [tilespmem:v8+s3+$0x0], $0xffff;
	v11 =	vmul.f32 v11, v10;
	v15 =	vsel vm9, v15, v41;
	v44 =	vmul.f32 v14, v33  }
0x419: {  	v16 =	vadd.f32 $8.466461300e-02, v42;
	v17 =	vmul.f32 v17, v10;
	v45 =	vtrunc.f32 v15  }
0x41a: {  	v56 =	vmin.u32 v55, $0x8;
	v24 =	vcvt.f32.s32 v45;
	v23 =	vmul.f32 v44, v14  }
0x41b: {  	v58 =	vadd.f32 $3.000000000e+00, v53;
	v19 =	vmul.f32 v19, v10;
	v16 =	vmul.f32 v16, v60  }
0x41c: {  	v17 =	vadd.f32 v17, v43;
	v49 =	vadd.s32 $0xFFFFFFFF, v24;
	v23 =	vsub.f32 $1.500000000e+00, v23  }
0x41d: {  	v19 =	vadd.f32 v19, v46;
	v16 =	vadd.f32 $-2.141239350e-01, v16;
	vm10 =	vgt.s32 v49, $0x0  }
0x41e: {  	v50 =	vld.idx.msk [tilespmem:v8+s29+$0x0], $0xffff;
	v17 =	vmul.f32 v12, v17;
	v51 =	vnsel vm10, $0x0, v49;
	v14 =	vmul.f32 v23, v14  }
0x41f: {  	v62 =	vmul.f32 $1.375000000e+00, v58;
	v16 =	vmul.f32 v16, v60;
	v54 =	vmin.u32 v51, $0xC  }
0x420: {  	v8 =	vld.idx.msk [tilespmem:v8+s19+$0x0], $0xffff;
	v17 =	vadd.f32 v17, v19;
	v14 =	vmul.f32 v14, v18;
	v18 =	vmul.u32 $0x9, v54  }
0x421: {  	v13 =	vmul.f32 v13, v10;
	v33 =	vmax.f32 v62, $0.0e+00;
	v16 =	vadd.f32 $1.570787790e+00, v16  }
0x422: {  	v57 =	vmul.f32 v17, v12;
	v17 =	vld [tilespmem:s11+$0xFFFFFFB0];
	v10 =	vadd.s32 v56, v18;
	v18 =	vmin.f32 v33, $1.100000000e+01  }
0x423: {  	v11 =	vadd.f32 v11, v50;
	v10 =	vmul.u32 $0x11, v10;
	v37 =	vtrunc.f32 v18  }
0x424: {  	v7 =	vadd.f32 v7, v9;
	v14 =	vmul.f32 v14, v16;
	v23 =	vcvt.f32.s32 v37  }
0x425: {  	v8 =	vadd.f32 v13, v8;
	v38 =	vcvt.s32.f32 v48;
	v59 =	vadd.f32 v57, v11  }
0x426: {  	v14 =	vmul.f32 $4.774648190e+00, v14;
	v44 =	vadd.s32 $0xFFFFFFFF, v23;
	v23 =	vcvt.s32.f32 v23  }
0x427: {  	v63 =	vcvt.s32.f32 v24;
	v9 =	vmul.f32 v59, v12;
	vm5 =	vlt.f32 v17, $0.0e+00  }
0x428: {  	v60 =	vsel vm12, $0x0, v14;
	v14 =	vand.u32 $0x7FFFFFFF, v17;
	v18 =	vsub.f32 v18, v23;
	v23 =	vld [tilespmem:s11+$0xFFFFFFC0]  }
0x429: {  	v61 =	vsub.f32 $1.500000000e+01, v60;
	v35 =	vsub.f32 $1.000000000e+00, v14;
	v33 =	vmul.f32 $8.648205540e-03, v14;
	v36 =	vld.idx.msk [tilespmem:v10+s26+$0x0], $0xffff  }
0x42a: {  	v8 =	vadd.f32 v9, v8;
	vm15 =	vgt.s32 v44, $0x0;
	vm4 =	vge.f32 v14, $1.000000000e+00;
	v39 =	vld.idx.msk [tilespmem:v10+s28+$0x0], $0xffff  }
0x42b: {  	v13 =	vsel vm13, v60, v61;
	v24 =	vmax.f32 v35, $9.999999820e-15;
	v40 =	vld.idx.msk [tilespmem:v10+s8+$0x0], $0xffff;
	v55 =	vadd.f32 $-3.575458750e-02, v33  }
0x42c: {  	v46 =	vld.idx.msk [tilespmem:v10+s21+$0x0], $0xffff;
	v34 =	vtrunc.f32 v13;
	v12 =	vshrl.u32 v24, $0x1;
	v42 =	vmul.f32 $5.000000000e-01, v24  }
0x42d: {  	v43 =	vld.idx.msk [tilespmem:v10+s0+$0x0], $0xffff;
	v19 =	vcvt.f32.s32 v34;
	v45 =	vsub.s32 $0x5F3759DF, v12;
	v58 =	vmul.f32 v55, v14  }
0x42e: {  	v49 =	vnsel vm15, $0x0, v44;
	v48 =	vld.idx.msk [tilespmem:v10+s6+$0x0], $0xffff;
	v12 =	vsub.f32 v22, v38;
	v47 =	vmul.f32 v45, v42  }
0x42f: {  	v50 =	vld.idx.msk [tilespmem:v10+s20+$0x0], $0xffff;
	v22 =	vmin.u32 v49, $0x8;
	v41 =	vadd.s32 $0xFFFFFFFF, v19;
	v29 =	vadd.f32 $8.466461300e-02, v58  }
0x430: {  	v54 =	vld.idx.msk [tilespmem:v10+s31+$0x0], $0xffff;
	vm9 =	vlt.f32 v23, $0.0e+00;
	v31 =	vmul.f32 v45, v47;
	v53 =	vmul.f32 v40, v12  }
0x431: {  	vm14 =	vgt.s32 v41, $0x0;
	v21 =	vmul.f32 v12, v39;
	v30 =	vmul.f32 v46, v12  }
0x432: {  	v52 =	vld.idx.msk [tilespmem:v10+s25+$0x0], $0xffff;
	v60 =	vmul.f32 v43, v12;
	v11 =	vnsel vm14, $0x0, v41;
	v29 =	vmul.f32 v29, v14  }
0x433: {  	v56 =	vld.idx.msk [tilespmem:v10+s23+$0x0], $0xffff;
	v11 =	vmin.u32 v11, $0xC;
	v31 =	vsub.f32 $1.500000000e+00, v31;
	v16 =	vadd.f32 v53, v48  }
0x434: {  	v34 =	vld.idx.msk [tilespmem:v10+s17+$0x0], $0xffff;
	v9 =	vadd.f32 v21, v36;
	v61 =	vadd.f32 v30, v50;
	v51 =	vmul.u32 $0x9, v11  }
0x435: {  	v47 =	vcvt.s32.f32 v19;
	v21 =	vadd.f32 v60, v54;
	v50 =	vld [tilespmem:s2+$0xFFFFFFB0];
	v29 =	vadd.f32 $-2.141239350e-01, v29  }
0x436: {  	v62 =	vld.idx.msk [tilespmem:v10+s30+$0x0], $0xffff;
	v57 =	vmul.f32 v45, v31;
	v16 =	vmul.f32 v16, v12;
	v22 =	vadd.s32 v22, v51  }
0x437: {  	v59 =	vld.idx.msk [tilespmem:v10+s29+$0x0], $0xffff;
	v9 =	vmul.f32 v9, v12;
	v36 =	vmul.f32 v61, v12;
	v22 =	vmul.u32 $0x11, v22  }
0x438: {  	v11 =	vsub.f32 v15, v63;
	v63 =	vld.idx.msk [tilespmem:v10+s22+$0x0], $0xffff;
	v38 =	vmul.f32 v21, v12;
	v26 =	vmul.f32 v57, v42  }
0x439: {  	v37 =	vld.idx.msk [tilespmem:v10+s3+$0x0], $0xffff;
	v44 =	vmul.f32 v29, v14;
	v16 =	vadd.f32 v16, v56;
	v15 =	vadd.f32 v9, v52  }
0x43a: {  	v10 =	vld.idx.msk [tilespmem:v10+s19+$0x0], $0xffff;
	v39 =	vadd.f32 v36, v34;
	v28 =	vadd.f32 $3.000000000e+00, v50;
	v26 =	vmul.f32 v26, v57  }
0x43b: {  	v9 =	vadd.f32 v38, v62;
	v46 =	vadd.f32 $1.570787790e+00, v44;
	v16 =	vmul.f32 v16, v12  }
0x43c: {  	v21 =	vmul.f32 v39, v12;
	v28 =	vmul.f32 $1.375000000e+00, v28;
	v26 =	vsub.f32 $1.500000000e+00, v26  }
0x43d: {  	v9 =	vmul.f32 v9, v12;
	v12 =	vmul.f32 v15, v12;
	v16 =	vadd.f32 v16, v63;
	v41 =	vld.idx.msk [tilespmem:v22+s0+$0x0], $0xffff  }
0x43e: {  	v21 =	vadd.f32 v21, v37;
	v28 =	vmax.f32 v28, $0.0e+00;
	v42 =	vld.idx.msk [tilespmem:v22+s21+$0x0], $0xffff;
	v20 =	vmul.f32 v26, v57  }
0x43f: {  	v10 =	vadd.f32 v12, v10;
	v16 =	vmul.f32 v11, v16;
	v45 =	vld.idx.msk [tilespmem:v22+s28+$0x0], $0xffff;
	v28 =	vmin.f32 v28, $1.100000000e+01  }
0x440: {  	v26 =	vadd.f32 v9, v59;
	v56 =	vld.idx.msk [tilespmem:v22+s8+$0x0], $0xffff;
	v38 =	vtrunc.f32 v28;
	v20 =	vmul.f32 v20, v24  }
0x441: {  	v40 =	vld.idx.msk [tilespmem:v22+s31+$0x0], $0xffff;
	v16 =	vadd.f32 v16, v21;
	v21 =	vand.u32 $0x7FFFFFFF, v23;
	v29 =	vcvt.f32.s32 v38  }
0x442: {  	v43 =	vld.idx.msk [tilespmem:v22+s20+$0x0], $0xffff;
	v55 =	vsub.f32 $1.000000000e+00, v21;
	v37 =	vmul.f32 $8.648205540e-03, v21;
	v20 =	vmul.f32 v20, v46  }
0x443: {  	v9 =	vsub.f32 v13, v47;
	v53 =	vld.idx.msk [tilespmem:v22+s26+$0x0], $0xffff;
	v16 =	vmul.f32 v16, v11;
	v48 =	vmul.f32 v41, v18  }
0x444: {  	v59 =	vld.idx.msk [tilespmem:v22+s6+$0x0], $0xffff;
	v49 =	vmul.f32 v42, v18;
	v54 =	vmul.f32 v18, v45;
	v14 =	vmax.f32 v55, $9.999999820e-15  }
0x445: {  	v27 =	vmul.f32 v56, v18;
	v34 =	vadd.f32 $-3.575458750e-02, v37;
	v20 =	vmul.f32 $4.774648190e+00, v20  }
0x446: {  	v41 =	vadd.s32 $0xFFFFFFFF, v29;
	v60 =	vshrl.u32 v14, $0x1;
	v61 =	vmul.f32 $5.000000000e-01, v14  }
0x447: {  	v51 =	vadd.f32 v48, v40;
	v17 =	vsub.s32 $0x5F3759DF, v60;
	v20 =	vsel vm4, $0x0, v20  }
0x448: {  	v36 =	vld.idx.msk [tilespmem:v22+s23+$0x0], $0xffff;
	v52 =	vadd.f32 v49, v43;
	v63 =	vmul.f32 v17, v61;
	v58 =	vsub.f32 $1.500000000e+01, v20  }
0x449: {  	vm7 =	vgt.s32 v41, $0x0;
	v24 =	vadd.f32 v54, v53;
	v27 =	vadd.f32 v27, v59  }
0x44a: {  	v57 =	vld.idx.msk [tilespmem:v22+s17+$0x0], $0xffff;
	v40 =	vmul.f32 v34, v21;
	v30 =	vmul.f32 v17, v63;
	v20 =	vsel vm5, v20, v58  }
0x44b: {  	v33 =	vnsel vm7, $0x0, v41;
	v27 =	vmul.f32 v27, v18;
	v62 =	vtrunc.f32 v20  }
0x44c: {  	v35 =	vld.idx.msk [tilespmem:v22+s22+$0x0], $0xffff;
	v33 =	vmin.u32 v33, $0x8;
	v30 =	vsub.f32 $1.500000000e+00, v30;
	v25 =	vcvt.f32.s32 v62  }
0x44d: {  	v42 =	vld.idx.msk [tilespmem:v22+s30+$0x0], $0xffff;
	v13 =	vmul.f32 v51, v18;
	v19 =	vmul.f32 v52, v18;
	v27 =	vadd.f32 v27, v36  }
0x44e: {  	v24 =	vmul.f32 v24, v18;
	v36 =	vld.idx.msk [tilespmem:v22+s3+$0x0], $0xffff;
	v17 =	vmul.f32 v17, v30;
	v39 =	vadd.s32 $0xFFFFFFFF, v25  }
0x44f: {  	v19 =	vadd.f32 v19, v57;
	v27 =	vmul.f32 v27, v18;
	vm6 =	vgt.s32 v39, $0x0  }
0x450: {  	v30 =	vadd.f32 $8.466461300e-02, v40;
	v32 =	vmul.f32 v17, v61;
	v31 =	vnsel vm6, $0x0, v39  }
0x451: {  	v45 =	vld [tilespmem:s2+$0xFFFFFFC0];
	v19 =	vmul.f32 v19, v18;
	v27 =	vadd.f32 v27, v35;
	v31 =	vmin.u32 v31, $0xC  }
0x452: {  	v43 =	vld.idx.msk [tilespmem:v22+s29+$0x0], $0xffff;
	v30 =	vmul.f32 v30, v21;
	v32 =	vmul.f32 v32, v17;
	v31 =	vmul.u32 $0x9, v31  }
0x453: {  	v37 =	vld.idx.msk [tilespmem:v22+s25+$0x0], $0xffff;
	v13 =	vadd.f32 v13, v42;
	v19 =	vadd.f32 v19, v36;
	v27 =	vmul.f32 v9, v27  }
0x454: {  	v30 =	vadd.f32 $-2.141239350e-01, v30;
	v32 =	vsub.f32 $1.500000000e+00, v32;
	v31 =	vadd.s32 v33, v31  }
0x455: {  	v44 =	vmul.f32 v13, v18;
	v19 =	vadd.f32 v27, v19;
	v31 =	vmul.u32 $0x11, v31  }
0x456: {  	v47 =	vadd.f32 v16, v26;
	v30 =	vmul.f32 v30, v21;
	v17 =	vmul.f32 v32, v17  }
0x457: {  	v54 =	vadd.f32 $3.000000000e+00, v45;
	v22 =	vld.idx.msk [tilespmem:v22+s19+$0x0], $0xffff;
	v49 =	vadd.f32 v44, v43;
	v19 =	vmul.f32 v19, v9  }
0x458: {  	v24 =	vadd.f32 v24, v37;
	v13 =	vld [tilespmem:s11+$0xFFFFFFD0];
	v46 =	vadd.f32 $1.570787790e+00, v30;
	v14 =	vmul.f32 v17, v14  }
0x459: {  	v15 =	vmul.f32 v47, v11;
	v17 =	vadd.f32 v19, v49;
	v19 =	vmul.f32 $1.375000000e+00, v54  }
0x45a: {  	vm8 =	vge.f32 v21, $1.000000000e+00;
	v48 =	vmul.f32 v24, v18;
	v14 =	vmul.f32 v14, v46  }
0x45b: {  	v52 =	vcvt.s32.f32 v29;
	v53 =	vcvt.s32.f32 v25;
	v60 =	vmax.f32 v19, $0.0e+00;
	v50 =	vld.idx.msk [tilespmem:v31+s28+$0x0], $0xffff  }
0x45c: {  	v16 =	vadd.f32 v48, v22;
	v40 =	vmin.f32 v60, $1.100000000e+01;
	v51 =	vld.idx.msk [tilespmem:v31+s0+$0x0], $0xffff;
	v14 =	vmul.f32 $4.774648190e+00, v14  }
0x45d: {  	v11 =	vsub.f32 v20, v53;
	vm13 =	vlt.f32 v13, $0.0e+00;
	v58 =	vld.idx.msk [tilespmem:v31+s21+$0x0], $0xffff;
	v42 =	vtrunc.f32 v40  }
0x45e: {  	v21 =	vsub.f32 v28, v52;
	v61 =	vld.idx.msk [tilespmem:v31+s8+$0x0], $0xffff;
	v20 =	vcvt.f32.s32 v42;
	v55 =	vsel vm8, $0x0, v14  }
0x45f: {  	v17 =	vmul.f32 v17, v9;
	v14 =	vand.u32 $0x7FFFFFFF, v13;
	v56 =	vsub.f32 $1.500000000e+01, v55  }
0x460: {  	v41 =	vld.idx.msk [tilespmem:v31+s6+$0x0], $0xffff;
	v57 =	vsub.f32 $1.000000000e+00, v14;
	v46 =	vmul.f32 $8.648205540e-03, v14;
	v48 =	vadd.s32 $0xFFFFFFFF, v20  }
0x461: {  	v45 =	vld.idx.msk [tilespmem:v31+s20+$0x0], $0xffff;
	vm11 =	vgt.s32 v48, $0x0;
	v24 =	vmul.f32 v21, v50;
	v59 =	vmul.f32 v51, v21  }
0x462: {  	v47 =	vld.idx.msk [tilespmem:v31+s26+$0x0], $0xffff;
	v22 =	vsel vm9, v55, v56;
	v19 =	vmax.f32 v57, $9.999999820e-15;
	v26 =	vmul.f32 v58, v21  }
0x463: {  	v38 =	vld.idx.msk [tilespmem:v31+s31+$0x0], $0xffff;
	v12 =	vmul.f32 v61, v21;
	v34 =	vadd.f32 $-3.575458750e-02, v46;
	v62 =	vtrunc.f32 v22  }
0x464: {  	v51 =	vnsel vm11, $0x0, v48;
	v25 =	vshrl.u32 v19, $0x1;
	v23 =	vcvt.f32.s32 v62  }
0x465: {  	v49 =	vld.idx.msk [tilespmem:v31+s23+$0x0], $0xffff;
	v63 =	vmul.f32 $5.000000000e-01, v19;
	v25 =	vsub.s32 $0x5F3759DF, v25;
	v12 =	vadd.f32 v12, v41  }
0x466: {  	v53 =	vmul.f32 v34, v14;
	v26 =	vadd.f32 v26, v45;
	v44 =	vadd.s32 $0xFFFFFFFF, v23  }
0x467: {  	v52 =	vld.idx.msk [tilespmem:v31+s17+$0x0], $0xffff;
	v24 =	vadd.f32 v24, v47;
	v43 =	vmul.f32 v25, v63;
	vm10 =	vgt.s32 v44, $0x0  }
0x468: {  	v54 =	vld.idx.msk [tilespmem:v31+s25+$0x0], $0xffff;
	v27 =	vadd.f32 v59, v38;
	v12 =	vmul.f32 v12, v21;
	v32 =	vnsel vm10, $0x0, v44  }
0x469: {  	v55 =	vld.idx.msk [tilespmem:v31+s22+$0x0], $0xffff;
	v26 =	vmul.f32 v26, v21;
	v30 =	vmul.f32 v25, v43;
	v50 =	vmin.u32 v32, $0xC  }
0x46a: {  	v56 =	vld.idx.msk [tilespmem:v31+s30+$0x0], $0xffff;
	v24 =	vmul.f32 v24, v21;
	v37 =	vadd.f32 v12, v49;
	v18 =	vmul.u32 $0x9, v50  }
0x46b: {  	v57 =	vld.idx.msk [tilespmem:v31+s3+$0x0], $0xffff;
	v27 =	vmul.f32 v27, v21;
	v30 =	vsub.f32 $1.500000000e+00, v30;
	v32 =	vmin.u32 v51, $0x8  }
0x46c: {  	v26 =	vadd.f32 v26, v52;
	v58 =	vmul.f32 v37, v21;
	v18 =	vadd.s32 v32, v18  }
0x46d: {  	v41 =	vcvt.s32.f32 v23;
	v25 =	vmul.f32 v25, v30;
	v12 =	vmul.u32 $0x11, v18  }
0x46e: {  	v59 =	vld.idx.msk [tilespmem:v31+s19+$0x0], $0xffff;
	v26 =	vmul.f32 v26, v21;
	v30 =	vadd.f32 $8.466461300e-02, v53;
	v33 =	vadd.f32 v58, v55  }
0x46f: {  	v31 =	vld.idx.msk [tilespmem:v31+s29+$0x0], $0xffff;
	v24 =	vadd.f32 v24, v54;
	v27 =	vadd.f32 v27, v56;
	v28 =	vmul.f32 v25, v63  }
0x470: {  	v30 =	vmul.f32 v30, v14;
	v18 =	vadd.f32 v26, v57;
	v61 =	vmul.f32 v11, v33;
	v33 =	vld [tilespmem:s2+$0xFFFFFFD0]  }
0x471: {  	v9 =	vadd.f32 v15, v10;
	v24 =	vmul.f32 v24, v21;
	v28 =	vmul.f32 v28, v25  }
0x472: {  	v23 =	vld [tilespmem:s11+$0xFFFFFFE0];
	v21 =	vmul.f32 v27, v21;
	v30 =	vadd.f32 $-2.141239350e-01, v30;
	v18 =	vadd.f32 v61, v18  }
0x473: {  	v10 =	vadd.f32 v17, v16;
	v34 =	vcvt.s32.f32 v20;
	v28 =	vsub.f32 $1.500000000e+00, v28;
	v62 =	vld.idx.msk [tilespmem:v12+s28+$0x0], $0xffff  }
0x474: {  	v37 =	vadd.f32 v21, v31;
	v60 =	vmul.f32 v30, v14;
	v38 =	vmul.f32 v18, v11;
	v63 =	vld.idx.msk [tilespmem:v12+s0+$0x0], $0xffff  }
0x475: {  	v15 =	vsub.f32 v40, v34;
	v25 =	vmul.f32 v28, v25;
	v39 =	vld.idx.msk [tilespmem:v12+s21+$0x0], $0xffff;
	v26 =	vadd.f32 $3.000000000e+00, v33  }
0x476: {  	vm12 =	vge.f32 v14, $1.000000000e+00;
	v28 =	vadd.f32 $1.570787790e+00, v60;
	v40 =	vld.idx.msk [tilespmem:v12+s8+$0x0], $0xffff;
	v17 =	vadd.f32 v38, v37  }
0x477: {  	v19 =	vmul.f32 v25, v19;
	v47 =	vmul.f32 $1.375000000e+00, v26;
	v26 =	vand.u32 $0x7FFFFFFF, v23  }
0x478: {  	v22 =	vsub.f32 v22, v41;
	vm5 =	vlt.f32 v23, $0.0e+00;
	v35 =	vld.idx.msk [tilespmem:v12+s31+$0x0], $0xffff;
	v61 =	vmul.f32 $8.648205540e-03, v26  }
0x479: {  	v21 =	vadd.f32 v24, v59;
	v42 =	vld.idx.msk [tilespmem:v12+s20+$0x0], $0xffff;
	v11 =	vmul.f32 v17, v11;
	v19 =	vmul.f32 v19, v28  }
0x47a: {  	v44 =	vld.idx.msk [tilespmem:v12+s6+$0x0], $0xffff;
	v49 =	vsub.f32 $1.000000000e+00, v26;
	v43 =	vmul.f32 v63, v15;
	v45 =	vmul.f32 v15, v62  }
0x47b: {  	v13 =	vmax.f32 v47, $0.0e+00;
	v18 =	vmul.f32 v39, v15;
	v24 =	vmul.f32 v40, v15  }
0x47c: {  	v55 =	vld.idx.msk [tilespmem:v12+s26+$0x0], $0xffff;
	v13 =	vmin.f32 v13, $1.100000000e+01;
	v28 =	vmax.f32 v49, $9.999999820e-15;
	v41 =	vadd.f32 $-3.575458750e-02, v61  }
0x47d: {  	v19 =	vmul.f32 $4.774648190e+00, v19;
	v50 =	vtrunc.f32 v13;
	v53 =	vshrl.u32 v28, $0x1  }
0x47e: {  	v54 =	vmul.f32 $5.000000000e-01, v28;
	v20 =	vadd.f32 v43, v35;
	v14 =	vadd.f32 v18, v42  }
0x47f: {  	v16 =	vadd.f32 v24, v44;
	v18 =	vcvt.f32.s32 v50;
	v19 =	vsel vm12, $0x0, v19  }
0x480: {  	v52 =	vld.idx.msk [tilespmem:v12+s23+$0x0], $0xffff;
	v30 =	vsub.s32 $0x5F3759DF, v53;
	v44 =	vmul.f32 v41, v26;
	v46 =	vsub.f32 $1.500000000e+01, v19  }
0x481: {  	v27 =	vadd.f32 v45, v55;
	v58 =	vmul.f32 v30, v54;
	v16 =	vmul.f32 v16, v15  }
0x482: {  	v57 =	vld.idx.msk [tilespmem:v12+s17+$0x0], $0xffff;
	v14 =	vmul.f32 v14, v15;
	v20 =	vmul.f32 v20, v15;
	v19 =	vsel vm13, v19, v46  }
0x483: {  	vm4 =	vge.f32 v26, $1.000000000e+00;
	v27 =	vmul.f32 v27, v15;
	v48 =	vtrunc.f32 v19  }
0x484: {  	v60 =	vld.idx.msk [tilespmem:v12+s22+$0x0], $0xffff;
	v56 =	vadd.s32 $0xFFFFFFFF, v18;
	v35 =	vmul.f32 v30, v58;
	v25 =	vcvt.f32.s32 v48  }
0x485: {  	v59 =	vld.idx.msk [tilespmem:v12+s30+$0x0], $0xffff;
	v32 =	vadd.f32 $8.466461300e-02, v44;
	v18 =	vcvt.s32.f32 v18;
	v29 =	vadd.f32 v16, v52  }
0x486: {  	v63 =	vld.idx.msk [tilespmem:v12+s3+$0x0], $0xffff;
	vm15 =	vgt.s32 v56, $0x0;
	v40 =	vsub.f32 $1.500000000e+00, v35;
	v51 =	vadd.s32 $0xFFFFFFFF, v25  }
0x487: {  	v14 =	vadd.f32 v14, v57;
	v29 =	vmul.f32 v29, v15;
	vm14 =	vgt.s32 v51, $0x0  }
0x488: {  	v42 =	vld.idx.msk [tilespmem:v12+s25+$0x0], $0xffff;
	v33 =	vnsel vm15, $0x0, v56;
	v30 =	vmul.f32 v30, v40;
	v24 =	vnsel vm14, $0x0, v51  }
0x489: {  	v14 =	vmul.f32 v14, v15;
	v29 =	vadd.f32 v29, v60;
	v24 =	vmin.u32 v24, $0xC  }
0x48a: {  	v43 =	vld.idx.msk [tilespmem:v12+s29+$0x0], $0xffff;
	v20 =	vadd.f32 v20, v59;
	v31 =	vmul.f32 v30, v54;
	v24 =	vmul.u32 $0x9, v24  }
0x48b: {  	v12 =	vld.idx.msk [tilespmem:v12+s19+$0x0], $0xffff;
	v33 =	vmin.u32 v33, $0x8;
	v14 =	vadd.f32 v14, v63;
	v45 =	vmul.f32 v22, v29  }
0x48c: {  	v32 =	vmul.f32 v32, v26;
	v59 =	vld [tilespmem:s2+$0xFFFFFFE0];
	v31 =	vmul.f32 v31, v30;
	v62 =	vadd.s32 v33, v24  }
0x48d: {  	v27 =	vadd.f32 v27, v42;
	v14 =	vadd.f32 v45, v14;
	v16 =	vmul.u32 $0x11, v62  }
0x48e: {  	v20 =	vmul.f32 v20, v15;
	v48 =	vadd.f32 $-2.141239350e-01, v32;
	v47 =	vsub.f32 $1.500000000e+00, v31;
	v33 =	vld [tilespmem:s11+$0xFFFFFFF0]  }
0x48f: {  	v13 =	vsub.f32 v13, v18;
	v15 =	vmul.f32 v27, v15;
	v14 =	vmul.f32 v14, v22  }
0x490: {  	v20 =	vadd.f32 v20, v43;
	v24 =	vmul.f32 v48, v26;
	v17 =	vmul.f32 v47, v30  }
0x491: {  	v58 =	vcvt.s32.f32 v25;
	v15 =	vadd.f32 v15, v12;
	v25 =	vadd.f32 $3.000000000e+00, v59  }
0x492: {  	v14 =	vadd.f32 v14, v20;
	v24 =	vadd.f32 $1.570787790e+00, v24;
	v17 =	vmul.f32 v17, v28  }
0x493: {  	v12 =	vadd.f32 v11, v21;
	v25 =	vmul.f32 $1.375000000e+00, v25;
	v31 =	vand.u32 $0x7FFFFFFF, v33;
	v46 =	vld.idx.msk [tilespmem:v16+s0+$0x0], $0xffff  }
0x494: {  	v14 =	vmul.f32 v14, v22;
	v17 =	vmul.f32 v17, v24;
	v50 =	vsub.f32 $1.000000000e+00, v31;
	v56 =	vld.idx.msk [tilespmem:v16+s28+$0x0], $0xffff  }
0x495: {  	v40 =	vmax.f32 v25, $0.0e+00;
	vm9 =	vlt.f32 v33, $0.0e+00;
	v61 =	vmul.f32 $8.648205540e-03, v31;
	v36 =	vld.idx.msk [tilespmem:v16+s21+$0x0], $0xffff  }
0x496: {  	v11 =	vadd.f32 v14, v15;
	v17 =	vmul.f32 $4.774648190e+00, v17;
	v48 =	vld.idx.msk [tilespmem:v16+s8+$0x0], $0xffff;
	v52 =	vmax.f32 v50, $9.999999820e-15  }
0x497: {  	v49 =	vld.idx.msk [tilespmem:v16+s31+$0x0], $0xffff;
	v21 =	vadd.f32 $-3.575458750e-02, v61;
	v54 =	vshrl.u32 v52, $0x1;
	v55 =	vmul.f32 $5.000000000e-01, v52  }
0x498: {  	v14 =	vsub.f32 v19, v58;
	v62 =	vld.idx.msk [tilespmem:v16+s26+$0x0], $0xffff;
	v17 =	vsel vm4, $0x0, v17;
	v57 =	vsub.s32 $0x5F3759DF, v54  }
0x499: {  	v35 =	vsub.f32 $1.500000000e+01, v17;
	v37 =	vmul.f32 v21, v31;
	v28 =	vmul.f32 v57, v55  }
0x49a: {  	vm8 =	vge.f32 v31, $1.000000000e+00;
	v21 =	vld [tilespmem:s11+$0x0];
	v51 =	vmul.f32 v46, v13;
	v34 =	vmul.f32 v13, v56  }
0x49b: {  	v23 =	vsel vm5, v17, v35;
	v43 =	vmul.f32 v36, v13;
	v27 =	vmul.f32 v48, v13  }
0x49c: {  	v38 =	vadd.f32 $8.466461300e-02, v37;
	v60 =	vmul.f32 v57, v28;
	v26 =	vtrunc.f32 v23  }
0x49d: {  	v28 =	vmin.f32 v40, $1.100000000e+01;
	v18 =	vadd.f32 v51, v49;
	v17 =	vadd.f32 v34, v62  }
0x49e: {  	v53 =	vld.idx.msk [tilespmem:v16+s30+$0x0], $0xffff;
	v22 =	vcvt.f32.s32 v26;
	v45 =	vtrunc.f32 v28;
	v15 =	vsub.f32 $1.500000000e+00, v60  }
0x49f: {  	v42 =	vmul.f32 v38, v31;
	v30 =	vand.u32 $0x7FFFFFFF, v21;
	v26 =	vcvt.f32.s32 v45  }
0x4a0: {  	v18 =	vmul.f32 v18, v13;
	v44 =	vadd.s32 $0xFFFFFFFF, v22;
	v20 =	vmul.f32 v57, v15  }
0x4a1: {  	v25 =	vadd.f32 $-2.141239350e-01, v42;
	v47 =	vsub.f32 $1.000000000e+00, v30;
	v22 =	vcvt.s32.f32 v22  }
0x4a2: {  	v17 =	vmul.f32 v17, v13;
	vm6 =	vgt.s32 v44, $0x0;
	v29 =	vmul.f32 v20, v55  }
0x4a3: {  	v57 =	vmul.f32 $8.648205540e-03, v30;
	v18 =	vadd.f32 v18, v53;
	v19 =	vnsel vm6, $0x0, v44  }
0x4a4: {  	v63 =	vld.idx.msk [tilespmem:v16+s29+$0x0], $0xffff;
	v46 =	vmul.f32 v25, v31;
	v25 =	vmax.f32 v47, $9.999999820e-15;
	v41 =	vmul.f32 v29, v20  }
0x4a5: {  	v19 =	vmin.u32 v19, $0xC;
	v49 =	vshrl.u32 v25, $0x1;
	v50 =	vmul.f32 $5.000000000e-01, v25  }
0x4a6: {  	v39 =	vld.idx.msk [tilespmem:v16+s20+$0x0], $0xffff;
	v35 =	vadd.f32 $-3.575458750e-02, v57;
	v51 =	vsub.s32 $0x5F3759DF, v49;
	v24 =	vsub.f32 $1.500000000e+00, v41  }
0x4a7: {  	v54 =	vld [tilespmem:s2+$0xFFFFFFF0];
	v18 =	vmul.f32 v18, v13;
	v29 =	vadd.s32 $0xFFFFFFFF, v26;
	v53 =	vmul.f32 v51, v50  }
0x4a8: {  	v19 =	vmul.u32 $0x9, v19;
	vm7 =	vgt.s32 v29, $0x0;
	v20 =	vmul.f32 v24, v20  }
0x4a9: {  	v15 =	vadd.f32 v18, v63;
	v29 =	vnsel vm7, $0x0, v29;
	v56 =	vmul.f32 v51, v53  }
0x4aa: {  	v29 =	vmin.u32 v29, $0x8;
	v24 =	vadd.f32 $1.570787790e+00, v46;
	v20 =	vmul.f32 v20, v52  }
0x4ab: {  	v55 =	vld.idx.msk [tilespmem:v16+s17+$0x0], $0xffff;
	v18 =	vadd.f32 v43, v39;
	v19 =	vadd.s32 v29, v19;
	v29 =	vsub.f32 $1.500000000e+00, v56  }
0x4ac: {  	v60 =	vadd.f32 $3.000000000e+00, v54;
	v61 =	vmul.f32 v35, v30;
	v52 =	vld.idx.msk [tilespmem:v16+s6+$0x0], $0xffff;
	v20 =	vmul.f32 v20, v24  }
0x4ad: {  	v58 =	vld.idx.msk [tilespmem:v16+s23+$0x0], $0xffff;
	vm13 =	vlt.f32 v21, $0.0e+00;
	v18 =	vmul.f32 v18, v13;
	v24 =	vmul.f32 v51, v29  }
0x4ae: {  	v35 =	vld.idx.msk [tilespmem:v16+s25+$0x0], $0xffff;
	v38 =	vmul.u32 $0x11, v19;
	v29 =	vadd.f32 $8.466461300e-02, v61;
	v20 =	vmul.f32 $4.774648190e+00, v20  }
0x4af: {  	vm12 =	vge.f32 v30, $1.000000000e+00;
	v44 =	vmul.f32 $1.375000000e+00, v60;
	v63 =	vld.idx.msk [tilespmem:v16+s22+$0x0], $0xffff;
	v45 =	vmul.f32 v24, v50  }
0x4b0: {  	v19 =	vld.idx.msk [tilespmem:v16+s19+$0x0], $0xffff;
	v62 =	vadd.f32 v18, v55;
	v29 =	vmul.f32 v29, v30;
	v20 =	vsel vm8, $0x0, v20  }
0x4b1: {  	v16 =	vld.idx.msk [tilespmem:v16+s3+$0x0], $0xffff;
	v27 =	vadd.f32 v27, v52;
	v33 =	vmul.f32 v45, v24;
	v59 =	vsub.f32 $1.500000000e+01, v20  }
0x4b2: {  	v26 =	vcvt.s32.f32 v26;
	v46 =	vmul.f32 v62, v13;
	v29 =	vadd.f32 $-2.141239350e-01, v29  }
0x4b3: {  	v56 =	vld [tilespmem:s2+$0x0];
	v27 =	vmul.f32 v27, v13;
	v33 =	vsub.f32 $1.500000000e+00, v33;
	v18 =	vsel vm9, v20, v59  }
0x4b4: {  	v36 =	vld.idx.msk [tilespmem:v38+s19+$0x0], $0xffff;
	v29 =	vmul.f32 v29, v30;
	v20 =	vmax.f32 v44, $0.0e+00;
	v47 =	vtrunc.f32 v18  }
0x4b5: {  	v37 =	vld.idx.msk [tilespmem:v38+s25+$0x0], $0xffff;
	v27 =	vadd.f32 v27, v58;
	v39 =	vmin.f32 v20, $1.100000000e+01;
	v20 =	vcvt.f32.s32 v47  }
0x4b6: {  	v31 =	vld.idx.msk [tilespmem:v38+s26+$0x0], $0xffff;
	v16 =	vadd.f32 v46, v16;
	v24 =	vmul.f32 v33, v24;
	v40 =	vtrunc.f32 v39  }
0x4b7: {  	v48 =	vld.idx.msk [tilespmem:v38+s28+$0x0], $0xffff;
	v27 =	vmul.f32 v27, v13;
	v40 =	vcvt.f32.s32 v40;
	v41 =	vadd.s32 $0xFFFFFFFF, v20  }
0x4b8: {  	v42 =	vld.idx.msk [tilespmem:v38+s29+$0x0], $0xffff;
	v54 =	vadd.f32 $1.570787790e+00, v29;
	v24 =	vmul.f32 v24, v25;
	vm10 =	vgt.s32 v41, $0x0  }
0x4b9: {  	v49 =	vld.idx.msk [tilespmem:v38+s30+$0x0], $0xffff;
	v27 =	vadd.f32 v27, v63;
	v43 =	vadd.s32 $0xFFFFFFFF, v40;
	v52 =	vnsel vm10, $0x0, v41  }
0x4ba: {  	v53 =	vld.idx.msk [tilespmem:v38+s0+$0x0], $0xffff;
	v24 =	vmul.f32 v24, v54;
	vm11 =	vgt.s32 v43, $0x0;
	v55 =	vmin.u32 v52, $0xC  }
0x4bb: {  	v59 =	vld.idx.msk [tilespmem:v38+s21+$0x0], $0xffff;
	v27 =	vmul.f32 v14, v27;
	v43 =	vnsel vm11, $0x0, v43;
	v29 =	vmul.u32 $0x9, v55  }
0x4bc: {  	v26 =	vsub.f32 v28, v26;
	v17 =	vadd.f32 v17, v35;
	v57 =	vld.idx.msk [tilespmem:v38+s8+$0x0], $0xffff;
	v58 =	vmin.u32 v43, $0x8  }
0x4bd: {  	v61 =	vld.idx.msk [tilespmem:v38+s20+$0x0], $0xffff;
	v24 =	vmul.f32 $4.774648190e+00, v24;
	v25 =	vadd.f32 v27, v16;
	v16 =	vadd.s32 v58, v29  }
0x4be: {  	v22 =	vsub.f32 v23, v22;
	v60 =	vld.idx.msk [tilespmem:v38+s6+$0x0], $0xffff;
	v32 =	vmul.f32 v26, v48;
	v16 =	vmul.u32 $0x11, v16  }
0x4bf: {  	v62 =	vadd.f32 $3.000000000e+00, v56;
	v44 =	vld.idx.msk [tilespmem:v38+s31+$0x0], $0xffff;
	v13 =	vmul.f32 v17, v13;
	v24 =	vsel vm12, $0x0, v24  }
0x4c0: {  	v51 =	vld.idx.msk [tilespmem:v38+s17+$0x0], $0xffff;
	v31 =	vadd.f32 v32, v31;
	v28 =	vmul.f32 v59, v26;
	v50 =	vsub.f32 $1.500000000e+01, v24  }
0x4c1: {  	v63 =	vld.idx.msk [tilespmem:v38+s3+$0x0], $0xffff;
	v13 =	vadd.f32 v13, v19;
	v20 =	vcvt.s32.f32 v20;
	v52 =	vmul.f32 $1.375000000e+00, v62  }
0x4c2: {  	v41 =	vmul.f32 v53, v26;
	v53 =	vld.idx.msk [tilespmem:v38+s23+$0x0], $0xffff;
	v23 =	vadd.f32 v28, v61;
	v24 =	vsel vm13, v24, v50  }
0x4c3: {  	v38 =	vld.idx.msk [tilespmem:v38+s22+$0x0], $0xffff;
	v27 =	vmul.f32 v57, v26;
	v21 =	vmax.f32 v52, $0.0e+00;
	v54 =	vtrunc.f32 v24  }
0x4c4: {  	v41 =	vadd.f32 v41, v44;
	v21 =	vmin.f32 v21, $1.100000000e+01;
	v29 =	vcvt.f32.s32 v54;
	v28 =	vld.idx.msk [tilespmem:v16+s25+$0x0], $0xffff  }
0x4c5: {  	v31 =	vmul.f32 v31, v26;
	v27 =	vadd.f32 v27, v60;
	v56 =	vtrunc.f32 v21;
	v55 =	vld.idx.msk [tilespmem:v16+s26+$0x0], $0xffff  }
0x4c6: {  	v41 =	vmul.f32 v41, v26;
	v43 =	vcvt.f32.s32 v56;
	v46 =	vadd.s32 $0xFFFFFFFF, v29;
	v45 =	vld.idx.msk [tilespmem:v16+s28+$0x0], $0xffff  }
0x4c7: {  	v23 =	vmul.f32 v23, v26;
	v27 =	vmul.f32 v27, v26;
	v30 =	vld.idx.msk [tilespmem:v16+s29+$0x0], $0xffff;
	vm14 =	vgt.s32 v46, $0x0  }
0x4c8: {  	v33 =	vadd.f32 v41, v49;
	v58 =	vadd.s32 $0xFFFFFFFF, v43;
	v41 =	vld.idx.msk [tilespmem:v16+s30+$0x0], $0xffff;
	v57 =	vnsel vm14, $0x0, v46  }
0x4c9: {  	v23 =	vadd.f32 v23, v51;
	vm15 =	vgt.s32 v58, $0x0;
	v47 =	vld.idx.msk [tilespmem:v16+s31+$0x0], $0xffff;
	v44 =	vmin.u32 v57, $0xC  }
0x4ca: {  	v27 =	vadd.f32 v27, v53;
	v48 =	vld.idx.msk [tilespmem:v16+s0+$0x0], $0xffff;
	v46 =	vnsel vm15, $0x0, v58;
	v44 =	vmul.u32 $0x9, v44  }
0x4cb: {  	v31 =	vadd.f32 v31, v37;
	v25 =	vmul.f32 v25, v14;
	v59 =	vld.idx.msk [tilespmem:v16+s8+$0x0], $0xffff;
	v46 =	vmin.u32 v46, $0x8  }
0x4cc: {  	v23 =	vmul.f32 v23, v26;
	v27 =	vmul.f32 v27, v26;
	v61 =	vld.idx.msk [tilespmem:v16+s21+$0x0], $0xffff;
	v44 =	vadd.s32 v46, v44  }
0x4cd: {  	v60 =	vcvt.s32.f32 v40;
	v15 =	vadd.f32 v25, v15;
	v62 =	vld.idx.msk [tilespmem:v16+s6+$0x0], $0xffff;
	v44 =	vmul.u32 $0x11, v44  }
0x4ce: {  	v33 =	vmul.f32 v33, v26;
	v23 =	vadd.f32 v23, v63;
	v63 =	vld.idx.msk [tilespmem:v16+s20+$0x0], $0xffff;
	v27 =	vadd.f32 v27, v38  }
0x4cf: {  	v18 =	vsub.f32 v18, v20;
	v37 =	vmul.f32 v31, v26;
	v14 =	vmul.f32 v15, v14;
	v40 =	vld.idx.msk [tilespmem:v16+s22+$0x0], $0xffff  }
0x4d0: {  	v15 =	vsub.f32 v39, v60;
	v39 =	vadd.f32 v33, v42;
	v42 =	vld.idx.msk [tilespmem:v16+s23+$0x0], $0xffff;
	v27 =	vmul.f32 v22, v27  }
0x4d1: {  	v25 =	vadd.f32 v37, v36;
	v53 =	vcvt.s32.f32 v43;
	v29 =	vcvt.s32.f32 v29;
	v38 =	vld.idx.msk [tilespmem:v16+s3+$0x0], $0xffff  }
0x4d2: {  	v46 =	vld.idx.msk [tilespmem:v16+s17+$0x0], $0xffff;
	v23 =	vadd.f32 v27, v23;
	v45 =	vmul.f32 v15, v45;
	v49 =	vmul.f32 v61, v15  }
0x4d3: {  	v21 =	vsub.f32 v21, v53;
	v34 =	vmul.f32 v59, v15;
	v51 =	vmul.f32 v48, v15;
	v52 =	vld.idx.msk [tilespmem:v44+s8+$0x0], $0xffff  }
0x4d4: {  	v23 =	vmul.f32 v23, v22;
	v32 =	vadd.f32 v45, v55;
	v17 =	vadd.f32 v49, v63;
	v54 =	vld.idx.msk [tilespmem:v44+s21+$0x0], $0xffff  }
0x4d5: {  	v27 =	vadd.f32 v34, v62;
	v33 =	vadd.f32 v51, v47;
	v51 =	vmax.f32 v6, $-5.000000000e-01;
	v55 =	vld.idx.msk [tilespmem:v44+s6+$0x0], $0xffff  }
0x4d6: {  	[tilespmem:s1+$0xFFFFFF40] =	vst v2;
	v24 =	vsub.f32 v24, v29;
	v2 =	vmin.f32 v51, $5.000000000e-01;
	v17 =	vmul.f32 v17, v15;
	v50 =	vld.idx.msk [tilespmem:v44+s28+$0x0], $0xffff  }
0x4d7: {  	v23 =	vadd.f32 v23, v39;
	v32 =	vmul.f32 v32, v15;
	v27 =	vmul.f32 v27, v15;
	v58 =	vld.idx.msk [tilespmem:v44+s20+$0x0], $0xffff  }
0x4d8: {  	v57 =	vmul.f32 v33, v15;
	v17 =	vadd.f32 v17, v46;
	v56 =	vld.idx.msk [tilespmem:v44+s0+$0x0], $0xffff;
	v60 =	vmul.f32 v52, v21  }
0x4d9: {  	[tilespmem:s1+$0xFFFFFF60] =	vst v2;
	v2 =	vmax.f32 v10, $-5.000000000e-01;
	v22 =	vmul.f32 v23, v22;
	v28 =	vadd.f32 v32, v28;
	v61 =	vld.idx.msk [tilespmem:v44+s23+$0x0], $0xffff  }
0x4da: {  	v59 =	vld.idx.msk [tilespmem:v44+s31+$0x0], $0xffff;
	v17 =	vmul.f32 v17, v15;
	v26 =	vmul.f32 v54, v21;
	v33 =	vadd.f32 v60, v55  }
0x4db: {  	v19 =	vadd.f32 v27, v42;
	v32 =	vadd.f32 v57, v41;
	v63 =	vld.idx.msk [tilespmem:v44+s17+$0x0], $0xffff;
	v28 =	vmul.f32 v28, v15  }
0x4dc: {  	v62 =	vld.idx.msk [tilespmem:v44+s26+$0x0], $0xffff;
	v17 =	vadd.f32 v17, v38;
	v26 =	vadd.f32 v26, v58;
	v38 =	vmul.f32 v33, v21  }
0x4dd: {  	v2 =	vmin.f32 v2, $5.000000000e-01;
	v39 =	vld.idx.msk [tilespmem:v44+s22+$0x0], $0xffff;
	v19 =	vmul.f32 v19, v15;
	v15 =	vmul.f32 v32, v15  }
0x4de: {  	v37 =	vld.idx.msk [tilespmem:v44+s30+$0x0], $0xffff;
	v23 =	vmul.f32 v56, v21;
	v26 =	vmul.f32 v26, v21;
	v41 =	vadd.f32 v38, v61  }
0x4df: {  	v53 =	vmax.f32 v8, $-5.000000000e-01;
	[tilespmem:s1+$0xFFFFFFA0] =	vst v2;
	v45 =	vld.idx.msk [tilespmem:v44+s3+$0x0], $0xffff;
	v2 =	vadd.f32 v22, v25;
	v15 =	vadd.f32 v15, v30  }
0x4e0: {  	v20 =	vadd.f32 v23, v59;
	v26 =	vadd.f32 v26, v63;
	v30 =	vmul.f32 v41, v21  }
0x4e1: {  	v19 =	vadd.f32 v19, v40;
	v2 =	vmax.f32 v2, $-5.000000000e-01;
	v40 =	vmul.f32 v21, v50  }
0x4e2: {  	v42 =	vld.idx.msk [tilespmem:v44+s25+$0x0], $0xffff;
	v20 =	vmul.f32 v20, v21;
	v26 =	vmul.f32 v26, v21;
	v23 =	vadd.f32 v30, v39  }
0x4e3: {  	v46 =	vld.idx.msk [tilespmem:v44+s29+$0x0], $0xffff;
	v2 =	vmin.f32 v2, $5.000000000e-01;
	v19 =	vmul.f32 v18, v19;
	v43 =	vadd.f32 v40, v62  }
0x4e4: {  	v20 =	vadd.f32 v20, v37;
	v49 =	vadd.f32 v26, v45;
	v23 =	vmul.f32 v24, v23  }
0x4e5: {  	[tilespmem:s1+$0xFFFFFF10] =	vst v1;
	v50 =	vmax.f32 v5, $-5.000000000e-01;
	v52 =	vmax.f32 v7, $-5.000000000e-01;
	v17 =	vadd.f32 v19, v17  }
0x4e6: {  	v54 =	vld.idx.msk [tilespmem:v16+s19+$0x0], $0xffff;
	v19 =	vmul.f32 v43, v21;
	v48 =	vmul.f32 v20, v21;
	v1 =	vadd.f32 v23, v49  }
0x4e7: {  	v57 =	vld.idx.msk [tilespmem:v44+s19+$0x0], $0xffff;
	v56 =	vmax.f32 v9, $-5.000000000e-01;
	v3 =	vmin.f32 v50, $5.000000000e-01;
	v17 =	vmul.f32 v17, v18  }
0x4e8: {  	v47 =	vadd.f32 v19, v42;
	v19 =	vadd.f32 v48, v46;
	v1 =	vmul.f32 v1, v24  }
0x4e9: {  	[tilespmem:s1+$0xFFFFFF50] =	vst v3;
	v3 =	vmin.f32 v52, $5.000000000e-01;
	v55 =	vmin.f32 v53, $5.000000000e-01;
	v15 =	vadd.f32 v17, v15  }
0x4ea: {  	[tilespmem:s1+$0xFFFFFF70] =	vst v3;
	v3 =	vmin.f32 v56, $5.000000000e-01;
	v61 =	vmul.f32 v47, v21;
	v1 =	vadd.f32 v1, v19  }
0x4eb: {  	[tilespmem:s1+$0xFFFFFF90] =	vst v3;
	v3 =	vadd.f32 v14, v13;
	v6 =	vadd.f32 v28, v54;
	v62 =	vmul.f32 v15, v18  }
0x4ec: {  	s9 =	sadd.s32 $0x10, s9;
	[tilespmem:s1+$0xFFFFFFE0] =	vst v2;
	v58 =	vmax.f32 v12, $-5.000000000e-01;
	v7 =	vadd.f32 v61, v57;
	v1 =	vmul.f32 v1, v24  }
0x4ed: {  	p1 =	slt.u32 s9, $0x1F0;
	v59 =	vmin.f32 v58, $5.000000000e-01;
	[tilespmem:s1+$0xFFFFFF80] =	vst v55;
	v3 =	vmax.f32 v3, $-5.000000000e-01;
	v63 =	vadd.f32 v62, v6  }
.Ltmp5:
0x4ee: {  	v60 =	vmax.f32 v11, $-5.000000000e-01;
	[tilespmem:s1+$0xFFFFFFB0] =	vst v59;
	v3 =	vmin.f32 v3, $5.000000000e-01;
	v1 =	vadd.f32 v1, v7;
	(pc) =	sbr.rel @p1 .LBB2_13-.Ltmp5, $4  }
0x4ef: {  	v4 =	vmin.f32 v60, $5.000000000e-01;
	[tilespmem:s1+$0xFFFFFFD0] =	vst v3;
	v3 =	vmax.f32 v63, $-5.000000000e-01  }
0x4f0: {  	[tilespmem:s1+$0xFFFFFFC0] =	vst v4;
	v2 =	vmin.f32 v3, $5.000000000e-01;
	v1 =	vmax.f32 v1, $-5.000000000e-01  }
0x4f1: {  	[tilespmem:s1+$0xFFFFFFF0] =	vst v2;
	v1 =	vmin.f32 v1, $5.000000000e-01  }
0x4f2: {  	s11 =	sadd.s32 $0x100, s11;
	s2 =	sadd.s32 $0x100, s2;
	[tilespmem:s1+$0x0] =	vst v1;
	s1 =	sadd.s32 $0x100, s1  }
0x4f3: {  	s1 =	sadd.s32 @!p0 s16, s14  }
0x4f4: {  	s1 =	sshrl.u32 @!p0 s1, $0x3  }
0x4f5: {  	s9 =	simm.s32 @!p0 $0x0;
	s11 =	simm.s32 @!p0 $0x6900;
	s2 =	sadd.s32 @!p0 s5, s1  }
0x4f6: {  	[tilespmem:s11], [sflag:$0x2] =	stream.linear.gather @!p0 [hbm4b:s2+s9], $0x2000, $0x38;
	[tilespmem:$0x10900] =	vst v63  }
0x4f7: {  	s15 =	sadd.s32 $0x1, s15;
	s1 =	sadd.s32 @!p0 s13, s1;
	s2 =	simm.s32 @!p0 $0xA900  }
0x4f8: {  	[tilespmem:s2], [sflag:$0x2] =	stream.linear.gather @!p0 [hbm4b:s1+s9], $0x2000, $0x38;
	[tilespmem:$0x10900] =	vst v63  }
0x4f9: {  	p0 =	sne.s32 s15, $0x8  }
.Ltmp6:
0x4fa: {  	_ = 	snop;
	(pc) =	sbr.rel @p0 .LBB2_10-.Ltmp6, $4  }
0x4fb: {  	s11 =	rddreg [dreg:$0x2]  }
0x4fc: {  	s1 =	sadd.s32 s12, s11  }
0x4fd: {  	s16 =	simm.s32 $0xE900;
	s1 =	sadd.s32 $0x400, s1  }
0x4fe: {  	[hbm4b:s1+s4] =	stream.linear.scatter [tilespmem:s16], [sflag:$0x4], $0x2000, $0x38;
	[tilespmem:$0x10900] =	vst v63  }
0x4ff: {  	s1 =	simm.s32 $0x3  }
0x500: {  	_ =	swait.ge [sflag:s1], $0x2000  }
0x501: {  	[sflag:s1] =	ssyncset.done $0x0  }
0x502: {  	s2 =	simm.s32 $0x4;
	[sflag:s1] =	ssyncadd.s32 $0xFFFFE000  }
0x503: {  	_ =	swait.ge [sflag:s2], $0x2000  }
0x504: {  	s9 =	rddreg [dreg:$0xc]  }
0x505: {  	s16 =	rddreg [dreg:$0xb];
	s9 =	sadd.s32 $0x1, s9  }
0x506: {  	p0 =	sne.s32 s9, s16  }
.Ltmp7:
0x507: {  	_ = 	snop;
	(pc) =	sbr.rel @p0 .LBB2_1-.Ltmp7, $4  }
.Ltmp8:
0x508: {  	_ = 	snop;
	(pc) =	sbr.rel @!p0 .LBB2_16-.Ltmp8, $4  }
0x509: {  	_ = 	snop  }
0x50a: {  	[sflag:s2] =	ssyncset.done $0x0  }
0x50b: {  	[sflag:s2] =	ssyncadd.s32 $0xFFFFE000  }
0x50c: {  	_ = 	snop  }
.LBB2_4:
.Ltmp9:
0x50d: {  	(pc) =	sbr.rel .LBB2_9-.Ltmp9, $2  }
0x50e: {  	_ =	sdelay $0x2  }
0x50f: {  	_ = 	snop  }
.LBB2_6:
.Ltmp10:
0x510: {  	(pc) =	sbr.rel .LBB2_9-.Ltmp10, $2  }
0x511: {  	_ =	sdelay $0x2  }
0x512: {  	s1 =	simm.s32 $0x10  }
.LBB2_16:
0x513: {  	_ =	sfence.sel $0x180000  }
0x514: {  	[bflag:$0x0] =	sbarrier.arrive $0xFFFF  }
0x515: {  	_ =	strace $0x90000047  }
0x516: {  	s0 =	stileid.u32;
	[bflag:$0x2] =	sbarrier.arrive $0xFFFF  }
0x517: {  	p0 =	sne.s32 s0, $0x0;
	s0 =	rddreg [dreg:$0x3]  }
0x518: {  	s0 =	sadd.s32 @!p0 $0x100000, s0  }
0x519: {  	[sflag:s0] =	ssyncadd.tile.s32 @!p0 $0x1;
	_ =	shalt  }
.Lfunc_end2:
_tile_overlayer_lowered:
.L_overlay_start_2:
0x51a: {  	(tag) =	ssettag $0x2  }
0x51b: {  	s0 =	rddreg [dreg:$0x0];
	s2 =	stileid.u32  }
0x51c: {  	s1 =	rddreg [dreg:$0x1];
	p0 =	sne.s32 s2, $0x0  }
0x51d: {  	s3 =	rddreg [dreg:$0x2];
	[bflag:$0x3] =	sbarrier.arrive $0xFFFF;
	s2 =	simm.s32 @!p0 $0x1C05  }
0x51e: {  	[timem:s3], [sflag:s2] =	dma.local @!p0 [hbm:s0], s1  }
0x51f: {  	s0 =	simm.s32 @!p0 $0x5  }
0x520: {  	_ =	swait.ge @!p0 [sflag:s0], s1  }
0x521: {  	s1 =	ssub.s32 @!p0 $0x0, s1;
	[sflag:s0] =	ssyncset.done @!p0 $0x0  }
0x522: {  	[sflag:s0] =	ssyncadd.s32 @!p0 s1  }
0x523: {  	[bflag:$0x3] =	sbarrier.arrive $0xFFFF  }
0x524: {  	_ =	shalt  }

</sc_bundles>
